<compile_context>
chip_gen: v7x
topology: tpu7x:2x2x1
jax: 0.10.2.dev20260603
libtpu: 0.0.44.dev20260713+nightly
codegen_flags: <defaults>
</compile_context>

<pallas_src>
import jax
import jax.numpy as jnp
from jax import lax
from jax.experimental import pallas as pl
from jax.experimental.pallas import tpu as pltpu
from jax.experimental.pallas import tpu_sc as plsc

_N_NODES = 10000
_N_EDGES = 320000
_D = 128
_NW = 32
_EPW = _N_EDGES // _NW
_C = 80
_NCHUNK = _EPW // _C
_NS = 4
_NTRIP = -(-_NCHUNK // _NS)
_L = 16


def _sc_body(px_hbm, ind_i_hbm, ind_j_hbm, wi_hbm, wj_hbm, out_hbm,
             idx_i_all, idx_j_all, bufs_flat, wi_v, wj_v, gsem, osem):
    wid = lax.axis_index("s") * 2 + lax.axis_index("c")

    pltpu.sync_copy(ind_i_hbm.at[wid], idx_i_all)
    pltpu.sync_copy(ind_j_hbm.at[wid], idx_j_all)
    pltpu.sync_copy(wi_hbm, wi_v)
    pltpu.sync_copy(wj_hbm, wj_v)
    wiv = [wi_v[pl.ds(d * _L, _L)] for d in range(_D // _L)]
    wjv = [wj_v[pl.ds(d * _L, _L)] for d in range(_D // _L)]

    base = wid * _EPW
    bufs = tuple((bufs_flat[2 * s], bufs_flat[2 * s + 1]) for s in range(_NS))

    def fire_gather(k, s):
        pltpu.async_copy(px_hbm.at[idx_i_all.at[k]], bufs[s][0], gsem[s])
        pltpu.async_copy(px_hbm.at[idx_j_all.at[k]], bufs[s][1], gsem[s])

    def wait_gather(s):
        pltpu.make_async_copy(px_hbm.at[pl.ds(0, _C)], bufs[s][0], gsem[s]).wait()
        pltpu.make_async_copy(px_hbm.at[pl.ds(0, _C)], bufs[s][1], gsem[s]).wait()

    def compute(s):
        bi, bj = bufs[s]

        @plsc.parallel_loop(0, _C, unroll=4)
        def _(e):
            for d in range(_D // _L):
                sl = pl.ds(d * _L, _L)
                bi[e, sl] = wiv[d] * bi[e, sl] + wjv[d] * bj[e, sl]

    def fire_out(k, s):
        pltpu.async_copy(bufs[s][0], out_hbm.at[pl.ds(base + k * _C, _C)], osem[s])

    def wait_out(s):
        pltpu.make_async_copy(bufs[s][0], out_hbm.at[pl.ds(0, _C)], osem[s]).wait()

    for k in range(_NS - 1):
        fire_gather(k, k)

    def trip_body(g, carry):
        c0 = _NS * g
        for s in range(_NS):
            c = c0 + s
            sp = (s + _NS - 1) % _NS

            @pl.when(c + _NS - 1 < _NCHUNK)
            def _():
                @pl.when(c >= 1)
                def _():
                    wait_out(sp)

                fire_gather(c + _NS - 1, sp)

            @pl.when(c < _NCHUNK)
            def _():
                wait_gather(s)
                compute(s)
                fire_out(c, s)
        return carry

    lax.fori_loop(0, _NTRIP, trip_body, 0)

    for s in range(_NS):
        wait_out(s)


_pix_sc = pl.kernel(
    _sc_body,
    out_type=jax.ShapeDtypeStruct((_N_EDGES, _D), jnp.float32),
    mesh=plsc.VectorSubcoreMesh(core_axis_name="c", subcore_axis_name="s"),
    scratch_types=(
        [pltpu.VMEM((_NCHUNK, _C), jnp.int32)] * 2
        + [[pltpu.VMEM((_C, _D), jnp.float32)] * (2 * _NS)]
        + [pltpu.VMEM((_D,), jnp.float32)] * 2
        + [[pltpu.SemaphoreType.DMA] * _NS]
        + [[pltpu.SemaphoreType.DMA] * _NS]
    ),
)


@jax.jit
def kernel(px, ind_2, wi, wj):
    ind_i = ind_2[:, 0].reshape(_NW, _NCHUNK, _C)
    ind_j = ind_2[:, 1].reshape(_NW, _NCHUNK, _C)
    return _pix_sc(px, ind_i, ind_j, wi, wj)

# --- scband reference (transcript-rebuilt; emitter-appended) ---
"""Pipeline reference for scband-pixlayer-81063212744794 (READ-ONLY COPY).

The authoritative reference and input builder live on the scoring server;
editing this copy changes nothing except your own understanding.
"""

import jax, jax.numpy as jnp
import numpy as np

N_NODES = 10000
N_EDGES = 320000
D_FEAT = 128


def setup_inputs(seed: int = 0) -> dict:
    key = jax.random.key(seed)
    k1, k2, k3, k4 = jax.random.split(key, 4)
    px = jax.random.normal(k1, (N_NODES, D_FEAT), dtype=jnp.float32)
    ind_2 = jax.random.randint(k2, (N_EDGES, 2), 0, N_NODES, dtype=jnp.int32)
    # Learned per-channel weights (torch init is zeros; use small randn so the
    # output / gradients are numerically nontrivial)
    wi = jax.random.normal(k3, (D_FEAT,), dtype=jnp.float32) * 0.1
    wj = jax.random.normal(k4, (D_FEAT,), dtype=jnp.float32) * 0.1
    return {"px": px, "ind_2": ind_2, "wi": wi, "wj": wj}


def reference(px, ind_2, wi, wj):
    # PIXLayer forward (weighted=True):
    #   gather node features for both endpoints of each edge, then
    #   per-channel weighted combination.
    ind_i = ind_2[:, 0]
    ind_j = ind_2[:, 1]
    px_i = jnp.take(px, ind_i, axis=0)
    px_j = jnp.take(px, ind_j, axis=0)
    return wi * px_i + wj * px_j

if __name__ == "__main__":
    import jax
    _d = setup_inputs()
    print(jax.jit(kernel)(*tuple(_d.values())))

</pallas_src>

<mosaic_0001>
#map = affine_map<(d0, d1) -> (0, 0)>
#map1 = affine_map<(d0, d1) -> (0, 0, 0)>
#map2 = affine_map<(d0, d1) -> (0)>
module attributes {stable_mosaic.version = 14 : i64} {
  func.func @_sc_body(%arg0: i32, %arg1: i32, %arg2: memref<10000x128xf32, #tpu.memory_space<hbm>>, %arg3: memref<32x125x80xi32, #tpu.memory_space<hbm>>, %arg4: memref<32x125x80xi32, #tpu.memory_space<hbm>>, %arg5: memref<128xf32, #tpu.memory_space<hbm>>, %arg6: memref<128xf32, #tpu.memory_space<hbm>>, %arg7: memref<320000x128xf32, #tpu.memory_space<hbm>>, %arg8: memref<125x80xi32, #tpu.memory_space<vmem>>, %arg9: memref<125x80xi32, #tpu.memory_space<vmem>>, %arg10: memref<80x128xf32, #tpu.memory_space<vmem>>, %arg11: memref<80x128xf32, #tpu.memory_space<vmem>>, %arg12: memref<80x128xf32, #tpu.memory_space<vmem>>, %arg13: memref<80x128xf32, #tpu.memory_space<vmem>>, %arg14: memref<80x128xf32, #tpu.memory_space<vmem>>, %arg15: memref<80x128xf32, #tpu.memory_space<vmem>>, %arg16: memref<80x128xf32, #tpu.memory_space<vmem>>, %arg17: memref<80x128xf32, #tpu.memory_space<vmem>>, %arg18: memref<128xf32, #tpu.memory_space<vmem>>, %arg19: memref<128xf32, #tpu.memory_space<vmem>>, %arg20: memref<!tpu.dma_semaphore, #tpu.memory_space<semaphore_mem>>, %arg21: memref<!tpu.dma_semaphore, #tpu.memory_space<semaphore_mem>>, %arg22: memref<!tpu.dma_semaphore, #tpu.memory_space<semaphore_mem>>, %arg23: memref<!tpu.dma_semaphore, #tpu.memory_space<semaphore_mem>>, %arg24: memref<!tpu.dma_semaphore, #tpu.memory_space<semaphore_mem>>, %arg25: memref<!tpu.dma_semaphore, #tpu.memory_space<semaphore_mem>>, %arg26: memref<!tpu.dma_semaphore, #tpu.memory_space<semaphore_mem>>, %arg27: memref<!tpu.dma_semaphore, #tpu.memory_space<semaphore_mem>>) attributes {dimension_semantics = [#tpu.dimension_semantics<core_parallel>, #tpu.dimension_semantics<subcore_parallel>], iteration_bounds = array<i64: 2, 16>, scalar_prefetch = 0 : i64, scratch_operands = 20 : i64, tpu.core_type = #tpu.core_type<sc_vector_subcore>, window_params = [{transform_indices = #map}, {transform_indices = #map1}, {transform_indices = #map1}, {transform_indices = #map2}, {transform_indices = #map2}, {transform_indices = #map}]} {
    %mul3A = arith.constant 2 : i32
    %mul3A_0 = arith.muli %arg1, %mul3A : i32
    %add3A = arith.addi %mul3A_0, %arg0 : i32
    "tpu.region"() ({
      %run_scoped3A = tpu.sem_alloc : memref<!tpu.dma_semaphore, #tpu.memory_space<semaphore_mem>>
      %dma_start3A_119 = arith.constant 0 : i32
      %dma_start3A_120 = arith.constant 0 : i32
      %dma_start3A_121 = tpu.memref_slice %arg3[%add3A, %dma_start3A_119, %dma_start3A_120] : memref<32x125x80xi32, #tpu.memory_space<hbm>> -> memref<1x125x80xi32, #tpu.memory_space<hbm>>
      %dma_start3A_122 = tpu.memref_squeeze %dma_start3A_121 : memref<1x125x80xi32, #tpu.memory_space<hbm>> -> memref<125x80xi32, #tpu.memory_space<hbm>>
      %dma_start3A_123 = arith.constant 0 : i32
      %dma_start3A_124 = arith.constant 0 : i32
      %dma_start3A_125 = tpu.memref_slice %arg3[%add3A, %dma_start3A_123, %dma_start3A_124] : memref<32x125x80xi32, #tpu.memory_space<hbm>> -> memref<1x125x80xi32, #tpu.memory_space<hbm>>
      %dma_start3A_126 = tpu.memref_squeeze %dma_start3A_125 : memref<1x125x80xi32, #tpu.memory_space<hbm>> -> memref<125x80xi32, #tpu.memory_space<hbm>>
      tpu.enqueue_dma source(%dma_start3A_126 : memref<125x80xi32, #tpu.memory_space<hbm>>) target(%arg8 : memref<125x80xi32, #tpu.memory_space<vmem>>) target_semaphore(%run_scoped3A : memref<!tpu.dma_semaphore, #tpu.memory_space<semaphore_mem>>)
      %dma_wait3A_127 = arith.constant 0 : i32
      %dma_wait3A_128 = arith.constant 0 : i32
      %dma_wait3A_129 = tpu.memref_slice %arg3[%add3A, %dma_wait3A_127, %dma_wait3A_128] : memref<32x125x80xi32, #tpu.memory_space<hbm>> -> memref<1x125x80xi32, #tpu.memory_space<hbm>>
      %dma_wait3A_130 = tpu.memref_squeeze %dma_wait3A_129 : memref<1x125x80xi32, #tpu.memory_space<hbm>> -> memref<125x80xi32, #tpu.memory_space<hbm>>
      %dma_wait3A_131 = arith.constant 0 : i32
      %dma_wait3A_132 = arith.constant 0 : i32
      %dma_wait3A_133 = tpu.memref_slice %arg3[%add3A, %dma_wait3A_131, %dma_wait3A_132] : memref<32x125x80xi32, #tpu.memory_space<hbm>> -> memref<1x125x80xi32, #tpu.memory_space<hbm>>
      %dma_wait3A_134 = tpu.memref_squeeze %dma_wait3A_133 : memref<1x125x80xi32, #tpu.memory_space<hbm>> -> memref<125x80xi32, #tpu.memory_space<hbm>>
      tpu.wait_dma2 semaphore(%run_scoped3A : memref<!tpu.dma_semaphore, #tpu.memory_space<semaphore_mem>>) src(%dma_wait3A_134 : memref<125x80xi32, #tpu.memory_space<hbm>>) dst(%arg8 : memref<125x80xi32, #tpu.memory_space<vmem>>)
      tpu.yield
    }) : () -> ()
    "tpu.region"() ({
      %run_scoped3A = tpu.sem_alloc : memref<!tpu.dma_semaphore, #tpu.memory_space<semaphore_mem>>
      %dma_start3A_119 = arith.constant 0 : i32
      %dma_start3A_120 = arith.constant 0 : i32
      %dma_start3A_121 = tpu.memref_slice %arg4[%add3A, %dma_start3A_119, %dma_start3A_120] : memref<32x125x80xi32, #tpu.memory_space<hbm>> -> memref<1x125x80xi32, #tpu.memory_space<hbm>>
      %dma_start3A_122 = tpu.memref_squeeze %dma_start3A_121 : memref<1x125x80xi32, #tpu.memory_space<hbm>> -> memref<125x80xi32, #tpu.memory_space<hbm>>
      %dma_start3A_123 = arith.constant 0 : i32
      %dma_start3A_124 = arith.constant 0 : i32
      %dma_start3A_125 = tpu.memref_slice %arg4[%add3A, %dma_start3A_123, %dma_start3A_124] : memref<32x125x80xi32, #tpu.memory_space<hbm>> -> memref<1x125x80xi32, #tpu.memory_space<hbm>>
      %dma_start3A_126 = tpu.memref_squeeze %dma_start3A_125 : memref<1x125x80xi32, #tpu.memory_space<hbm>> -> memref<125x80xi32, #tpu.memory_space<hbm>>
      tpu.enqueue_dma source(%dma_start3A_126 : memref<125x80xi32, #tpu.memory_space<hbm>>) target(%arg9 : memref<125x80xi32, #tpu.memory_space<vmem>>) target_semaphore(%run_scoped3A : memref<!tpu.dma_semaphore, #tpu.memory_space<semaphore_mem>>)
      %dma_wait3A_127 = arith.constant 0 : i32
      %dma_wait3A_128 = arith.constant 0 : i32
      %dma_wait3A_129 = tpu.memref_slice %arg4[%add3A, %dma_wait3A_127, %dma_wait3A_128] : memref<32x125x80xi32, #tpu.memory_space<hbm>> -> memref<1x125x80xi32, #tpu.memory_space<hbm>>
      %dma_wait3A_130 = tpu.memref_squeeze %dma_wait3A_129 : memref<1x125x80xi32, #tpu.memory_space<hbm>> -> memref<125x80xi32, #tpu.memory_space<hbm>>
      %dma_wait3A_131 = arith.constant 0 : i32
      %dma_wait3A_132 = arith.constant 0 : i32
      %dma_wait3A_133 = tpu.memref_slice %arg4[%add3A, %dma_wait3A_131, %dma_wait3A_132] : memref<32x125x80xi32, #tpu.memory_space<hbm>> -> memref<1x125x80xi32, #tpu.memory_space<hbm>>
      %dma_wait3A_134 = tpu.memref_squeeze %dma_wait3A_133 : memref<1x125x80xi32, #tpu.memory_space<hbm>> -> memref<125x80xi32, #tpu.memory_space<hbm>>
      tpu.wait_dma2 semaphore(%run_scoped3A : memref<!tpu.dma_semaphore, #tpu.memory_space<semaphore_mem>>) src(%dma_wait3A_134 : memref<125x80xi32, #tpu.memory_space<hbm>>) dst(%arg9 : memref<125x80xi32, #tpu.memory_space<vmem>>)
      tpu.yield
    }) : () -> ()
    "tpu.region"() ({
      %run_scoped3A = tpu.sem_alloc : memref<!tpu.dma_semaphore, #tpu.memory_space<semaphore_mem>>
      tpu.enqueue_dma source(%arg5 : memref<128xf32, #tpu.memory_space<hbm>>) target(%arg18 : memref<128xf32, #tpu.memory_space<vmem>>) target_semaphore(%run_scoped3A : memref<!tpu.dma_semaphore, #tpu.memory_space<semaphore_mem>>)
      tpu.wait_dma2 semaphore(%run_scoped3A : memref<!tpu.dma_semaphore, #tpu.memory_space<semaphore_mem>>) src(%arg5 : memref<128xf32, #tpu.memory_space<hbm>>) dst(%arg18 : memref<128xf32, #tpu.memory_space<vmem>>)
      tpu.yield
    }) : () -> ()
    "tpu.region"() ({
      %run_scoped3A = tpu.sem_alloc : memref<!tpu.dma_semaphore, #tpu.memory_space<semaphore_mem>>
      tpu.enqueue_dma source(%arg6 : memref<128xf32, #tpu.memory_space<hbm>>) target(%arg19 : memref<128xf32, #tpu.memory_space<vmem>>) target_semaphore(%run_scoped3A : memref<!tpu.dma_semaphore, #tpu.memory_space<semaphore_mem>>)
      tpu.wait_dma2 semaphore(%run_scoped3A : memref<!tpu.dma_semaphore, #tpu.memory_space<semaphore_mem>>) src(%arg6 : memref<128xf32, #tpu.memory_space<hbm>>) dst(%arg19 : memref<128xf32, #tpu.memory_space<vmem>>)
      tpu.yield
    }) : () -> ()
    %get3A = arith.constant 0 : index
    %get3A_1 = tpu.vector_load %arg18[%get3A] {strides = array<i32>} : memref<128xf32, #tpu.memory_space<vmem>>, vector<16xf32>,
    %get3A_2 = vector.shape_cast %get3A_1 : vector<16xf32> to vector<16xf32>
    %get3A_3 = arith.constant 16 : index
    %get3A_4 = tpu.vector_load %arg18[%get3A_3] {strides = array<i32>} : memref<128xf32, #tpu.memory_space<vmem>>, vector<16xf32>,
    %get3A_5 = vector.shape_cast %get3A_4 : vector<16xf32> to vector<16xf32>
    %get3A_6 = arith.constant 32 : index
    %get3A_7 = tpu.vector_load %arg18[%get3A_6] {strides = array<i32>} : memref<128xf32, #tpu.memory_space<vmem>>, vector<16xf32>,
    %get3A_8 = vector.shape_cast %get3A_7 : vector<16xf32> to vector<16xf32>
    %get3A_9 = arith.constant 48 : index
    %get3A_10 = tpu.vector_load %arg18[%get3A_9] {strides = array<i32>} : memref<128xf32, #tpu.memory_space<vmem>>, vector<16xf32>,
    %get3A_11 = vector.shape_cast %get3A_10 : vector<16xf32> to vector<16xf32>
    %get3A_12 = arith.constant 64 : index
    %get3A_13 = tpu.vector_load %arg18[%get3A_12] {strides = array<i32>} : memref<128xf32, #tpu.memory_space<vmem>>, vector<16xf32>,
    %get3A_14 = vector.shape_cast %get3A_13 : vector<16xf32> to vector<16xf32>
    %get3A_15 = arith.constant 80 : index
    %get3A_16 = tpu.vector_load %arg18[%get3A_15] {strides = array<i32>} : memref<128xf32, #tpu.memory_space<vmem>>, vector<16xf32>,
    %get3A_17 = vector.shape_cast %get3A_16 : vector<16xf32> to vector<16xf32>
    %get3A_18 = arith.constant 96 : index
    %get3A_19 = tpu.vector_load %arg18[%get3A_18] {strides = array<i32>} : memref<128xf32, #tpu.memory_space<vmem>>, vector<16xf32>,
    %get3A_20 = vector.shape_cast %get3A_19 : vector<16xf32> to vector<16xf32>
    %get3A_21 = arith.constant 112 : index
    %get3A_22 = tpu.vector_load %arg18[%get3A_21] {strides = array<i32>} : memref<128xf32, #tpu.memory_space<vmem>>, vector<16xf32>,
    %get3A_23 = vector.shape_cast %get3A_22 : vector<16xf32> to vector<16xf32>
    %get3A_24 = arith.constant 0 : index
    %get3A_25 = tpu.vector_load %arg19[%get3A_24] {strides = array<i32>} : memref<128xf32, #tpu.memory_space<vmem>>, vector<16xf32>,
    %get3A_26 = vector.shape_cast %get3A_25 : vector<16xf32> to vector<16xf32>
    %get3A_27 = arith.constant 16 : index
    %get3A_28 = tpu.vector_load %arg19[%get3A_27] {strides = array<i32>} : memref<128xf32, #tpu.memory_space<vmem>>, vector<16xf32>,
    %get3A_29 = vector.shape_cast %get3A_28 : vector<16xf32> to vector<16xf32>
    %get3A_30 = arith.constant 32 : index
    %get3A_31 = tpu.vector_load %arg19[%get3A_30] {strides = array<i32>} : memref<128xf32, #tpu.memory_space<vmem>>, vector<16xf32>,
    %get3A_32 = vector.shape_cast %get3A_31 : vector<16xf32> to vector<16xf32>
    %get3A_33 = arith.constant 48 : index
    %get3A_34 = tpu.vector_load %arg19[%get3A_33] {strides = array<i32>} : memref<128xf32, #tpu.memory_space<vmem>>, vector<16xf32>,
    %get3A_35 = vector.shape_cast %get3A_34 : vector<16xf32> to vector<16xf32>
    %get3A_36 = arith.constant 64 : index
    %get3A_37 = tpu.vector_load %arg19[%get3A_36] {strides = array<i32>} : memref<128xf32, #tpu.memory_space<vmem>>, vector<16xf32>,
    %get3A_38 = vector.shape_cast %get3A_37 : vector<16xf32> to vector<16xf32>
    %get3A_39 = arith.constant 80 : index
    %get3A_40 = tpu.vector_load %arg19[%get3A_39] {strides = array<i32>} : memref<128xf32, #tpu.memory_space<vmem>>, vector<16xf32>,
    %get3A_41 = vector.shape_cast %get3A_40 : vector<16xf32> to vector<16xf32>
    %get3A_42 = arith.constant 96 : index
    %get3A_43 = tpu.vector_load %arg19[%get3A_42] {strides = array<i32>} : memref<128xf32, #tpu.memory_space<vmem>>, vector<16xf32>,
    %get3A_44 = vector.shape_cast %get3A_43 : vector<16xf32> to vector<16xf32>
    %get3A_45 = arith.constant 112 : index
    %get3A_46 = tpu.vector_load %arg19[%get3A_45] {strides = array<i32>} : memref<128xf32, #tpu.memory_space<vmem>>, vector<16xf32>,
    %get3A_47 = vector.shape_cast %get3A_46 : vector<16xf32> to vector<16xf32>
    %mul3A_48 = arith.constant 10000 : i32
    %mul3A_49 = arith.muli %add3A, %mul3A_48 : i32
    %dma_start3A = arith.constant 0 : i32
    %dma_start3A_50 = arith.constant 0 : i32
    %dma_start3A_51 = tpu.memref_slice %arg8[%dma_start3A, %dma_start3A_50] : memref<125x80xi32, #tpu.memory_space<vmem>> -> memref<1x80xi32, #tpu.memory_space<vmem>>
    %dma_start3A_52 = tpu.memref_squeeze %dma_start3A_51 : memref<1x80xi32, #tpu.memory_space<vmem>> -> memref<80xi32, #tpu.memory_space<vmem>>
    %dma_start3A_53 = arith.constant 0 : i32
    %dma_start3A_54 = arith.constant 0 : i32
    %dma_start3A_55 = tpu.memref_slice %arg2[%dma_start3A_53, %dma_start3A_54] : memref<10000x128xf32, #tpu.memory_space<hbm>> -> memref<10000x128xf32, #tpu.memory_space<hbm>>
    tpu.enqueue_indirect_dma source(%dma_start3A_55 : memref<10000x128xf32, #tpu.memory_space<hbm>>) target(%arg10 : memref<80x128xf32, #tpu.memory_space<vmem>>) offsets(%dma_start3A_52 : memref<80xi32, #tpu.memory_space<vmem>>) semaphore(%arg20 : memref<!tpu.dma_semaphore, #tpu.memory_space<semaphore_mem>>)
    %dma_start3A_56 = arith.constant 0 : i32
    %dma_start3A_57 = arith.constant 0 : i32
    %dma_start3A_58 = tpu.memref_slice %arg9[%dma_start3A_56, %dma_start3A_57] : memref<125x80xi32, #tpu.memory_space<vmem>> -> memref<1x80xi32, #tpu.memory_space<vmem>>
    %dma_start3A_59 = tpu.memref_squeeze %dma_start3A_58 : memref<1x80xi32, #tpu.memory_space<vmem>> -> memref<80xi32, #tpu.memory_space<vmem>>
    %dma_start3A_60 = arith.constant 0 : i32
    %dma_start3A_61 = arith.constant 0 : i32
    %dma_start3A_62 = tpu.memref_slice %arg2[%dma_start3A_60, %dma_start3A_61] : memref<10000x128xf32, #tpu.memory_space<hbm>> -> memref<10000x128xf32, #tpu.memory_space<hbm>>
    tpu.enqueue_indirect_dma source(%dma_start3A_62 : memref<10000x128xf32, #tpu.memory_space<hbm>>) target(%arg11 : memref<80x128xf32, #tpu.memory_space<vmem>>) offsets(%dma_start3A_59 : memref<80xi32, #tpu.memory_space<vmem>>) semaphore(%arg20 : memref<!tpu.dma_semaphore, #tpu.memory_space<semaphore_mem>>)
    %dma_start3A_63 = arith.constant 1 : i32
    %dma_start3A_64 = arith.constant 0 : i32
    %dma_start3A_65 = tpu.memref_slice %arg8[%dma_start3A_63, %dma_start3A_64] : memref<125x80xi32, #tpu.memory_space<vmem>> -> memref<1x80xi32, #tpu.memory_space<vmem>>
    %dma_start3A_66 = tpu.memref_squeeze %dma_start3A_65 : memref<1x80xi32, #tpu.memory_space<vmem>> -> memref<80xi32, #tpu.memory_space<vmem>>
    %dma_start3A_67 = arith.constant 0 : i32
    %dma_start3A_68 = arith.constant 0 : i32
    %dma_start3A_69 = tpu.memref_slice %arg2[%dma_start3A_67, %dma_start3A_68] : memref<10000x128xf32, #tpu.memory_space<hbm>> -> memref<10000x128xf32, #tpu.memory_space<hbm>>
    tpu.enqueue_indirect_dma source(%dma_start3A_69 : memref<10000x128xf32, #tpu.memory_space<hbm>>) target(%arg12 : memref<80x128xf32, #tpu.memory_space<vmem>>) offsets(%dma_start3A_66 : memref<80xi32, #tpu.memory_space<vmem>>) semaphore(%arg21 : memref<!tpu.dma_semaphore, #tpu.memory_space<semaphore_mem>>)
    %dma_start3A_70 = arith.constant 1 : i32
    %dma_start3A_71 = arith.constant 0 : i32
    %dma_start3A_72 = tpu.memref_slice %arg9[%dma_start3A_70, %dma_start3A_71] : memref<125x80xi32, #tpu.memory_space<vmem>> -> memref<1x80xi32, #tpu.memory_space<vmem>>
    %dma_start3A_73 = tpu.memref_squeeze %dma_start3A_72 : memref<1x80xi32, #tpu.memory_space<vmem>> -> memref<80xi32, #tpu.memory_space<vmem>>
    %dma_start3A_74 = arith.constant 0 : i32
    %dma_start3A_75 = arith.constant 0 : i32
    %dma_start3A_76 = tpu.memref_slice %arg2[%dma_start3A_74, %dma_start3A_75] : memref<10000x128xf32, #tpu.memory_space<hbm>> -> memref<10000x128xf32, #tpu.memory_space<hbm>>
    tpu.enqueue_indirect_dma source(%dma_start3A_76 : memref<10000x128xf32, #tpu.memory_space<hbm>>) target(%arg13 : memref<80x128xf32, #tpu.memory_space<vmem>>) offsets(%dma_start3A_73 : memref<80xi32, #tpu.memory_space<vmem>>) semaphore(%arg21 : memref<!tpu.dma_semaphore, #tpu.memory_space<semaphore_mem>>)
    %dma_start3A_77 = arith.constant 2 : i32
    %dma_start3A_78 = arith.constant 0 : i32
    %dma_start3A_79 = tpu.memref_slice %arg8[%dma_start3A_77, %dma_start3A_78] : memref<125x80xi32, #tpu.memory_space<vmem>> -> memref<1x80xi32, #tpu.memory_space<vmem>>
    %dma_start3A_80 = tpu.memref_squeeze %dma_start3A_79 : memref<1x80xi32, #tpu.memory_space<vmem>> -> memref<80xi32, #tpu.memory_space<vmem>>
    %dma_start3A_81 = arith.constant 0 : i32
    %dma_start3A_82 = arith.constant 0 : i32
    %dma_start3A_83 = tpu.memref_slice %arg2[%dma_start3A_81, %dma_start3A_82] : memref<10000x128xf32, #tpu.memory_space<hbm>> -> memref<10000x128xf32, #tpu.memory_space<hbm>>
    tpu.enqueue_indirect_dma source(%dma_start3A_83 : memref<10000x128xf32, #tpu.memory_space<hbm>>) target(%arg14 : memref<80x128xf32, #tpu.memory_space<vmem>>) offsets(%dma_start3A_80 : memref<80xi32, #tpu.memory_space<vmem>>) semaphore(%arg22 : memref<!tpu.dma_semaphore, #tpu.memory_space<semaphore_mem>>)
    %dma_start3A_84 = arith.constant 2 : i32
    %dma_start3A_85 = arith.constant 0 : i32
    %dma_start3A_86 = tpu.memref_slice %arg9[%dma_start3A_84, %dma_start3A_85] : memref<125x80xi32, #tpu.memory_space<vmem>> -> memref<1x80xi32, #tpu.memory_space<vmem>>
    %dma_start3A_87 = tpu.memref_squeeze %dma_start3A_86 : memref<1x80xi32, #tpu.memory_space<vmem>> -> memref<80xi32, #tpu.memory_space<vmem>>
    %dma_start3A_88 = arith.constant 0 : i32
    %dma_start3A_89 = arith.constant 0 : i32
    %dma_start3A_90 = tpu.memref_slice %arg2[%dma_start3A_88, %dma_start3A_89] : memref<10000x128xf32, #tpu.memory_space<hbm>> -> memref<10000x128xf32, #tpu.memory_space<hbm>>
    tpu.enqueue_indirect_dma source(%dma_start3A_90 : memref<10000x128xf32, #tpu.memory_space<hbm>>) target(%arg15 : memref<80x128xf32, #tpu.memory_space<vmem>>) offsets(%dma_start3A_87 : memref<80xi32, #tpu.memory_space<vmem>>) semaphore(%arg22 : memref<!tpu.dma_semaphore, #tpu.memory_space<semaphore_mem>>)
    %scan3A = arith.constant 0 : i32
    %scan3A_91 = arith.constant 0 : i32
    %scan3A_92 = arith.constant 32 : i32
    %scan3A_93 = arith.addi %scan3A_91, %scan3A_92 : i32
    %scan3A_94 = arith.constant 1 : i32
    scf.for %scan3A_119 = %scan3A_91 to %scan3A_93 step %scan3A_94  : i32 {
      %mul3A_120 = arith.constant 4 : i32
      %mul3A_121 = arith.muli %mul3A_120, %scan3A_119 : i32
      %add3A_122 = arith.constant 0 : i32
      %add3A_123 = arith.addi %mul3A_121, %add3A_122 : i32
      %add3A_124 = arith.constant 4 : i32
      %add3A_125 = arith.addi %add3A_123, %add3A_124 : i32
      %sub3A = arith.constant 1 : i32
      %sub3A_126 = arith.subi %add3A_125, %sub3A : i32
      %lt3A = arith.constant 125 : i32
      %lt3A_127 = arith.cmpi slt, %sub3A_126, %lt3A : i32
      %convert_element_type3A = arith.extui %lt3A_127 : i1 to i32
      %cond3A = arith.constant 0 : i32
      %cond3A_128 = arith.cmpi ne, %convert_element_type3A, %cond3A : i32
      scf.if %cond3A_128 {
        %ge3A = arith.constant 1 : i32
        %ge3A_182 = arith.cmpi sge, %add3A_123, %ge3A : i32
        %convert_element_type3A_183 = arith.extui %ge3A_182 : i1 to i32
        %cond3A_184 = arith.constant 0 : i32
        %cond3A_185 = arith.cmpi ne, %convert_element_type3A_183, %cond3A_184 : i32
        scf.if %cond3A_185 {
          %dma_wait3A_202 = arith.constant 0 : i32
          %dma_wait3A_203 = arith.constant 0 : i32
          %dma_wait3A_204 = tpu.memref_slice %arg7[%dma_wait3A_202, %dma_wait3A_203] : memref<320000x128xf32, #tpu.memory_space<hbm>> -> memref<80x128xf32, #tpu.memory_space<hbm>>
          %dma_wait3A_205 = arith.constant 0 : i32
          %dma_wait3A_206 = arith.constant 0 : i32
          %dma_wait3A_207 = tpu.memref_slice %arg7[%dma_wait3A_205, %dma_wait3A_206] : memref<320000x128xf32, #tpu.memory_space<hbm>> -> memref<80x128xf32, #tpu.memory_space<hbm>>
          tpu.wait_dma2 semaphore(%arg27 : memref<!tpu.dma_semaphore, #tpu.memory_space<semaphore_mem>>) src(%arg16 : memref<80x128xf32, #tpu.memory_space<vmem>>) dst(%dma_wait3A_207 : memref<80x128xf32, #tpu.memory_space<hbm>>)
        } else {
        }
        %add3A_186 = arith.constant 4 : i32
        %add3A_187 = arith.addi %add3A_123, %add3A_186 : i32
        %sub3A_188 = arith.constant 1 : i32
        %sub3A_189 = arith.subi %add3A_187, %sub3A_188 : i32
        %dma_start3A_190 = arith.constant 0 : i32
        %dma_start3A_191 = tpu.memref_slice %arg8[%sub3A_189, %dma_start3A_190] : memref<125x80xi32, #tpu.memory_space<vmem>> -> memref<1x80xi32, #tpu.memory_space<vmem>>
        %dma_start3A_192 = tpu.memref_squeeze %dma_start3A_191 : memref<1x80xi32, #tpu.memory_space<vmem>> -> memref<80xi32, #tpu.memory_space<vmem>>
        %dma_start3A_193 = arith.constant 0 : i32
        %dma_start3A_194 = arith.constant 0 : i32
        %dma_start3A_195 = tpu.memref_slice %arg2[%dma_start3A_193, %dma_start3A_194] : memref<10000x128xf32, #tpu.memory_space<hbm>> -> memref<10000x128xf32, #tpu.memory_space<hbm>>
        tpu.enqueue_indirect_dma source(%dma_start3A_195 : memref<10000x128xf32, #tpu.memory_space<hbm>>) target(%arg16 : memref<80x128xf32, #tpu.memory_space<vmem>>) offsets(%dma_start3A_192 : memref<80xi32, #tpu.memory_space<vmem>>) semaphore(%arg23 : memref<!tpu.dma_semaphore, #tpu.memory_space<semaphore_mem>>)
        %dma_start3A_196 = arith.constant 0 : i32
        %dma_start3A_197 = tpu.memref_slice %arg9[%sub3A_189, %dma_start3A_196] : memref<125x80xi32, #tpu.memory_space<vmem>> -> memref<1x80xi32, #tpu.memory_space<vmem>>
        %dma_start3A_198 = tpu.memref_squeeze %dma_start3A_197 : memref<1x80xi32, #tpu.memory_space<vmem>> -> memref<80xi32, #tpu.memory_space<vmem>>
        %dma_start3A_199 = arith.constant 0 : i32
        %dma_start3A_200 = arith.constant 0 : i32
        %dma_start3A_201 = tpu.memref_slice %arg2[%dma_start3A_199, %dma_start3A_200] : memref<10000x128xf32, #tpu.memory_space<hbm>> -> memref<10000x128xf32, #tpu.memory_space<hbm>>
        tpu.enqueue_indirect_dma source(%dma_start3A_201 : memref<10000x128xf32, #tpu.memory_space<hbm>>) target(%arg17 : memref<80x128xf32, #tpu.memory_space<vmem>>) offsets(%dma_start3A_198 : memref<80xi32, #tpu.memory_space<vmem>>) semaphore(%arg23 : memref<!tpu.dma_semaphore, #tpu.memory_space<semaphore_mem>>)
      } else {
      }
      %lt3A_129 = arith.constant 125 : i32
      %lt3A_130 = arith.cmpi slt, %add3A_123, %lt3A_129 : i32
      %convert_element_type3A_131 = arith.extui %lt3A_130 : i1 to i32
      %cond3A_132 = arith.constant 0 : i32
      %cond3A_133 = arith.cmpi ne, %convert_element_type3A_131, %cond3A_132 : i32
      scf.if %cond3A_133 {
        %dma_wait3A_182 = arith.constant 0 : i32
        %dma_wait3A_183 = arith.constant 0 : i32
        %dma_wait3A_184 = tpu.memref_slice %arg2[%dma_wait3A_182, %dma_wait3A_183] : memref<10000x128xf32, #tpu.memory_space<hbm>> -> memref<80x128xf32, #tpu.memory_space<hbm>>
        %dma_wait3A_185 = arith.constant 0 : i32
        %dma_wait3A_186 = arith.constant 0 : i32
        %dma_wait3A_187 = tpu.memref_slice %arg2[%dma_wait3A_185, %dma_wait3A_186] : memref<10000x128xf32, #tpu.memory_space<hbm>> -> memref<80x128xf32, #tpu.memory_space<hbm>>
        tpu.wait_dma2 semaphore(%arg20 : memref<!tpu.dma_semaphore, #tpu.memory_space<semaphore_mem>>) src(%dma_wait3A_187 : memref<80x128xf32, #tpu.memory_space<hbm>>) dst(%arg10 : memref<80x128xf32, #tpu.memory_space<vmem>>)
        %dma_wait3A_188 = arith.constant 0 : i32
        %dma_wait3A_189 = arith.constant 0 : i32
        %dma_wait3A_190 = tpu.memref_slice %arg2[%dma_wait3A_188, %dma_wait3A_189] : memref<10000x128xf32, #tpu.memory_space<hbm>> -> memref<80x128xf32, #tpu.memory_space<hbm>>
        %dma_wait3A_191 = arith.constant 0 : i32
        %dma_wait3A_192 = arith.constant 0 : i32
        %dma_wait3A_193 = tpu.memref_slice %arg2[%dma_wait3A_191, %dma_wait3A_192] : memref<10000x128xf32, #tpu.memory_space<hbm>> -> memref<80x128xf32, #tpu.memory_space<hbm>>
        tpu.wait_dma2 semaphore(%arg20 : memref<!tpu.dma_semaphore, #tpu.memory_space<semaphore_mem>>) src(%dma_wait3A_193 : memref<80x128xf32, #tpu.memory_space<hbm>>) dst(%arg11 : memref<80x128xf32, #tpu.memory_space<vmem>>)
        %parallel_loop3A = arith.constant 0 : i32
        %parallel_loop3A_194 = arith.constant 80 : i32
        %parallel_loop3A_195 = arith.constant 1 : i32
        scf.for %parallel_loop3A_203 = %parallel_loop3A to %parallel_loop3A_194 step %parallel_loop3A_195  : i32 {
          %parallel_loop3A_204 = arith.index_cast %parallel_loop3A_203 : i32 to index
          %parallel_loop3A_205 = arith.constant 0 : index
          %parallel_loop3A_206 = tpu.vector_load %arg10[%parallel_loop3A_204, %parallel_loop3A_205] {strides = array<i32>} : memref<80x128xf32, #tpu.memory_space<vmem>>, vector<1x16xf32>,
          %parallel_loop3A_207 = vector.shape_cast %parallel_loop3A_206 : vector<1x16xf32> to vector<16xf32>
          %parallel_loop3A_208 = arith.mulf %get3A_2, %parallel_loop3A_207 : vector<16xf32>
          %parallel_loop3A_209 = arith.index_cast %parallel_loop3A_203 : i32 to index
          %parallel_loop3A_210 = arith.constant 0 : index
          %parallel_loop3A_211 = tpu.vector_load %arg11[%parallel_loop3A_209, %parallel_loop3A_210] {strides = array<i32>} : memref<80x128xf32, #tpu.memory_space<vmem>>, vector<1x16xf32>,
          %parallel_loop3A_212 = vector.shape_cast %parallel_loop3A_211 : vector<1x16xf32> to vector<16xf32>
          %parallel_loop3A_213 = arith.mulf %get3A_26, %parallel_loop3A_212 : vector<16xf32>
          %parallel_loop3A_214 = arith.addf %parallel_loop3A_208, %parallel_loop3A_213 : vector<16xf32>
          %parallel_loop3A_215 = arith.index_cast %parallel_loop3A_203 : i32 to index
          %parallel_loop3A_216 = arith.constant 0 : index
          %parallel_loop3A_217 = tpu.vector_load %arg10[%parallel_loop3A_215, %parallel_loop3A_216] {strides = array<i32>} : memref<80x128xf32, #tpu.memory_space<vmem>>, vector<1x16xf32>,
          %parallel_loop3A_218 = vector.shape_cast %parallel_loop3A_217 : vector<1x16xf32> to vector<16xf32>
          %parallel_loop3A_219 = vector.shape_cast %parallel_loop3A_214 : vector<16xf32> to vector<1x16xf32>
          tpu.vector_store %arg10[%parallel_loop3A_215, %parallel_loop3A_216], %parallel_loop3A_219 {strides = array<i32>} : memref<80x128xf32, #tpu.memory_space<vmem>>, vector<1x16xf32>,
          %parallel_loop3A_220 = arith.index_cast %parallel_loop3A_203 : i32 to index
          %parallel_loop3A_221 = arith.constant 16 : index
          %parallel_loop3A_222 = tpu.vector_load %arg10[%parallel_loop3A_220, %parallel_loop3A_221] {strides = array<i32>} : memref<80x128xf32, #tpu.memory_space<vmem>>, vector<1x16xf32>,
          %parallel_loop3A_223 = vector.shape_cast %parallel_loop3A_222 : vector<1x16xf32> to vector<16xf32>
          %parallel_loop3A_224 = arith.mulf %get3A_5, %parallel_loop3A_223 : vector<16xf32>
          %parallel_loop3A_225 = arith.index_cast %parallel_loop3A_203 : i32 to index
          %parallel_loop3A_226 = arith.constant 16 : index
          %parallel_loop3A_227 = tpu.vector_load %arg11[%parallel_loop3A_225, %parallel_loop3A_226] {strides = array<i32>} : memref<80x128xf32, #tpu.memory_space<vmem>>, vector<1x16xf32>,
          %parallel_loop3A_228 = vector.shape_cast %parallel_loop3A_227 : vector<1x16xf32> to vector<16xf32>
          %parallel_loop3A_229 = arith.mulf %get3A_29, %parallel_loop3A_228 : vector<16xf32>
          %parallel_loop3A_230 = arith.addf %parallel_loop3A_224, %parallel_loop3A_229 : vector<16xf32>
          %parallel_loop3A_231 = arith.index_cast %parallel_loop3A_203 : i32 to index
          %parallel_loop3A_232 = arith.constant 16 : index
          %parallel_loop3A_233 = tpu.vector_load %arg10[%parallel_loop3A_231, %parallel_loop3A_232] {strides = array<i32>} : memref<80x128xf32, #tpu.memory_space<vmem>>, vector<1x16xf32>,
          %parallel_loop3A_234 = vector.shape_cast %parallel_loop3A_233 : vector<1x16xf32> to vector<16xf32>
          %parallel_loop3A_235 = vector.shape_cast %parallel_loop3A_230 : vector<16xf32> to vector<1x16xf32>
          tpu.vector_store %arg10[%parallel_loop3A_231, %parallel_loop3A_232], %parallel_loop3A_235 {strides = array<i32>} : memref<80x128xf32, #tpu.memory_space<vmem>>, vector<1x16xf32>,
          %parallel_loop3A_236 = arith.index_cast %parallel_loop3A_203 : i32 to index
          %parallel_loop3A_237 = arith.constant 32 : index
          %parallel_loop3A_238 = tpu.vector_load %arg10[%parallel_loop3A_236, %parallel_loop3A_237] {strides = array<i32>} : memref<80x128xf32, #tpu.memory_space<vmem>>, vector<1x16xf32>,
          %parallel_loop3A_239 = vector.shape_cast %parallel_loop3A_238 : vector<1x16xf32> to vector<16xf32>
          %parallel_loop3A_240 = arith.mulf %get3A_8, %parallel_loop3A_239 : vector<16xf32>
          %parallel_loop3A_241 = arith.index_cast %parallel_loop3A_203 : i32 to index
          %parallel_loop3A_242 = arith.constant 32 : index
          %parallel_loop3A_243 = tpu.vector_load %arg11[%parallel_loop3A_241, %parallel_loop3A_242] {strides = array<i32>} : memref<80x128xf32, #tpu.memory_space<vmem>>, vector<1x16xf32>,
          %parallel_loop3A_244 = vector.shape_cast %parallel_loop3A_243 : vector<1x16xf32> to vector<16xf32>
          %parallel_loop3A_245 = arith.mulf %get3A_32, %parallel_loop3A_244 : vector<16xf32>
          %parallel_loop3A_246 = arith.addf %parallel_loop3A_240, %parallel_loop3A_245 : vector<16xf32>
          %parallel_loop3A_247 = arith.index_cast %parallel_loop3A_203 : i32 to index
          %parallel_loop3A_248 = arith.constant 32 : index
          %parallel_loop3A_249 = tpu.vector_load %arg10[%parallel_loop3A_247, %parallel_loop3A_248] {strides = array<i32>} : memref<80x128xf32, #tpu.memory_space<vmem>>, vector<1x16xf32>,
          %parallel_loop3A_250 = vector.shape_cast %parallel_loop3A_249 : vector<1x16xf32> to vector<16xf32>
          %parallel_loop3A_251 = vector.shape_cast %parallel_loop3A_246 : vector<16xf32> to vector<1x16xf32>
          tpu.vector_store %arg10[%parallel_loop3A_247, %parallel_loop3A_248], %parallel_loop3A_251 {strides = array<i32>} : memref<80x128xf32, #tpu.memory_space<vmem>>, vector<1x16xf32>,
          %parallel_loop3A_252 = arith.index_cast %parallel_loop3A_203 : i32 to index
          %parallel_loop3A_253 = arith.constant 48 : index
          %parallel_loop3A_254 = tpu.vector_load %arg10[%parallel_loop3A_252, %parallel_loop3A_253] {strides = array<i32>} : memref<80x128xf32, #tpu.memory_space<vmem>>, vector<1x16xf32>,
          %parallel_loop3A_255 = vector.shape_cast %parallel_loop3A_254 : vector<1x16xf32> to vector<16xf32>
          %parallel_loop3A_256 = arith.mulf %get3A_11, %parallel_loop3A_255 : vector<16xf32>
          %parallel_loop3A_257 = arith.index_cast %parallel_loop3A_203 : i32 to index
          %parallel_loop3A_258 = arith.constant 48 : index
          %parallel_loop3A_259 = tpu.vector_load %arg11[%parallel_loop3A_257, %parallel_loop3A_258] {strides = array<i32>} : memref<80x128xf32, #tpu.memory_space<vmem>>, vector<1x16xf32>,
          %parallel_loop3A_260 = vector.shape_cast %parallel_loop3A_259 : vector<1x16xf32> to vector<16xf32>
          %parallel_loop3A_261 = arith.mulf %get3A_35, %parallel_loop3A_260 : vector<16xf32>
          %parallel_loop3A_262 = arith.addf %parallel_loop3A_256, %parallel_loop3A_261 : vector<16xf32>
          %parallel_loop3A_263 = arith.index_cast %parallel_loop3A_203 : i32 to index
          %parallel_loop3A_264 = arith.constant 48 : index
          %parallel_loop3A_265 = tpu.vector_load %arg10[%parallel_loop3A_263, %parallel_loop3A_264] {strides = array<i32>} : memref<80x128xf32, #tpu.memory_space<vmem>>, vector<1x16xf32>,
          %parallel_loop3A_266 = vector.shape_cast %parallel_loop3A_265 : vector<1x16xf32> to vector<16xf32>
          %parallel_loop3A_267 = vector.shape_cast %parallel_loop3A_262 : vector<16xf32> to vector<1x16xf32>
          tpu.vector_store %arg10[%parallel_loop3A_263, %parallel_loop3A_264], %parallel_loop3A_267 {strides = array<i32>} : memref<80x128xf32, #tpu.memory_space<vmem>>, vector<1x16xf32>,
          %parallel_loop3A_268 = arith.index_cast %parallel_loop3A_203 : i32 to index
          %parallel_loop3A_269 = arith.constant 64 : index
          %parallel_loop3A_270 = tpu.vector_load %arg10[%parallel_loop3A_268, %parallel_loop3A_269] {strides = array<i32>} : memref<80x128xf32, #tpu.memory_space<vmem>>, vector<1x16xf32>,
          %parallel_loop3A_271 = vector.shape_cast %parallel_loop3A_270 : vector<1x16xf32> to vector<16xf32>
          %parallel_loop3A_272 = arith.mulf %get3A_14, %parallel_loop3A_271 : vector<16xf32>
          %parallel_loop3A_273 = arith.index_cast %parallel_loop3A_203 : i32 to index
          %parallel_loop3A_274 = arith.constant 64 : index
          %parallel_loop3A_275 = tpu.vector_load %arg11[%parallel_loop3A_273, %parallel_loop3A_274] {strides = array<i32>} : memref<80x128xf32, #tpu.memory_space<vmem>>, vector<1x16xf32>,
          %parallel_loop3A_276 = vector.shape_cast %parallel_loop3A_275 : vector<1x16xf32> to vector<16xf32>
          %parallel_loop3A_277 = arith.mulf %get3A_38, %parallel_loop3A_276 : vector<16xf32>
          %parallel_loop3A_278 = arith.addf %parallel_loop3A_272, %parallel_loop3A_277 : vector<16xf32>
          %parallel_loop3A_279 = arith.index_cast %parallel_loop3A_203 : i32 to index
          %parallel_loop3A_280 = arith.constant 64 : index
          %parallel_loop3A_281 = tpu.vector_load %arg10[%parallel_loop3A_279, %parallel_loop3A_280] {strides = array<i32>} : memref<80x128xf32, #tpu.memory_space<vmem>>, vector<1x16xf32>,
          %parallel_loop3A_282 = vector.shape_cast %parallel_loop3A_281 : vector<1x16xf32> to vector<16xf32>
          %parallel_loop3A_283 = vector.shape_cast %parallel_loop3A_278 : vector<16xf32> to vector<1x16xf32>
          tpu.vector_store %arg10[%parallel_loop3A_279, %parallel_loop3A_280], %parallel_loop3A_283 {strides = array<i32>} : memref<80x128xf32, #tpu.memory_space<vmem>>, vector<1x16xf32>,
          %parallel_loop3A_284 = arith.index_cast %parallel_loop3A_203 : i32 to index
          %parallel_loop3A_285 = arith.constant 80 : index
          %parallel_loop3A_286 = tpu.vector_load %arg10[%parallel_loop3A_284, %parallel_loop3A_285] {strides = array<i32>} : memref<80x128xf32, #tpu.memory_space<vmem>>, vector<1x16xf32>,
          %parallel_loop3A_287 = vector.shape_cast %parallel_loop3A_286 : vector<1x16xf32> to vector<16xf32>
          %parallel_loop3A_288 = arith.mulf %get3A_17, %parallel_loop3A_287 : vector<16xf32>
          %parallel_loop3A_289 = arith.index_cast %parallel_loop3A_203 : i32 to index
          %parallel_loop3A_290 = arith.constant 80 : index
          %parallel_loop3A_291 = tpu.vector_load %arg11[%parallel_loop3A_289, %parallel_loop3A_290] {strides = array<i32>} : memref<80x128xf32, #tpu.memory_space<vmem>>, vector<1x16xf32>,
          %parallel_loop3A_292 = vector.shape_cast %parallel_loop3A_291 : vector<1x16xf32> to vector<16xf32>
          %parallel_loop3A_293 = arith.mulf %get3A_41, %parallel_loop3A_292 : vector<16xf32>
          %parallel_loop3A_294 = arith.addf %parallel_loop3A_288, %parallel_loop3A_293 : vector<16xf32>
          %parallel_loop3A_295 = arith.index_cast %parallel_loop3A_203 : i32 to index
          %parallel_loop3A_296 = arith.constant 80 : index
          %parallel_loop3A_297 = tpu.vector_load %arg10[%parallel_loop3A_295, %parallel_loop3A_296] {strides = array<i32>} : memref<80x128xf32, #tpu.memory_space<vmem>>, vector<1x16xf32>,
          %parallel_loop3A_298 = vector.shape_cast %parallel_loop3A_297 : vector<1x16xf32> to vector<16xf32>
          %parallel_loop3A_299 = vector.shape_cast %parallel_loop3A_294 : vector<16xf32> to vector<1x16xf32>
          tpu.vector_store %arg10[%parallel_loop3A_295, %parallel_loop3A_296], %parallel_loop3A_299 {strides = array<i32>} : memref<80x128xf32, #tpu.memory_space<vmem>>, vector<1x16xf32>,
          %parallel_loop3A_300 = arith.index_cast %parallel_loop3A_203 : i32 to index
          %parallel_loop3A_301 = arith.constant 96 : index
          %parallel_loop3A_302 = tpu.vector_load %arg10[%parallel_loop3A_300, %parallel_loop3A_301] {strides = array<i32>} : memref<80x128xf32, #tpu.memory_space<vmem>>, vector<1x16xf32>,
          %parallel_loop3A_303 = vector.shape_cast %parallel_loop3A_302 : vector<1x16xf32> to vector<16xf32>
          %parallel_loop3A_304 = arith.mulf %get3A_20, %parallel_loop3A_303 : vector<16xf32>
          %parallel_loop3A_305 = arith.index_cast %parallel_loop3A_203 : i32 to index
          %parallel_loop3A_306 = arith.constant 96 : index
          %parallel_loop3A_307 = tpu.vector_load %arg11[%parallel_loop3A_305, %parallel_loop3A_306] {strides = array<i32>} : memref<80x128xf32, #tpu.memory_space<vmem>>, vector<1x16xf32>,
          %parallel_loop3A_308 = vector.shape_cast %parallel_loop3A_307 : vector<1x16xf32> to vector<16xf32>
          %parallel_loop3A_309 = arith.mulf %get3A_44, %parallel_loop3A_308 : vector<16xf32>
          %parallel_loop3A_310 = arith.addf %parallel_loop3A_304, %parallel_loop3A_309 : vector<16xf32>
          %parallel_loop3A_311 = arith.index_cast %parallel_loop3A_203 : i32 to index
          %parallel_loop3A_312 = arith.constant 96 : index
          %parallel_loop3A_313 = tpu.vector_load %arg10[%parallel_loop3A_311, %parallel_loop3A_312] {strides = array<i32>} : memref<80x128xf32, #tpu.memory_space<vmem>>, vector<1x16xf32>,
          %parallel_loop3A_314 = vector.shape_cast %parallel_loop3A_313 : vector<1x16xf32> to vector<16xf32>
          %parallel_loop3A_315 = vector.shape_cast %parallel_loop3A_310 : vector<16xf32> to vector<1x16xf32>
          tpu.vector_store %arg10[%parallel_loop3A_311, %parallel_loop3A_312], %parallel_loop3A_315 {strides = array<i32>} : memref<80x128xf32, #tpu.memory_space<vmem>>, vector<1x16xf32>,
          %parallel_loop3A_316 = arith.index_cast %parallel_loop3A_203 : i32 to index
          %parallel_loop3A_317 = arith.constant 112 : index
          %parallel_loop3A_318 = tpu.vector_load %arg10[%parallel_loop3A_316, %parallel_loop3A_317] {strides = array<i32>} : memref<80x128xf32, #tpu.memory_space<vmem>>, vector<1x16xf32>,
          %parallel_loop3A_319 = vector.shape_cast %parallel_loop3A_318 : vector<1x16xf32> to vector<16xf32>
          %parallel_loop3A_320 = arith.mulf %get3A_23, %parallel_loop3A_319 : vector<16xf32>
          %parallel_loop3A_321 = arith.index_cast %parallel_loop3A_203 : i32 to index
          %parallel_loop3A_322 = arith.constant 112 : index
          %parallel_loop3A_323 = tpu.vector_load %arg11[%parallel_loop3A_321, %parallel_loop3A_322] {strides = array<i32>} : memref<80x128xf32, #tpu.memory_space<vmem>>, vector<1x16xf32>,
          %parallel_loop3A_324 = vector.shape_cast %parallel_loop3A_323 : vector<1x16xf32> to vector<16xf32>
          %parallel_loop3A_325 = arith.mulf %get3A_47, %parallel_loop3A_324 : vector<16xf32>
          %parallel_loop3A_326 = arith.addf %parallel_loop3A_320, %parallel_loop3A_325 : vector<16xf32>
          %parallel_loop3A_327 = arith.index_cast %parallel_loop3A_203 : i32 to index
          %parallel_loop3A_328 = arith.constant 112 : index
          %parallel_loop3A_329 = tpu.vector_load %arg10[%parallel_loop3A_327, %parallel_loop3A_328] {strides = array<i32>} : memref<80x128xf32, #tpu.memory_space<vmem>>, vector<1x16xf32>,
          %parallel_loop3A_330 = vector.shape_cast %parallel_loop3A_329 : vector<1x16xf32> to vector<16xf32>
          %parallel_loop3A_331 = vector.shape_cast %parallel_loop3A_326 : vector<16xf32> to vector<1x16xf32>
          tpu.vector_store %arg10[%parallel_loop3A_327, %parallel_loop3A_328], %parallel_loop3A_331 {strides = array<i32>} : memref<80x128xf32, #tpu.memory_space<vmem>>, vector<1x16xf32>,
        } {sc.loop_unroll_factor = 4 : i64, sc.parallel_access}
        %mul3A_196 = arith.constant 80 : i32
        %mul3A_197 = arith.muli %add3A_123, %mul3A_196 : i32
        %add3A_198 = arith.addi %mul3A_49, %mul3A_197 : i32
        %dma_start3A_199 = arith.constant 0 : i32
        %dma_start3A_200 = tpu.memref_slice %arg7[%add3A_198, %dma_start3A_199] : memref<320000x128xf32, #tpu.memory_space<hbm>> -> memref<80x128xf32, #tpu.memory_space<hbm>>
        %dma_start3A_201 = arith.constant 0 : i32
        %dma_start3A_202 = tpu.memref_slice %arg7[%add3A_198, %dma_start3A_201] : memref<320000x128xf32, #tpu.memory_space<hbm>> -> memref<80x128xf32, #tpu.memory_space<hbm>>
        tpu.enqueue_dma source(%arg10 : memref<80x128xf32, #tpu.memory_space<vmem>>) target(%dma_start3A_202 : memref<80x128xf32, #tpu.memory_space<hbm>>) target_semaphore(%arg24 : memref<!tpu.dma_semaphore, #tpu.memory_space<semaphore_mem>>)
      } else {
      }
      %add3A_134 = arith.constant 1 : i32
      %add3A_135 = arith.addi %mul3A_121, %add3A_134 : i32
      %add3A_136 = arith.constant 4 : i32
      %add3A_137 = arith.addi %add3A_135, %add3A_136 : i32
      %sub3A_138 = arith.constant 1 : i32
      %sub3A_139 = arith.subi %add3A_137, %sub3A_138 : i32
      %lt3A_140 = arith.constant 125 : i32
      %lt3A_141 = arith.cmpi slt, %sub3A_139, %lt3A_140 : i32
      %convert_element_type3A_142 = arith.extui %lt3A_141 : i1 to i32
      %cond3A_143 = arith.constant 0 : i32
      %cond3A_144 = arith.cmpi ne, %convert_element_type3A_142, %cond3A_143 : i32
      scf.if %cond3A_144 {
        %ge3A = arith.constant 1 : i32
        %ge3A_182 = arith.cmpi sge, %add3A_135, %ge3A : i32
        %convert_element_type3A_183 = arith.extui %ge3A_182 : i1 to i32
        %cond3A_184 = arith.constant 0 : i32
        %cond3A_185 = arith.cmpi ne, %convert_element_type3A_183, %cond3A_184 : i32
        scf.if %cond3A_185 {
          %dma_wait3A_202 = arith.constant 0 : i32
          %dma_wait3A_203 = arith.constant 0 : i32
          %dma_wait3A_204 = tpu.memref_slice %arg7[%dma_wait3A_202, %dma_wait3A_203] : memref<320000x128xf32, #tpu.memory_space<hbm>> -> memref<80x128xf32, #tpu.memory_space<hbm>>
          %dma_wait3A_205 = arith.constant 0 : i32
          %dma_wait3A_206 = arith.constant 0 : i32
          %dma_wait3A_207 = tpu.memref_slice %arg7[%dma_wait3A_205, %dma_wait3A_206] : memref<320000x128xf32, #tpu.memory_space<hbm>> -> memref<80x128xf32, #tpu.memory_space<hbm>>
          tpu.wait_dma2 semaphore(%arg24 : memref<!tpu.dma_semaphore, #tpu.memory_space<semaphore_mem>>) src(%arg10 : memref<80x128xf32, #tpu.memory_space<vmem>>) dst(%dma_wait3A_207 : memref<80x128xf32, #tpu.memory_space<hbm>>)
        } else {
        }
        %add3A_186 = arith.constant 4 : i32
        %add3A_187 = arith.addi %add3A_135, %add3A_186 : i32
        %sub3A_188 = arith.constant 1 : i32
        %sub3A_189 = arith.subi %add3A_187, %sub3A_188 : i32
        %dma_start3A_190 = arith.constant 0 : i32
        %dma_start3A_191 = tpu.memref_slice %arg8[%sub3A_189, %dma_start3A_190] : memref<125x80xi32, #tpu.memory_space<vmem>> -> memref<1x80xi32, #tpu.memory_space<vmem>>
        %dma_start3A_192 = tpu.memref_squeeze %dma_start3A_191 : memref<1x80xi32, #tpu.memory_space<vmem>> -> memref<80xi32, #tpu.memory_space<vmem>>
        %dma_start3A_193 = arith.constant 0 : i32
        %dma_start3A_194 = arith.constant 0 : i32
        %dma_start3A_195 = tpu.memref_slice %arg2[%dma_start3A_193, %dma_start3A_194] : memref<10000x128xf32, #tpu.memory_space<hbm>> -> memref<10000x128xf32, #tpu.memory_space<hbm>>
        tpu.enqueue_indirect_dma source(%dma_start3A_195 : memref<10000x128xf32, #tpu.memory_space<hbm>>) target(%arg10 : memref<80x128xf32, #tpu.memory_space<vmem>>) offsets(%dma_start3A_192 : memref<80xi32, #tpu.memory_space<vmem>>) semaphore(%arg20 : memref<!tpu.dma_semaphore, #tpu.memory_space<semaphore_mem>>)
        %dma_start3A_196 = arith.constant 0 : i32
        %dma_start3A_197 = tpu.memref_slice %arg9[%sub3A_189, %dma_start3A_196] : memref<125x80xi32, #tpu.memory_space<vmem>> -> memref<1x80xi32, #tpu.memory_space<vmem>>
        %dma_start3A_198 = tpu.memref_squeeze %dma_start3A_197 : memref<1x80xi32, #tpu.memory_space<vmem>> -> memref<80xi32, #tpu.memory_space<vmem>>
        %dma_start3A_199 = arith.constant 0 : i32
        %dma_start3A_200 = arith.constant 0 : i32
        %dma_start3A_201 = tpu.memref_slice %arg2[%dma_start3A_199, %dma_start3A_200] : memref<10000x128xf32, #tpu.memory_space<hbm>> -> memref<10000x128xf32, #tpu.memory_space<hbm>>
        tpu.enqueue_indirect_dma source(%dma_start3A_201 : memref<10000x128xf32, #tpu.memory_space<hbm>>) target(%arg11 : memref<80x128xf32, #tpu.memory_space<vmem>>) offsets(%dma_start3A_198 : memref<80xi32, #tpu.memory_space<vmem>>) semaphore(%arg20 : memref<!tpu.dma_semaphore, #tpu.memory_space<semaphore_mem>>)
      } else {
      }
      %lt3A_145 = arith.constant 125 : i32
      %lt3A_146 = arith.cmpi slt, %add3A_135, %lt3A_145 : i32
      %convert_element_type3A_147 = arith.extui %lt3A_146 : i1 to i32
      %cond3A_148 = arith.constant 0 : i32
      %cond3A_149 = arith.cmpi ne, %convert_element_type3A_147, %cond3A_148 : i32
      scf.if %cond3A_149 {
        %dma_wait3A_182 = arith.constant 0 : i32
        %dma_wait3A_183 = arith.constant 0 : i32
        %dma_wait3A_184 = tpu.memref_slice %arg2[%dma_wait3A_182, %dma_wait3A_183] : memref<10000x128xf32, #tpu.memory_space<hbm>> -> memref<80x128xf32, #tpu.memory_space<hbm>>
        %dma_wait3A_185 = arith.constant 0 : i32
        %dma_wait3A_186 = arith.constant 0 : i32
        %dma_wait3A_187 = tpu.memref_slice %arg2[%dma_wait3A_185, %dma_wait3A_186] : memref<10000x128xf32, #tpu.memory_space<hbm>> -> memref<80x128xf32, #tpu.memory_space<hbm>>
        tpu.wait_dma2 semaphore(%arg21 : memref<!tpu.dma_semaphore, #tpu.memory_space<semaphore_mem>>) src(%dma_wait3A_187 : memref<80x128xf32, #tpu.memory_space<hbm>>) dst(%arg12 : memref<80x128xf32, #tpu.memory_space<vmem>>)
        %dma_wait3A_188 = arith.constant 0 : i32
        %dma_wait3A_189 = arith.constant 0 : i32
        %dma_wait3A_190 = tpu.memref_slice %arg2[%dma_wait3A_188, %dma_wait3A_189] : memref<10000x128xf32, #tpu.memory_space<hbm>> -> memref<80x128xf32, #tpu.memory_space<hbm>>
        %dma_wait3A_191 = arith.constant 0 : i32
        %dma_wait3A_192 = arith.constant 0 : i32
        %dma_wait3A_193 = tpu.memref_slice %arg2[%dma_wait3A_191, %dma_wait3A_192] : memref<10000x128xf32, #tpu.memory_space<hbm>> -> memref<80x128xf32, #tpu.memory_space<hbm>>
        tpu.wait_dma2 semaphore(%arg21 : memref<!tpu.dma_semaphore, #tpu.memory_space<semaphore_mem>>) src(%dma_wait3A_193 : memref<80x128xf32, #tpu.memory_space<hbm>>) dst(%arg13 : memref<80x128xf32, #tpu.memory_space<vmem>>)
        %parallel_loop3A = arith.constant 0 : i32
        %parallel_loop3A_194 = arith.constant 80 : i32
        %parallel_loop3A_195 = arith.constant 1 : i32
        scf.for %parallel_loop3A_203 = %parallel_loop3A to %parallel_loop3A_194 step %parallel_loop3A_195  : i32 {
          %parallel_loop3A_204 = arith.index_cast %parallel_loop3A_203 : i32 to index
          %parallel_loop3A_205 = arith.constant 0 : index
          %parallel_loop3A_206 = tpu.vector_load %arg12[%parallel_loop3A_204, %parallel_loop3A_205] {strides = array<i32>} : memref<80x128xf32, #tpu.memory_space<vmem>>, vector<1x16xf32>,
          %parallel_loop3A_207 = vector.shape_cast %parallel_loop3A_206 : vector<1x16xf32> to vector<16xf32>
          %parallel_loop3A_208 = arith.mulf %get3A_2, %parallel_loop3A_207 : vector<16xf32>
          %parallel_loop3A_209 = arith.index_cast %parallel_loop3A_203 : i32 to index
          %parallel_loop3A_210 = arith.constant 0 : index
          %parallel_loop3A_211 = tpu.vector_load %arg13[%parallel_loop3A_209, %parallel_loop3A_210] {strides = array<i32>} : memref<80x128xf32, #tpu.memory_space<vmem>>, vector<1x16xf32>,
          %parallel_loop3A_212 = vector.shape_cast %parallel_loop3A_211 : vector<1x16xf32> to vector<16xf32>
          %parallel_loop3A_213 = arith.mulf %get3A_26, %parallel_loop3A_212 : vector<16xf32>
          %parallel_loop3A_214 = arith.addf %parallel_loop3A_208, %parallel_loop3A_213 : vector<16xf32>
          %parallel_loop3A_215 = arith.index_cast %parallel_loop3A_203 : i32 to index
          %parallel_loop3A_216 = arith.constant 0 : index
          %parallel_loop3A_217 = tpu.vector_load %arg12[%parallel_loop3A_215, %parallel_loop3A_216] {strides = array<i32>} : memref<80x128xf32, #tpu.memory_space<vmem>>, vector<1x16xf32>,
          %parallel_loop3A_218 = vector.shape_cast %parallel_loop3A_217 : vector<1x16xf32> to vector<16xf32>
          %parallel_loop3A_219 = vector.shape_cast %parallel_loop3A_214 : vector<16xf32> to vector<1x16xf32>
          tpu.vector_store %arg12[%parallel_loop3A_215, %parallel_loop3A_216], %parallel_loop3A_219 {strides = array<i32>} : memref<80x128xf32, #tpu.memory_space<vmem>>, vector<1x16xf32>,
          %parallel_loop3A_220 = arith.index_cast %parallel_loop3A_203 : i32 to index
          %parallel_loop3A_221 = arith.constant 16 : index
          %parallel_loop3A_222 = tpu.vector_load %arg12[%parallel_loop3A_220, %parallel_loop3A_221] {strides = array<i32>} : memref<80x128xf32, #tpu.memory_space<vmem>>, vector<1x16xf32>,
          %parallel_loop3A_223 = vector.shape_cast %parallel_loop3A_222 : vector<1x16xf32> to vector<16xf32>
          %parallel_loop3A_224 = arith.mulf %get3A_5, %parallel_loop3A_223 : vector<16xf32>
          %parallel_loop3A_225 = arith.index_cast %parallel_loop3A_203 : i32 to index
          %parallel_loop3A_226 = arith.constant 16 : index
          %parallel_loop3A_227 = tpu.vector_load %arg13[%parallel_loop3A_225, %parallel_loop3A_226] {strides = array<i32>} : memref<80x128xf32, #tpu.memory_space<vmem>>, vector<1x16xf32>,
          %parallel_loop3A_228 = vector.shape_cast %parallel_loop3A_227 : vector<1x16xf32> to vector<16xf32>
          %parallel_loop3A_229 = arith.mulf %get3A_29, %parallel_loop3A_228 : vector<16xf32>
          %parallel_loop3A_230 = arith.addf %parallel_loop3A_224, %parallel_loop3A_229 : vector<16xf32>
          %parallel_loop3A_231 = arith.index_cast %parallel_loop3A_203 : i32 to index
          %parallel_loop3A_232 = arith.constant 16 : index
          %parallel_loop3A_233 = tpu.vector_load %arg12[%parallel_loop3A_231, %parallel_loop3A_232] {strides = array<i32>} : memref<80x128xf32, #tpu.memory_space<vmem>>, vector<1x16xf32>,
          %parallel_loop3A_234 = vector.shape_cast %parallel_loop3A_233 : vector<1x16xf32> to vector<16xf32>
          %parallel_loop3A_235 = vector.shape_cast %parallel_loop3A_230 : vector<16xf32> to vector<1x16xf32>
          tpu.vector_store %arg12[%parallel_loop3A_231, %parallel_loop3A_232], %parallel_loop3A_235 {strides = array<i32>} : memref<80x128xf32, #tpu.memory_space<vmem>>, vector<1x16xf32>,
          %parallel_loop3A_236 = arith.index_cast %parallel_loop3A_203 : i32 to index
          %parallel_loop3A_237 = arith.constant 32 : index
          %parallel_loop3A_238 = tpu.vector_load %arg12[%parallel_loop3A_236, %parallel_loop3A_237] {strides = array<i32>} : memref<80x128xf32, #tpu.memory_space<vmem>>, vector<1x16xf32>,
          %parallel_loop3A_239 = vector.shape_cast %parallel_loop3A_238 : vector<1x16xf32> to vector<16xf32>
          %parallel_loop3A_240 = arith.mulf %get3A_8, %parallel_loop3A_239 : vector<16xf32>
          %parallel_loop3A_241 = arith.index_cast %parallel_loop3A_203 : i32 to index
          %parallel_loop3A_242 = arith.constant 32 : index
          %parallel_loop3A_243 = tpu.vector_load %arg13[%parallel_loop3A_241, %parallel_loop3A_242] {strides = array<i32>} : memref<80x128xf32, #tpu.memory_space<vmem>>, vector<1x16xf32>,
          %parallel_loop3A_244 = vector.shape_cast %parallel_loop3A_243 : vector<1x16xf32> to vector<16xf32>
          %parallel_loop3A_245 = arith.mulf %get3A_32, %parallel_loop3A_244 : vector<16xf32>
          %parallel_loop3A_246 = arith.addf %parallel_loop3A_240, %parallel_loop3A_245 : vector<16xf32>
          %parallel_loop3A_247 = arith.index_cast %parallel_loop3A_203 : i32 to index
          %parallel_loop3A_248 = arith.constant 32 : index
          %parallel_loop3A_249 = tpu.vector_load %arg12[%parallel_loop3A_247, %parallel_loop3A_248] {strides = array<i32>} : memref<80x128xf32, #tpu.memory_space<vmem>>, vector<1x16xf32>,
          %parallel_loop3A_250 = vector.shape_cast %parallel_loop3A_249 : vector<1x16xf32> to vector<16xf32>
          %parallel_loop3A_251 = vector.shape_cast %parallel_loop3A_246 : vector<16xf32> to vector<1x16xf32>
          tpu.vector_store %arg12[%parallel_loop3A_247, %parallel_loop3A_248], %parallel_loop3A_251 {strides = array<i32>} : memref<80x128xf32, #tpu.memory_space<vmem>>, vector<1x16xf32>,
          %parallel_loop3A_252 = arith.index_cast %parallel_loop3A_203 : i32 to index
          %parallel_loop3A_253 = arith.constant 48 : index
          %parallel_loop3A_254 = tpu.vector_load %arg12[%parallel_loop3A_252, %parallel_loop3A_253] {strides = array<i32>} : memref<80x128xf32, #tpu.memory_space<vmem>>, vector<1x16xf32>,
          %parallel_loop3A_255 = vector.shape_cast %parallel_loop3A_254 : vector<1x16xf32> to vector<16xf32>
          %parallel_loop3A_256 = arith.mulf %get3A_11, %parallel_loop3A_255 : vector<16xf32>
          %parallel_loop3A_257 = arith.index_cast %parallel_loop3A_203 : i32 to index
          %parallel_loop3A_258 = arith.constant 48 : index
          %parallel_loop3A_259 = tpu.vector_load %arg13[%parallel_loop3A_257, %parallel_loop3A_258] {strides = array<i32>} : memref<80x128xf32, #tpu.memory_space<vmem>>, vector<1x16xf32>,
          %parallel_loop3A_260 = vector.shape_cast %parallel_loop3A_259 : vector<1x16xf32> to vector<16xf32>
          %parallel_loop3A_261 = arith.mulf %get3A_35, %parallel_loop3A_260 : vector<16xf32>
          %parallel_loop3A_262 = arith.addf %parallel_loop3A_256, %parallel_loop3A_261 : vector<16xf32>
          %parallel_loop3A_263 = arith.index_cast %parallel_loop3A_203 : i32 to index
          %parallel_loop3A_264 = arith.constant 48 : index
          %parallel_loop3A_265 = tpu.vector_load %arg12[%parallel_loop3A_263, %parallel_loop3A_264] {strides = array<i32>} : memref<80x128xf32, #tpu.memory_space<vmem>>, vector<1x16xf32>,
          %parallel_loop3A_266 = vector.shape_cast %parallel_loop3A_265 : vector<1x16xf32> to vector<16xf32>
          %parallel_loop3A_267 = vector.shape_cast %parallel_loop3A_262 : vector<16xf32> to vector<1x16xf32>
          tpu.vector_store %arg12[%parallel_loop3A_263, %parallel_loop3A_264], %parallel_loop3A_267 {strides = array<i32>} : memref<80x128xf32, #tpu.memory_space<vmem>>, vector<1x16xf32>,
          %parallel_loop3A_268 = arith.index_cast %parallel_loop3A_203 : i32 to index
          %parallel_loop3A_269 = arith.constant 64 : index
          %parallel_loop3A_270 = tpu.vector_load %arg12[%parallel_loop3A_268, %parallel_loop3A_269] {strides = array<i32>} : memref<80x128xf32, #tpu.memory_space<vmem>>, vector<1x16xf32>,
          %parallel_loop3A_271 = vector.shape_cast %parallel_loop3A_270 : vector<1x16xf32> to vector<16xf32>
          %parallel_loop3A_272 = arith.mulf %get3A_14, %parallel_loop3A_271 : vector<16xf32>
          %parallel_loop3A_273 = arith.index_cast %parallel_loop3A_203 : i32 to index
          %parallel_loop3A_274 = arith.constant 64 : index
          %parallel_loop3A_275 = tpu.vector_load %arg13[%parallel_loop3A_273, %parallel_loop3A_274] {strides = array<i32>} : memref<80x128xf32, #tpu.memory_space<vmem>>, vector<1x16xf32>,
          %parallel_loop3A_276 = vector.shape_cast %parallel_loop3A_275 : vector<1x16xf32> to vector<16xf32>
          %parallel_loop3A_277 = arith.mulf %get3A_38, %parallel_loop3A_276 : vector<16xf32>
          %parallel_loop3A_278 = arith.addf %parallel_loop3A_272, %parallel_loop3A_277 : vector<16xf32>
          %parallel_loop3A_279 = arith.index_cast %parallel_loop3A_203 : i32 to index
          %parallel_loop3A_280 = arith.constant 64 : index
          %parallel_loop3A_281 = tpu.vector_load %arg12[%parallel_loop3A_279, %parallel_loop3A_280] {strides = array<i32>} : memref<80x128xf32, #tpu.memory_space<vmem>>, vector<1x16xf32>,
          %parallel_loop3A_282 = vector.shape_cast %parallel_loop3A_281 : vector<1x16xf32> to vector<16xf32>
          %parallel_loop3A_283 = vector.shape_cast %parallel_loop3A_278 : vector<16xf32> to vector<1x16xf32>
          tpu.vector_store %arg12[%parallel_loop3A_279, %parallel_loop3A_280], %parallel_loop3A_283 {strides = array<i32>} : memref<80x128xf32, #tpu.memory_space<vmem>>, vector<1x16xf32>,
          %parallel_loop3A_284 = arith.index_cast %parallel_loop3A_203 : i32 to index
          %parallel_loop3A_285 = arith.constant 80 : index
          %parallel_loop3A_286 = tpu.vector_load %arg12[%parallel_loop3A_284, %parallel_loop3A_285] {strides = array<i32>} : memref<80x128xf32, #tpu.memory_space<vmem>>, vector<1x16xf32>,
          %parallel_loop3A_287 = vector.shape_cast %parallel_loop3A_286 : vector<1x16xf32> to vector<16xf32>
          %parallel_loop3A_288 = arith.mulf %get3A_17, %parallel_loop3A_287 : vector<16xf32>
          %parallel_loop3A_289 = arith.index_cast %parallel_loop3A_203 : i32 to index
          %parallel_loop3A_290 = arith.constant 80 : index
          %parallel_loop3A_291 = tpu.vector_load %arg13[%parallel_loop3A_289, %parallel_loop3A_290] {strides = array<i32>} : memref<80x128xf32, #tpu.memory_space<vmem>>, vector<1x16xf32>,
          %parallel_loop3A_292 = vector.shape_cast %parallel_loop3A_291 : vector<1x16xf32> to vector<16xf32>
          %parallel_loop3A_293 = arith.mulf %get3A_41, %parallel_loop3A_292 : vector<16xf32>
          %parallel_loop3A_294 = arith.addf %parallel_loop3A_288, %parallel_loop3A_293 : vector<16xf32>
          %parallel_loop3A_295 = arith.index_cast %parallel_loop3A_203 : i32 to index
          %parallel_loop3A_296 = arith.constant 80 : index
          %parallel_loop3A_297 = tpu.vector_load %arg12[%parallel_loop3A_295, %parallel_loop3A_296] {strides = array<i32>} : memref<80x128xf32, #tpu.memory_space<vmem>>, vector<1x16xf32>,
          %parallel_loop3A_298 = vector.shape_cast %parallel_loop3A_297 : vector<1x16xf32> to vector<16xf32>
          %parallel_loop3A_299 = vector.shape_cast %parallel_loop3A_294 : vector<16xf32> to vector<1x16xf32>
          tpu.vector_store %arg12[%parallel_loop3A_295, %parallel_loop3A_296], %parallel_loop3A_299 {strides = array<i32>} : memref<80x128xf32, #tpu.memory_space<vmem>>, vector<1x16xf32>,
          %parallel_loop3A_300 = arith.index_cast %parallel_loop3A_203 : i32 to index
          %parallel_loop3A_301 = arith.constant 96 : index
          %parallel_loop3A_302 = tpu.vector_load %arg12[%parallel_loop3A_300, %parallel_loop3A_301] {strides = array<i32>} : memref<80x128xf32, #tpu.memory_space<vmem>>, vector<1x16xf32>,
          %parallel_loop3A_303 = vector.shape_cast %parallel_loop3A_302 : vector<1x16xf32> to vector<16xf32>
          %parallel_loop3A_304 = arith.mulf %get3A_20, %parallel_loop3A_303 : vector<16xf32>
          %parallel_loop3A_305 = arith.index_cast %parallel_loop3A_203 : i32 to index
          %parallel_loop3A_306 = arith.constant 96 : index
          %parallel_loop3A_307 = tpu.vector_load %arg13[%parallel_loop3A_305, %parallel_loop3A_306] {strides = array<i32>} : memref<80x128xf32, #tpu.memory_space<vmem>>, vector<1x16xf32>,
          %parallel_loop3A_308 = vector.shape_cast %parallel_loop3A_307 : vector<1x16xf32> to vector<16xf32>
          %parallel_loop3A_309 = arith.mulf %get3A_44, %parallel_loop3A_308 : vector<16xf32>
          %parallel_loop3A_310 = arith.addf %parallel_loop3A_304, %parallel_loop3A_309 : vector<16xf32>
          %parallel_loop3A_311 = arith.index_cast %parallel_loop3A_203 : i32 to index
          %parallel_loop3A_312 = arith.constant 96 : index
          %parallel_loop3A_313 = tpu.vector_load %arg12[%parallel_loop3A_311, %parallel_loop3A_312] {strides = array<i32>} : memref<80x128xf32, #tpu.memory_space<vmem>>, vector<1x16xf32>,
          %parallel_loop3A_314 = vector.shape_cast %parallel_loop3A_313 : vector<1x16xf32> to vector<16xf32>
          %parallel_loop3A_315 = vector.shape_cast %parallel_loop3A_310 : vector<16xf32> to vector<1x16xf32>
          tpu.vector_store %arg12[%parallel_loop3A_311, %parallel_loop3A_312], %parallel_loop3A_315 {strides = array<i32>} : memref<80x128xf32, #tpu.memory_space<vmem>>, vector<1x16xf32>,
          %parallel_loop3A_316 = arith.index_cast %parallel_loop3A_203 : i32 to index
          %parallel_loop3A_317 = arith.constant 112 : index
          %parallel_loop3A_318 = tpu.vector_load %arg12[%parallel_loop3A_316, %parallel_loop3A_317] {strides = array<i32>} : memref<80x128xf32, #tpu.memory_space<vmem>>, vector<1x16xf32>,
          %parallel_loop3A_319 = vector.shape_cast %parallel_loop3A_318 : vector<1x16xf32> to vector<16xf32>
          %parallel_loop3A_320 = arith.mulf %get3A_23, %parallel_loop3A_319 : vector<16xf32>
          %parallel_loop3A_321 = arith.index_cast %parallel_loop3A_203 : i32 to index
          %parallel_loop3A_322 = arith.constant 112 : index
          %parallel_loop3A_323 = tpu.vector_load %arg13[%parallel_loop3A_321, %parallel_loop3A_322] {strides = array<i32>} : memref<80x128xf32, #tpu.memory_space<vmem>>, vector<1x16xf32>,
          %parallel_loop3A_324 = vector.shape_cast %parallel_loop3A_323 : vector<1x16xf32> to vector<16xf32>
          %parallel_loop3A_325 = arith.mulf %get3A_47, %parallel_loop3A_324 : vector<16xf32>
          %parallel_loop3A_326 = arith.addf %parallel_loop3A_320, %parallel_loop3A_325 : vector<16xf32>
          %parallel_loop3A_327 = arith.index_cast %parallel_loop3A_203 : i32 to index
          %parallel_loop3A_328 = arith.constant 112 : index
          %parallel_loop3A_329 = tpu.vector_load %arg12[%parallel_loop3A_327, %parallel_loop3A_328] {strides = array<i32>} : memref<80x128xf32, #tpu.memory_space<vmem>>, vector<1x16xf32>,
          %parallel_loop3A_330 = vector.shape_cast %parallel_loop3A_329 : vector<1x16xf32> to vector<16xf32>
          %parallel_loop3A_331 = vector.shape_cast %parallel_loop3A_326 : vector<16xf32> to vector<1x16xf32>
          tpu.vector_store %arg12[%parallel_loop3A_327, %parallel_loop3A_328], %parallel_loop3A_331 {strides = array<i32>} : memref<80x128xf32, #tpu.memory_space<vmem>>, vector<1x16xf32>,
        } {sc.loop_unroll_factor = 4 : i64, sc.parallel_access}
        %mul3A_196 = arith.constant 80 : i32
        %mul3A_197 = arith.muli %add3A_135, %mul3A_196 : i32
        %add3A_198 = arith.addi %mul3A_49, %mul3A_197 : i32
        %dma_start3A_199 = arith.constant 0 : i32
        %dma_start3A_200 = tpu.memref_slice %arg7[%add3A_198, %dma_start3A_199] : memref<320000x128xf32, #tpu.memory_space<hbm>> -> memref<80x128xf32, #tpu.memory_space<hbm>>
        %dma_start3A_201 = arith.constant 0 : i32
        %dma_start3A_202 = tpu.memref_slice %arg7[%add3A_198, %dma_start3A_201] : memref<320000x128xf32, #tpu.memory_space<hbm>> -> memref<80x128xf32, #tpu.memory_space<hbm>>
        tpu.enqueue_dma source(%arg12 : memref<80x128xf32, #tpu.memory_space<vmem>>) target(%dma_start3A_202 : memref<80x128xf32, #tpu.memory_space<hbm>>) target_semaphore(%arg25 : memref<!tpu.dma_semaphore, #tpu.memory_space<semaphore_mem>>)
      } else {
      }
      %add3A_150 = arith.constant 2 : i32
      %add3A_151 = arith.addi %mul3A_121, %add3A_150 : i32
      %add3A_152 = arith.constant 4 : i32
      %add3A_153 = arith.addi %add3A_151, %add3A_152 : i32
      %sub3A_154 = arith.constant 1 : i32
      %sub3A_155 = arith.subi %add3A_153, %sub3A_154 : i32
      %lt3A_156 = arith.constant 125 : i32
      %lt3A_157 = arith.cmpi slt, %sub3A_155, %lt3A_156 : i32
      %convert_element_type3A_158 = arith.extui %lt3A_157 : i1 to i32
      %cond3A_159 = arith.constant 0 : i32
      %cond3A_160 = arith.cmpi ne, %convert_element_type3A_158, %cond3A_159 : i32
      scf.if %cond3A_160 {
        %ge3A = arith.constant 1 : i32
        %ge3A_182 = arith.cmpi sge, %add3A_151, %ge3A : i32
        %convert_element_type3A_183 = arith.extui %ge3A_182 : i1 to i32
        %cond3A_184 = arith.constant 0 : i32
        %cond3A_185 = arith.cmpi ne, %convert_element_type3A_183, %cond3A_184 : i32
        scf.if %cond3A_185 {
          %dma_wait3A_202 = arith.constant 0 : i32
          %dma_wait3A_203 = arith.constant 0 : i32
          %dma_wait3A_204 = tpu.memref_slice %arg7[%dma_wait3A_202, %dma_wait3A_203] : memref<320000x128xf32, #tpu.memory_space<hbm>> -> memref<80x128xf32, #tpu.memory_space<hbm>>
          %dma_wait3A_205 = arith.constant 0 : i32
          %dma_wait3A_206 = arith.constant 0 : i32
          %dma_wait3A_207 = tpu.memref_slice %arg7[%dma_wait3A_205, %dma_wait3A_206] : memref<320000x128xf32, #tpu.memory_space<hbm>> -> memref<80x128xf32, #tpu.memory_space<hbm>>
          tpu.wait_dma2 semaphore(%arg25 : memref<!tpu.dma_semaphore, #tpu.memory_space<semaphore_mem>>) src(%arg12 : memref<80x128xf32, #tpu.memory_space<vmem>>) dst(%dma_wait3A_207 : memref<80x128xf32, #tpu.memory_space<hbm>>)
        } else {
        }
        %add3A_186 = arith.constant 4 : i32
        %add3A_187 = arith.addi %add3A_151, %add3A_186 : i32
        %sub3A_188 = arith.constant 1 : i32
        %sub3A_189 = arith.subi %add3A_187, %sub3A_188 : i32
        %dma_start3A_190 = arith.constant 0 : i32
        %dma_start3A_191 = tpu.memref_slice %arg8[%sub3A_189, %dma_start3A_190] : memref<125x80xi32, #tpu.memory_space<vmem>> -> memref<1x80xi32, #tpu.memory_space<vmem>>
        %dma_start3A_192 = tpu.memref_squeeze %dma_start3A_191 : memref<1x80xi32, #tpu.memory_space<vmem>> -> memref<80xi32, #tpu.memory_space<vmem>>
        %dma_start3A_193 = arith.constant 0 : i32
        %dma_start3A_194 = arith.constant 0 : i32
        %dma_start3A_195 = tpu.memref_slice %arg2[%dma_start3A_193, %dma_start3A_194] : memref<10000x128xf32, #tpu.memory_space<hbm>> -> memref<10000x128xf32, #tpu.memory_space<hbm>>
        tpu.enqueue_indirect_dma source(%dma_start3A_195 : memref<10000x128xf32, #tpu.memory_space<hbm>>) target(%arg12 : memref<80x128xf32, #tpu.memory_space<vmem>>) offsets(%dma_start3A_192 : memref<80xi32, #tpu.memory_space<vmem>>) semaphore(%arg21 : memref<!tpu.dma_semaphore, #tpu.memory_space<semaphore_mem>>)
        %dma_start3A_196 = arith.constant 0 : i32
        %dma_start3A_197 = tpu.memref_slice %arg9[%sub3A_189, %dma_start3A_196] : memref<125x80xi32, #tpu.memory_space<vmem>> -> memref<1x80xi32, #tpu.memory_space<vmem>>
        %dma_start3A_198 = tpu.memref_squeeze %dma_start3A_197 : memref<1x80xi32, #tpu.memory_space<vmem>> -> memref<80xi32, #tpu.memory_space<vmem>>
        %dma_start3A_199 = arith.constant 0 : i32
        %dma_start3A_200 = arith.constant 0 : i32
        %dma_start3A_201 = tpu.memref_slice %arg2[%dma_start3A_199, %dma_start3A_200] : memref<10000x128xf32, #tpu.memory_space<hbm>> -> memref<10000x128xf32, #tpu.memory_space<hbm>>
        tpu.enqueue_indirect_dma source(%dma_start3A_201 : memref<10000x128xf32, #tpu.memory_space<hbm>>) target(%arg13 : memref<80x128xf32, #tpu.memory_space<vmem>>) offsets(%dma_start3A_198 : memref<80xi32, #tpu.memory_space<vmem>>) semaphore(%arg21 : memref<!tpu.dma_semaphore, #tpu.memory_space<semaphore_mem>>)
      } else {
      }
      %lt3A_161 = arith.constant 125 : i32
      %lt3A_162 = arith.cmpi slt, %add3A_151, %lt3A_161 : i32
      %convert_element_type3A_163 = arith.extui %lt3A_162 : i1 to i32
      %cond3A_164 = arith.constant 0 : i32
      %cond3A_165 = arith.cmpi ne, %convert_element_type3A_163, %cond3A_164 : i32
      scf.if %cond3A_165 {
        %dma_wait3A_182 = arith.constant 0 : i32
        %dma_wait3A_183 = arith.constant 0 : i32
        %dma_wait3A_184 = tpu.memref_slice %arg2[%dma_wait3A_182, %dma_wait3A_183] : memref<10000x128xf32, #tpu.memory_space<hbm>> -> memref<80x128xf32, #tpu.memory_space<hbm>>
        %dma_wait3A_185 = arith.constant 0 : i32
        %dma_wait3A_186 = arith.constant 0 : i32
        %dma_wait3A_187 = tpu.memref_slice %arg2[%dma_wait3A_185, %dma_wait3A_186] : memref<10000x128xf32, #tpu.memory_space<hbm>> -> memref<80x128xf32, #tpu.memory_space<hbm>>
        tpu.wait_dma2 semaphore(%arg22 : memref<!tpu.dma_semaphore, #tpu.memory_space<semaphore_mem>>) src(%dma_wait3A_187 : memref<80x128xf32, #tpu.memory_space<hbm>>) dst(%arg14 : memref<80x128xf32, #tpu.memory_space<vmem>>)
        %dma_wait3A_188 = arith.constant 0 : i32
        %dma_wait3A_189 = arith.constant 0 : i32
        %dma_wait3A_190 = tpu.memref_slice %arg2[%dma_wait3A_188, %dma_wait3A_189] : memref<10000x128xf32, #tpu.memory_space<hbm>> -> memref<80x128xf32, #tpu.memory_space<hbm>>
        %dma_wait3A_191 = arith.constant 0 : i32
        %dma_wait3A_192 = arith.constant 0 : i32
        %dma_wait3A_193 = tpu.memref_slice %arg2[%dma_wait3A_191, %dma_wait3A_192] : memref<10000x128xf32, #tpu.memory_space<hbm>> -> memref<80x128xf32, #tpu.memory_space<hbm>>
        tpu.wait_dma2 semaphore(%arg22 : memref<!tpu.dma_semaphore, #tpu.memory_space<semaphore_mem>>) src(%dma_wait3A_193 : memref<80x128xf32, #tpu.memory_space<hbm>>) dst(%arg15 : memref<80x128xf32, #tpu.memory_space<vmem>>)
        %parallel_loop3A = arith.constant 0 : i32
        %parallel_loop3A_194 = arith.constant 80 : i32
        %parallel_loop3A_195 = arith.constant 1 : i32
        scf.for %parallel_loop3A_203 = %parallel_loop3A to %parallel_loop3A_194 step %parallel_loop3A_195  : i32 {
          %parallel_loop3A_204 = arith.index_cast %parallel_loop3A_203 : i32 to index
          %parallel_loop3A_205 = arith.constant 0 : index
          %parallel_loop3A_206 = tpu.vector_load %arg14[%parallel_loop3A_204, %parallel_loop3A_205] {strides = array<i32>} : memref<80x128xf32, #tpu.memory_space<vmem>>, vector<1x16xf32>,
          %parallel_loop3A_207 = vector.shape_cast %parallel_loop3A_206 : vector<1x16xf32> to vector<16xf32>
          %parallel_loop3A_208 = arith.mulf %get3A_2, %parallel_loop3A_207 : vector<16xf32>
          %parallel_loop3A_209 = arith.index_cast %parallel_loop3A_203 : i32 to index
          %parallel_loop3A_210 = arith.constant 0 : index
          %parallel_loop3A_211 = tpu.vector_load %arg15[%parallel_loop3A_209, %parallel_loop3A_210] {strides = array<i32>} : memref<80x128xf32, #tpu.memory_space<vmem>>, vector<1x16xf32>,
          %parallel_loop3A_212 = vector.shape_cast %parallel_loop3A_211 : vector<1x16xf32> to vector<16xf32>
          %parallel_loop3A_213 = arith.mulf %get3A_26, %parallel_loop3A_212 : vector<16xf32>
          %parallel_loop3A_214 = arith.addf %parallel_loop3A_208, %parallel_loop3A_213 : vector<16xf32>
          %parallel_loop3A_215 = arith.index_cast %parallel_loop3A_203 : i32 to index
          %parallel_loop3A_216 = arith.constant 0 : index
          %parallel_loop3A_217 = tpu.vector_load %arg14[%parallel_loop3A_215, %parallel_loop3A_216] {strides = array<i32>} : memref<80x128xf32, #tpu.memory_space<vmem>>, vector<1x16xf32>,
          %parallel_loop3A_218 = vector.shape_cast %parallel_loop3A_217 : vector<1x16xf32> to vector<16xf32>
          %parallel_loop3A_219 = vector.shape_cast %parallel_loop3A_214 : vector<16xf32> to vector<1x16xf32>
          tpu.vector_store %arg14[%parallel_loop3A_215, %parallel_loop3A_216], %parallel_loop3A_219 {strides = array<i32>} : memref<80x128xf32, #tpu.memory_space<vmem>>, vector<1x16xf32>,
          %parallel_loop3A_220 = arith.index_cast %parallel_loop3A_203 : i32 to index
          %parallel_loop3A_221 = arith.constant 16 : index
          %parallel_loop3A_222 = tpu.vector_load %arg14[%parallel_loop3A_220, %parallel_loop3A_221] {strides = array<i32>} : memref<80x128xf32, #tpu.memory_space<vmem>>, vector<1x16xf32>,
          %parallel_loop3A_223 = vector.shape_cast %parallel_loop3A_222 : vector<1x16xf32> to vector<16xf32>
          %parallel_loop3A_224 = arith.mulf %get3A_5, %parallel_loop3A_223 : vector<16xf32>
          %parallel_loop3A_225 = arith.index_cast %parallel_loop3A_203 : i32 to index
          %parallel_loop3A_226 = arith.constant 16 : index
          %parallel_loop3A_227 = tpu.vector_load %arg15[%parallel_loop3A_225, %parallel_loop3A_226] {strides = array<i32>} : memref<80x128xf32, #tpu.memory_space<vmem>>, vector<1x16xf32>,
          %parallel_loop3A_228 = vector.shape_cast %parallel_loop3A_227 : vector<1x16xf32> to vector<16xf32>
          %parallel_loop3A_229 = arith.mulf %get3A_29, %parallel_loop3A_228 : vector<16xf32>
          %parallel_loop3A_230 = arith.addf %parallel_loop3A_224, %parallel_loop3A_229 : vector<16xf32>
          %parallel_loop3A_231 = arith.index_cast %parallel_loop3A_203 : i32 to index
          %parallel_loop3A_232 = arith.constant 16 : index
          %parallel_loop3A_233 = tpu.vector_load %arg14[%parallel_loop3A_231, %parallel_loop3A_232] {strides = array<i32>} : memref<80x128xf32, #tpu.memory_space<vmem>>, vector<1x16xf32>,
          %parallel_loop3A_234 = vector.shape_cast %parallel_loop3A_233 : vector<1x16xf32> to vector<16xf32>
          %parallel_loop3A_235 = vector.shape_cast %parallel_loop3A_230 : vector<16xf32> to vector<1x16xf32>
          tpu.vector_store %arg14[%parallel_loop3A_231, %parallel_loop3A_232], %parallel_loop3A_235 {strides = array<i32>} : memref<80x128xf32, #tpu.memory_space<vmem>>, vector<1x16xf32>,
          %parallel_loop3A_236 = arith.index_cast %parallel_loop3A_203 : i32 to index
          %parallel_loop3A_237 = arith.constant 32 : index
          %parallel_loop3A_238 = tpu.vector_load %arg14[%parallel_loop3A_236, %parallel_loop3A_237] {strides = array<i32>} : memref<80x128xf32, #tpu.memory_space<vmem>>, vector<1x16xf32>,
          %parallel_loop3A_239 = vector.shape_cast %parallel_loop3A_238 : vector<1x16xf32> to vector<16xf32>
          %parallel_loop3A_240 = arith.mulf %get3A_8, %parallel_loop3A_239 : vector<16xf32>
          %parallel_loop3A_241 = arith.index_cast %parallel_loop3A_203 : i32 to index
          %parallel_loop3A_242 = arith.constant 32 : index
          %parallel_loop3A_243 = tpu.vector_load %arg15[%parallel_loop3A_241, %parallel_loop3A_242] {strides = array<i32>} : memref<80x128xf32, #tpu.memory_space<vmem>>, vector<1x16xf32>,
          %parallel_loop3A_244 = vector.shape_cast %parallel_loop3A_243 : vector<1x16xf32> to vector<16xf32>
          %parallel_loop3A_245 = arith.mulf %get3A_32, %parallel_loop3A_244 : vector<16xf32>
          %parallel_loop3A_246 = arith.addf %parallel_loop3A_240, %parallel_loop3A_245 : vector<16xf32>
          %parallel_loop3A_247 = arith.index_cast %parallel_loop3A_203 : i32 to index
          %parallel_loop3A_248 = arith.constant 32 : index
          %parallel_loop3A_249 = tpu.vector_load %arg14[%parallel_loop3A_247, %parallel_loop3A_248] {strides = array<i32>} : memref<80x128xf32, #tpu.memory_space<vmem>>, vector<1x16xf32>,
          %parallel_loop3A_250 = vector.shape_cast %parallel_loop3A_249 : vector<1x16xf32> to vector<16xf32>
          %parallel_loop3A_251 = vector.shape_cast %parallel_loop3A_246 : vector<16xf32> to vector<1x16xf32>
          tpu.vector_store %arg14[%parallel_loop3A_247, %parallel_loop3A_248], %parallel_loop3A_251 {strides = array<i32>} : memref<80x128xf32, #tpu.memory_space<vmem>>, vector<1x16xf32>,
          %parallel_loop3A_252 = arith.index_cast %parallel_loop3A_203 : i32 to index
          %parallel_loop3A_253 = arith.constant 48 : index
          %parallel_loop3A_254 = tpu.vector_load %arg14[%parallel_loop3A_252, %parallel_loop3A_253] {strides = array<i32>} : memref<80x128xf32, #tpu.memory_space<vmem>>, vector<1x16xf32>,
          %parallel_loop3A_255 = vector.shape_cast %parallel_loop3A_254 : vector<1x16xf32> to vector<16xf32>
          %parallel_loop3A_256 = arith.mulf %get3A_11, %parallel_loop3A_255 : vector<16xf32>
          %parallel_loop3A_257 = arith.index_cast %parallel_loop3A_203 : i32 to index
          %parallel_loop3A_258 = arith.constant 48 : index
          %parallel_loop3A_259 = tpu.vector_load %arg15[%parallel_loop3A_257, %parallel_loop3A_258] {strides = array<i32>} : memref<80x128xf32, #tpu.memory_space<vmem>>, vector<1x16xf32>,
          %parallel_loop3A_260 = vector.shape_cast %parallel_loop3A_259 : vector<1x16xf32> to vector<16xf32>
          %parallel_loop3A_261 = arith.mulf %get3A_35, %parallel_loop3A_260 : vector<16xf32>
          %parallel_loop3A_262 = arith.addf %parallel_loop3A_256, %parallel_loop3A_261 : vector<16xf32>
          %parallel_loop3A_263 = arith.index_cast %parallel_loop3A_203 : i32 to index
          %parallel_loop3A_264 = arith.constant 48 : index
          %parallel_loop3A_265 = tpu.vector_load %arg14[%parallel_loop3A_263, %parallel_loop3A_264] {strides = array<i32>} : memref<80x128xf32, #tpu.memory_space<vmem>>, vector<1x16xf32>,
          %parallel_loop3A_266 = vector.shape_cast %parallel_loop3A_265 : vector<1x16xf32> to vector<16xf32>
          %parallel_loop3A_267 = vector.shape_cast %parallel_loop3A_262 : vector<16xf32> to vector<1x16xf32>
          tpu.vector_store %arg14[%parallel_loop3A_263, %parallel_loop3A_264], %parallel_loop3A_267 {strides = array<i32>} : memref<80x128xf32, #tpu.memory_space<vmem>>, vector<1x16xf32>,
          %parallel_loop3A_268 = arith.index_cast %parallel_loop3A_203 : i32 to index
          %parallel_loop3A_269 = arith.constant 64 : index
          %parallel_loop3A_270 = tpu.vector_load %arg14[%parallel_loop3A_268, %parallel_loop3A_269] {strides = array<i32>} : memref<80x128xf32, #tpu.memory_space<vmem>>, vector<1x16xf32>,
          %parallel_loop3A_271 = vector.shape_cast %parallel_loop3A_270 : vector<1x16xf32> to vector<16xf32>
          %parallel_loop3A_272 = arith.mulf %get3A_14, %parallel_loop3A_271 : vector<16xf32>
          %parallel_loop3A_273 = arith.index_cast %parallel_loop3A_203 : i32 to index
          %parallel_loop3A_274 = arith.constant 64 : index
          %parallel_loop3A_275 = tpu.vector_load %arg15[%parallel_loop3A_273, %parallel_loop3A_274] {strides = array<i32>} : memref<80x128xf32, #tpu.memory_space<vmem>>, vector<1x16xf32>,
          %parallel_loop3A_276 = vector.shape_cast %parallel_loop3A_275 : vector<1x16xf32> to vector<16xf32>
          %parallel_loop3A_277 = arith.mulf %get3A_38, %parallel_loop3A_276 : vector<16xf32>
          %parallel_loop3A_278 = arith.addf %parallel_loop3A_272, %parallel_loop3A_277 : vector<16xf32>
          %parallel_loop3A_279 = arith.index_cast %parallel_loop3A_203 : i32 to index
          %parallel_loop3A_280 = arith.constant 64 : index
          %parallel_loop3A_281 = tpu.vector_load %arg14[%parallel_loop3A_279, %parallel_loop3A_280] {strides = array<i32>} : memref<80x128xf32, #tpu.memory_space<vmem>>, vector<1x16xf32>,
          %parallel_loop3A_282 = vector.shape_cast %parallel_loop3A_281 : vector<1x16xf32> to vector<16xf32>
          %parallel_loop3A_283 = vector.shape_cast %parallel_loop3A_278 : vector<16xf32> to vector<1x16xf32>
          tpu.vector_store %arg14[%parallel_loop3A_279, %parallel_loop3A_280], %parallel_loop3A_283 {strides = array<i32>} : memref<80x128xf32, #tpu.memory_space<vmem>>, vector<1x16xf32>,
          %parallel_loop3A_284 = arith.index_cast %parallel_loop3A_203 : i32 to index
          %parallel_loop3A_285 = arith.constant 80 : index
          %parallel_loop3A_286 = tpu.vector_load %arg14[%parallel_loop3A_284, %parallel_loop3A_285] {strides = array<i32>} : memref<80x128xf32, #tpu.memory_space<vmem>>, vector<1x16xf32>,
          %parallel_loop3A_287 = vector.shape_cast %parallel_loop3A_286 : vector<1x16xf32> to vector<16xf32>
          %parallel_loop3A_288 = arith.mulf %get3A_17, %parallel_loop3A_287 : vector<16xf32>
          %parallel_loop3A_289 = arith.index_cast %parallel_loop3A_203 : i32 to index
          %parallel_loop3A_290 = arith.constant 80 : index
          %parallel_loop3A_291 = tpu.vector_load %arg15[%parallel_loop3A_289, %parallel_loop3A_290] {strides = array<i32>} : memref<80x128xf32, #tpu.memory_space<vmem>>, vector<1x16xf32>,
          %parallel_loop3A_292 = vector.shape_cast %parallel_loop3A_291 : vector<1x16xf32> to vector<16xf32>
          %parallel_loop3A_293 = arith.mulf %get3A_41, %parallel_loop3A_292 : vector<16xf32>
          %parallel_loop3A_294 = arith.addf %parallel_loop3A_288, %parallel_loop3A_293 : vector<16xf32>
          %parallel_loop3A_295 = arith.index_cast %parallel_loop3A_203 : i32 to index
          %parallel_loop3A_296 = arith.constant 80 : index
          %parallel_loop3A_297 = tpu.vector_load %arg14[%parallel_loop3A_295, %parallel_loop3A_296] {strides = array<i32>} : memref<80x128xf32, #tpu.memory_space<vmem>>, vector<1x16xf32>,
          %parallel_loop3A_298 = vector.shape_cast %parallel_loop3A_297 : vector<1x16xf32> to vector<16xf32>
          %parallel_loop3A_299 = vector.shape_cast %parallel_loop3A_294 : vector<16xf32> to vector<1x16xf32>
          tpu.vector_store %arg14[%parallel_loop3A_295, %parallel_loop3A_296], %parallel_loop3A_299 {strides = array<i32>} : memref<80x128xf32, #tpu.memory_space<vmem>>, vector<1x16xf32>,
          %parallel_loop3A_300 = arith.index_cast %parallel_loop3A_203 : i32 to index
          %parallel_loop3A_301 = arith.constant 96 : index
          %parallel_loop3A_302 = tpu.vector_load %arg14[%parallel_loop3A_300, %parallel_loop3A_301] {strides = array<i32>} : memref<80x128xf32, #tpu.memory_space<vmem>>, vector<1x16xf32>,
          %parallel_loop3A_303 = vector.shape_cast %parallel_loop3A_302 : vector<1x16xf32> to vector<16xf32>
          %parallel_loop3A_304 = arith.mulf %get3A_20, %parallel_loop3A_303 : vector<16xf32>
          %parallel_loop3A_305 = arith.index_cast %parallel_loop3A_203 : i32 to index
          %parallel_loop3A_306 = arith.constant 96 : index
          %parallel_loop3A_307 = tpu.vector_load %arg15[%parallel_loop3A_305, %parallel_loop3A_306] {strides = array<i32>} : memref<80x128xf32, #tpu.memory_space<vmem>>, vector<1x16xf32>,
          %parallel_loop3A_308 = vector.shape_cast %parallel_loop3A_307 : vector<1x16xf32> to vector<16xf32>
          %parallel_loop3A_309 = arith.mulf %get3A_44, %parallel_loop3A_308 : vector<16xf32>
          %parallel_loop3A_310 = arith.addf %parallel_loop3A_304, %parallel_loop3A_309 : vector<16xf32>
          %parallel_loop3A_311 = arith.index_cast %parallel_loop3A_203 : i32 to index
          %parallel_loop3A_312 = arith.constant 96 : index
          %parallel_loop3A_313 = tpu.vector_load %arg14[%parallel_loop3A_311, %parallel_loop3A_312] {strides = array<i32>} : memref<80x128xf32, #tpu.memory_space<vmem>>, vector<1x16xf32>,
          %parallel_loop3A_314 = vector.shape_cast %parallel_loop3A_313 : vector<1x16xf32> to vector<16xf32>
          %parallel_loop3A_315 = vector.shape_cast %parallel_loop3A_310 : vector<16xf32> to vector<1x16xf32>
          tpu.vector_store %arg14[%parallel_loop3A_311, %parallel_loop3A_312], %parallel_loop3A_315 {strides = array<i32>} : memref<80x128xf32, #tpu.memory_space<vmem>>, vector<1x16xf32>,
          %parallel_loop3A_316 = arith.index_cast %parallel_loop3A_203 : i32 to index
          %parallel_loop3A_317 = arith.constant 112 : index
          %parallel_loop3A_318 = tpu.vector_load %arg14[%parallel_loop3A_316, %parallel_loop3A_317] {strides = array<i32>} : memref<80x128xf32, #tpu.memory_space<vmem>>, vector<1x16xf32>,
          %parallel_loop3A_319 = vector.shape_cast %parallel_loop3A_318 : vector<1x16xf32> to vector<16xf32>
          %parallel_loop3A_320 = arith.mulf %get3A_23, %parallel_loop3A_319 : vector<16xf32>
          %parallel_loop3A_321 = arith.index_cast %parallel_loop3A_203 : i32 to index
          %parallel_loop3A_322 = arith.constant 112 : index
          %parallel_loop3A_323 = tpu.vector_load %arg15[%parallel_loop3A_321, %parallel_loop3A_322] {strides = array<i32>} : memref<80x128xf32, #tpu.memory_space<vmem>>, vector<1x16xf32>,
          %parallel_loop3A_324 = vector.shape_cast %parallel_loop3A_323 : vector<1x16xf32> to vector<16xf32>
          %parallel_loop3A_325 = arith.mulf %get3A_47, %parallel_loop3A_324 : vector<16xf32>
          %parallel_loop3A_326 = arith.addf %parallel_loop3A_320, %parallel_loop3A_325 : vector<16xf32>
          %parallel_loop3A_327 = arith.index_cast %parallel_loop3A_203 : i32 to index
          %parallel_loop3A_328 = arith.constant 112 : index
          %parallel_loop3A_329 = tpu.vector_load %arg14[%parallel_loop3A_327, %parallel_loop3A_328] {strides = array<i32>} : memref<80x128xf32, #tpu.memory_space<vmem>>, vector<1x16xf32>,
          %parallel_loop3A_330 = vector.shape_cast %parallel_loop3A_329 : vector<1x16xf32> to vector<16xf32>
          %parallel_loop3A_331 = vector.shape_cast %parallel_loop3A_326 : vector<16xf32> to vector<1x16xf32>
          tpu.vector_store %arg14[%parallel_loop3A_327, %parallel_loop3A_328], %parallel_loop3A_331 {strides = array<i32>} : memref<80x128xf32, #tpu.memory_space<vmem>>, vector<1x16xf32>,
        } {sc.loop_unroll_factor = 4 : i64, sc.parallel_access}
        %mul3A_196 = arith.constant 80 : i32
        %mul3A_197 = arith.muli %add3A_151, %mul3A_196 : i32
        %add3A_198 = arith.addi %mul3A_49, %mul3A_197 : i32
        %dma_start3A_199 = arith.constant 0 : i32
        %dma_start3A_200 = tpu.memref_slice %arg7[%add3A_198, %dma_start3A_199] : memref<320000x128xf32, #tpu.memory_space<hbm>> -> memref<80x128xf32, #tpu.memory_space<hbm>>
        %dma_start3A_201 = arith.constant 0 : i32
        %dma_start3A_202 = tpu.memref_slice %arg7[%add3A_198, %dma_start3A_201] : memref<320000x128xf32, #tpu.memory_space<hbm>> -> memref<80x128xf32, #tpu.memory_space<hbm>>
        tpu.enqueue_dma source(%arg14 : memref<80x128xf32, #tpu.memory_space<vmem>>) target(%dma_start3A_202 : memref<80x128xf32, #tpu.memory_space<hbm>>) target_semaphore(%arg26 : memref<!tpu.dma_semaphore, #tpu.memory_space<semaphore_mem>>)
      } else {
      }
      %add3A_166 = arith.constant 3 : i32
      %add3A_167 = arith.addi %mul3A_121, %add3A_166 : i32
      %add3A_168 = arith.constant 4 : i32
      %add3A_169 = arith.addi %add3A_167, %add3A_168 : i32
      %sub3A_170 = arith.constant 1 : i32
      %sub3A_171 = arith.subi %add3A_169, %sub3A_170 : i32
      %lt3A_172 = arith.constant 125 : i32
      %lt3A_173 = arith.cmpi slt, %sub3A_171, %lt3A_172 : i32
      %convert_element_type3A_174 = arith.extui %lt3A_173 : i1 to i32
      %cond3A_175 = arith.constant 0 : i32
      %cond3A_176 = arith.cmpi ne, %convert_element_type3A_174, %cond3A_175 : i32
      scf.if %cond3A_176 {
        %ge3A = arith.constant 1 : i32
        %ge3A_182 = arith.cmpi sge, %add3A_167, %ge3A : i32
        %convert_element_type3A_183 = arith.extui %ge3A_182 : i1 to i32
        %cond3A_184 = arith.constant 0 : i32
        %cond3A_185 = arith.cmpi ne, %convert_element_type3A_183, %cond3A_184 : i32
        scf.if %cond3A_185 {
          %dma_wait3A_202 = arith.constant 0 : i32
          %dma_wait3A_203 = arith.constant 0 : i32
          %dma_wait3A_204 = tpu.memref_slice %arg7[%dma_wait3A_202, %dma_wait3A_203] : memref<320000x128xf32, #tpu.memory_space<hbm>> -> memref<80x128xf32, #tpu.memory_space<hbm>>
          %dma_wait3A_205 = arith.constant 0 : i32
          %dma_wait3A_206 = arith.constant 0 : i32
          %dma_wait3A_207 = tpu.memref_slice %arg7[%dma_wait3A_205, %dma_wait3A_206] : memref<320000x128xf32, #tpu.memory_space<hbm>> -> memref<80x128xf32, #tpu.memory_space<hbm>>
          tpu.wait_dma2 semaphore(%arg26 : memref<!tpu.dma_semaphore, #tpu.memory_space<semaphore_mem>>) src(%arg14 : memref<80x128xf32, #tpu.memory_space<vmem>>) dst(%dma_wait3A_207 : memref<80x128xf32, #tpu.memory_space<hbm>>)
        } else {
        }
        %add3A_186 = arith.constant 4 : i32
        %add3A_187 = arith.addi %add3A_167, %add3A_186 : i32
        %sub3A_188 = arith.constant 1 : i32
        %sub3A_189 = arith.subi %add3A_187, %sub3A_188 : i32
        %dma_start3A_190 = arith.constant 0 : i32
        %dma_start3A_191 = tpu.memref_slice %arg8[%sub3A_189, %dma_start3A_190] : memref<125x80xi32, #tpu.memory_space<vmem>> -> memref<1x80xi32, #tpu.memory_space<vmem>>
        %dma_start3A_192 = tpu.memref_squeeze %dma_start3A_191 : memref<1x80xi32, #tpu.memory_space<vmem>> -> memref<80xi32, #tpu.memory_space<vmem>>
        %dma_start3A_193 = arith.constant 0 : i32
        %dma_start3A_194 = arith.constant 0 : i32
        %dma_start3A_195 = tpu.memref_slice %arg2[%dma_start3A_193, %dma_start3A_194] : memref<10000x128xf32, #tpu.memory_space<hbm>> -> memref<10000x128xf32, #tpu.memory_space<hbm>>
        tpu.enqueue_indirect_dma source(%dma_start3A_195 : memref<10000x128xf32, #tpu.memory_space<hbm>>) target(%arg14 : memref<80x128xf32, #tpu.memory_space<vmem>>) offsets(%dma_start3A_192 : memref<80xi32, #tpu.memory_space<vmem>>) semaphore(%arg22 : memref<!tpu.dma_semaphore, #tpu.memory_space<semaphore_mem>>)
        %dma_start3A_196 = arith.constant 0 : i32
        %dma_start3A_197 = tpu.memref_slice %arg9[%sub3A_189, %dma_start3A_196] : memref<125x80xi32, #tpu.memory_space<vmem>> -> memref<1x80xi32, #tpu.memory_space<vmem>>
        %dma_start3A_198 = tpu.memref_squeeze %dma_start3A_197 : memref<1x80xi32, #tpu.memory_space<vmem>> -> memref<80xi32, #tpu.memory_space<vmem>>
        %dma_start3A_199 = arith.constant 0 : i32
        %dma_start3A_200 = arith.constant 0 : i32
        %dma_start3A_201 = tpu.memref_slice %arg2[%dma_start3A_199, %dma_start3A_200] : memref<10000x128xf32, #tpu.memory_space<hbm>> -> memref<10000x128xf32, #tpu.memory_space<hbm>>
        tpu.enqueue_indirect_dma source(%dma_start3A_201 : memref<10000x128xf32, #tpu.memory_space<hbm>>) target(%arg15 : memref<80x128xf32, #tpu.memory_space<vmem>>) offsets(%dma_start3A_198 : memref<80xi32, #tpu.memory_space<vmem>>) semaphore(%arg22 : memref<!tpu.dma_semaphore, #tpu.memory_space<semaphore_mem>>)
      } else {
      }
      %lt3A_177 = arith.constant 125 : i32
      %lt3A_178 = arith.cmpi slt, %add3A_167, %lt3A_177 : i32
      %convert_element_type3A_179 = arith.extui %lt3A_178 : i1 to i32
      %cond3A_180 = arith.constant 0 : i32
      %cond3A_181 = arith.cmpi ne, %convert_element_type3A_179, %cond3A_180 : i32
      scf.if %cond3A_181 {
        %dma_wait3A_182 = arith.constant 0 : i32
        %dma_wait3A_183 = arith.constant 0 : i32
        %dma_wait3A_184 = tpu.memref_slice %arg2[%dma_wait3A_182, %dma_wait3A_183] : memref<10000x128xf32, #tpu.memory_space<hbm>> -> memref<80x128xf32, #tpu.memory_space<hbm>>
        %dma_wait3A_185 = arith.constant 0 : i32
        %dma_wait3A_186 = arith.constant 0 : i32
        %dma_wait3A_187 = tpu.memref_slice %arg2[%dma_wait3A_185, %dma_wait3A_186] : memref<10000x128xf32, #tpu.memory_space<hbm>> -> memref<80x128xf32, #tpu.memory_space<hbm>>
        tpu.wait_dma2 semaphore(%arg23 : memref<!tpu.dma_semaphore, #tpu.memory_space<semaphore_mem>>) src(%dma_wait3A_187 : memref<80x128xf32, #tpu.memory_space<hbm>>) dst(%arg16 : memref<80x128xf32, #tpu.memory_space<vmem>>)
        %dma_wait3A_188 = arith.constant 0 : i32
        %dma_wait3A_189 = arith.constant 0 : i32
        %dma_wait3A_190 = tpu.memref_slice %arg2[%dma_wait3A_188, %dma_wait3A_189] : memref<10000x128xf32, #tpu.memory_space<hbm>> -> memref<80x128xf32, #tpu.memory_space<hbm>>
        %dma_wait3A_191 = arith.constant 0 : i32
        %dma_wait3A_192 = arith.constant 0 : i32
        %dma_wait3A_193 = tpu.memref_slice %arg2[%dma_wait3A_191, %dma_wait3A_192] : memref<10000x128xf32, #tpu.memory_space<hbm>> -> memref<80x128xf32, #tpu.memory_space<hbm>>
        tpu.wait_dma2 semaphore(%arg23 : memref<!tpu.dma_semaphore, #tpu.memory_space<semaphore_mem>>) src(%dma_wait3A_193 : memref<80x128xf32, #tpu.memory_space<hbm>>) dst(%arg17 : memref<80x128xf32, #tpu.memory_space<vmem>>)
        %parallel_loop3A = arith.constant 0 : i32
        %parallel_loop3A_194 = arith.constant 80 : i32
        %parallel_loop3A_195 = arith.constant 1 : i32
        scf.for %parallel_loop3A_203 = %parallel_loop3A to %parallel_loop3A_194 step %parallel_loop3A_195  : i32 {
          %parallel_loop3A_204 = arith.index_cast %parallel_loop3A_203 : i32 to index
          %parallel_loop3A_205 = arith.constant 0 : index
          %parallel_loop3A_206 = tpu.vector_load %arg16[%parallel_loop3A_204, %parallel_loop3A_205] {strides = array<i32>} : memref<80x128xf32, #tpu.memory_space<vmem>>, vector<1x16xf32>,
          %parallel_loop3A_207 = vector.shape_cast %parallel_loop3A_206 : vector<1x16xf32> to vector<16xf32>
          %parallel_loop3A_208 = arith.mulf %get3A_2, %parallel_loop3A_207 : vector<16xf32>
          %parallel_loop3A_209 = arith.index_cast %parallel_loop3A_203 : i32 to index
          %parallel_loop3A_210 = arith.constant 0 : index
          %parallel_loop3A_211 = tpu.vector_load %arg17[%parallel_loop3A_209, %parallel_loop3A_210] {strides = array<i32>} : memref<80x128xf32, #tpu.memory_space<vmem>>, vector<1x16xf32>,
          %parallel_loop3A_212 = vector.shape_cast %parallel_loop3A_211 : vector<1x16xf32> to vector<16xf32>
          %parallel_loop3A_213 = arith.mulf %get3A_26, %parallel_loop3A_212 : vector<16xf32>
          %parallel_loop3A_214 = arith.addf %parallel_loop3A_208, %parallel_loop3A_213 : vector<16xf32>
          %parallel_loop3A_215 = arith.index_cast %parallel_loop3A_203 : i32 to index
          %parallel_loop3A_216 = arith.constant 0 : index
          %parallel_loop3A_217 = tpu.vector_load %arg16[%parallel_loop3A_215, %parallel_loop3A_216] {strides = array<i32>} : memref<80x128xf32, #tpu.memory_space<vmem>>, vector<1x16xf32>,
          %parallel_loop3A_218 = vector.shape_cast %parallel_loop3A_217 : vector<1x16xf32> to vector<16xf32>
          %parallel_loop3A_219 = vector.shape_cast %parallel_loop3A_214 : vector<16xf32> to vector<1x16xf32>
          tpu.vector_store %arg16[%parallel_loop3A_215, %parallel_loop3A_216], %parallel_loop3A_219 {strides = array<i32>} : memref<80x128xf32, #tpu.memory_space<vmem>>, vector<1x16xf32>,
          %parallel_loop3A_220 = arith.index_cast %parallel_loop3A_203 : i32 to index
          %parallel_loop3A_221 = arith.constant 16 : index
          %parallel_loop3A_222 = tpu.vector_load %arg16[%parallel_loop3A_220, %parallel_loop3A_221] {strides = array<i32>} : memref<80x128xf32, #tpu.memory_space<vmem>>, vector<1x16xf32>,
          %parallel_loop3A_223 = vector.shape_cast %parallel_loop3A_222 : vector<1x16xf32> to vector<16xf32>
          %parallel_loop3A_224 = arith.mulf %get3A_5, %parallel_loop3A_223 : vector<16xf32>
          %parallel_loop3A_225 = arith.index_cast %parallel_loop3A_203 : i32 to index
          %parallel_loop3A_226 = arith.constant 16 : index
          %parallel_loop3A_227 = tpu.vector_load %arg17[%parallel_loop3A_225, %parallel_loop3A_226] {strides = array<i32>} : memref<80x128xf32, #tpu.memory_space<vmem>>, vector<1x16xf32>,
          %parallel_loop3A_228 = vector.shape_cast %parallel_loop3A_227 : vector<1x16xf32> to vector<16xf32>
          %parallel_loop3A_229 = arith.mulf %get3A_29, %parallel_loop3A_228 : vector<16xf32>
          %parallel_loop3A_230 = arith.addf %parallel_loop3A_224, %parallel_loop3A_229 : vector<16xf32>
          %parallel_loop3A_231 = arith.index_cast %parallel_loop3A_203 : i32 to index
          %parallel_loop3A_232 = arith.constant 16 : index
          %parallel_loop3A_233 = tpu.vector_load %arg16[%parallel_loop3A_231, %parallel_loop3A_232] {strides = array<i32>} : memref<80x128xf32, #tpu.memory_space<vmem>>, vector<1x16xf32>,
          %parallel_loop3A_234 = vector.shape_cast %parallel_loop3A_233 : vector<1x16xf32> to vector<16xf32>
          %parallel_loop3A_235 = vector.shape_cast %parallel_loop3A_230 : vector<16xf32> to vector<1x16xf32>
          tpu.vector_store %arg16[%parallel_loop3A_231, %parallel_loop3A_232], %parallel_loop3A_235 {strides = array<i32>} : memref<80x128xf32, #tpu.memory_space<vmem>>, vector<1x16xf32>,
          %parallel_loop3A_236 = arith.index_cast %parallel_loop3A_203 : i32 to index
          %parallel_loop3A_237 = arith.constant 32 : index
          %parallel_loop3A_238 = tpu.vector_load %arg16[%parallel_loop3A_236, %parallel_loop3A_237] {strides = array<i32>} : memref<80x128xf32, #tpu.memory_space<vmem>>, vector<1x16xf32>,
          %parallel_loop3A_239 = vector.shape_cast %parallel_loop3A_238 : vector<1x16xf32> to vector<16xf32>
          %parallel_loop3A_240 = arith.mulf %get3A_8, %parallel_loop3A_239 : vector<16xf32>
          %parallel_loop3A_241 = arith.index_cast %parallel_loop3A_203 : i32 to index
          %parallel_loop3A_242 = arith.constant 32 : index
          %parallel_loop3A_243 = tpu.vector_load %arg17[%parallel_loop3A_241, %parallel_loop3A_242] {strides = array<i32>} : memref<80x128xf32, #tpu.memory_space<vmem>>, vector<1x16xf32>,
          %parallel_loop3A_244 = vector.shape_cast %parallel_loop3A_243 : vector<1x16xf32> to vector<16xf32>
          %parallel_loop3A_245 = arith.mulf %get3A_32, %parallel_loop3A_244 : vector<16xf32>
          %parallel_loop3A_246 = arith.addf %parallel_loop3A_240, %parallel_loop3A_245 : vector<16xf32>
          %parallel_loop3A_247 = arith.index_cast %parallel_loop3A_203 : i32 to index
          %parallel_loop3A_248 = arith.constant 32 : index
          %parallel_loop3A_249 = tpu.vector_load %arg16[%parallel_loop3A_247, %parallel_loop3A_248] {strides = array<i32>} : memref<80x128xf32, #tpu.memory_space<vmem>>, vector<1x16xf32>,
          %parallel_loop3A_250 = vector.shape_cast %parallel_loop3A_249 : vector<1x16xf32> to vector<16xf32>
          %parallel_loop3A_251 = vector.shape_cast %parallel_loop3A_246 : vector<16xf32> to vector<1x16xf32>
          tpu.vector_store %arg16[%parallel_loop3A_247, %parallel_loop3A_248], %parallel_loop3A_251 {strides = array<i32>} : memref<80x128xf32, #tpu.memory_space<vmem>>, vector<1x16xf32>,
          %parallel_loop3A_252 = arith.index_cast %parallel_loop3A_203 : i32 to index
          %parallel_loop3A_253 = arith.constant 48 : index
          %parallel_loop3A_254 = tpu.vector_load %arg16[%parallel_loop3A_252, %parallel_loop3A_253] {strides = array<i32>} : memref<80x128xf32, #tpu.memory_space<vmem>>, vector<1x16xf32>,
          %parallel_loop3A_255 = vector.shape_cast %parallel_loop3A_254 : vector<1x16xf32> to vector<16xf32>
          %parallel_loop3A_256 = arith.mulf %get3A_11, %parallel_loop3A_255 : vector<16xf32>
          %parallel_loop3A_257 = arith.index_cast %parallel_loop3A_203 : i32 to index
          %parallel_loop3A_258 = arith.constant 48 : index
          %parallel_loop3A_259 = tpu.vector_load %arg17[%parallel_loop3A_257, %parallel_loop3A_258] {strides = array<i32>} : memref<80x128xf32, #tpu.memory_space<vmem>>, vector<1x16xf32>,
          %parallel_loop3A_260 = vector.shape_cast %parallel_loop3A_259 : vector<1x16xf32> to vector<16xf32>
          %parallel_loop3A_261 = arith.mulf %get3A_35, %parallel_loop3A_260 : vector<16xf32>
          %parallel_loop3A_262 = arith.addf %parallel_loop3A_256, %parallel_loop3A_261 : vector<16xf32>
          %parallel_loop3A_263 = arith.index_cast %parallel_loop3A_203 : i32 to index
          %parallel_loop3A_264 = arith.constant 48 : index
          %parallel_loop3A_265 = tpu.vector_load %arg16[%parallel_loop3A_263, %parallel_loop3A_264] {strides = array<i32>} : memref<80x128xf32, #tpu.memory_space<vmem>>, vector<1x16xf32>,
          %parallel_loop3A_266 = vector.shape_cast %parallel_loop3A_265 : vector<1x16xf32> to vector<16xf32>
          %parallel_loop3A_267 = vector.shape_cast %parallel_loop3A_262 : vector<16xf32> to vector<1x16xf32>
          tpu.vector_store %arg16[%parallel_loop3A_263, %parallel_loop3A_264], %parallel_loop3A_267 {strides = array<i32>} : memref<80x128xf32, #tpu.memory_space<vmem>>, vector<1x16xf32>,
          %parallel_loop3A_268 = arith.index_cast %parallel_loop3A_203 : i32 to index
          %parallel_loop3A_269 = arith.constant 64 : index
          %parallel_loop3A_270 = tpu.vector_load %arg16[%parallel_loop3A_268, %parallel_loop3A_269] {strides = array<i32>} : memref<80x128xf32, #tpu.memory_space<vmem>>, vector<1x16xf32>,
          %parallel_loop3A_271 = vector.shape_cast %parallel_loop3A_270 : vector<1x16xf32> to vector<16xf32>
          %parallel_loop3A_272 = arith.mulf %get3A_14, %parallel_loop3A_271 : vector<16xf32>
          %parallel_loop3A_273 = arith.index_cast %parallel_loop3A_203 : i32 to index
          %parallel_loop3A_274 = arith.constant 64 : index
          %parallel_loop3A_275 = tpu.vector_load %arg17[%parallel_loop3A_273, %parallel_loop3A_274] {strides = array<i32>} : memref<80x128xf32, #tpu.memory_space<vmem>>, vector<1x16xf32>,
          %parallel_loop3A_276 = vector.shape_cast %parallel_loop3A_275 : vector<1x16xf32> to vector<16xf32>
          %parallel_loop3A_277 = arith.mulf %get3A_38, %parallel_loop3A_276 : vector<16xf32>
          %parallel_loop3A_278 = arith.addf %parallel_loop3A_272, %parallel_loop3A_277 : vector<16xf32>
          %parallel_loop3A_279 = arith.index_cast %parallel_loop3A_203 : i32 to index
          %parallel_loop3A_280 = arith.constant 64 : index
          %parallel_loop3A_281 = tpu.vector_load %arg16[%parallel_loop3A_279, %parallel_loop3A_280] {strides = array<i32>} : memref<80x128xf32, #tpu.memory_space<vmem>>, vector<1x16xf32>,
          %parallel_loop3A_282 = vector.shape_cast %parallel_loop3A_281 : vector<1x16xf32> to vector<16xf32>
          %parallel_loop3A_283 = vector.shape_cast %parallel_loop3A_278 : vector<16xf32> to vector<1x16xf32>
          tpu.vector_store %arg16[%parallel_loop3A_279, %parallel_loop3A_280], %parallel_loop3A_283 {strides = array<i32>} : memref<80x128xf32, #tpu.memory_space<vmem>>, vector<1x16xf32>,
          %parallel_loop3A_284 = arith.index_cast %parallel_loop3A_203 : i32 to index
          %parallel_loop3A_285 = arith.constant 80 : index
          %parallel_loop3A_286 = tpu.vector_load %arg16[%parallel_loop3A_284, %parallel_loop3A_285] {strides = array<i32>} : memref<80x128xf32, #tpu.memory_space<vmem>>, vector<1x16xf32>,
          %parallel_loop3A_287 = vector.shape_cast %parallel_loop3A_286 : vector<1x16xf32> to vector<16xf32>
          %parallel_loop3A_288 = arith.mulf %get3A_17, %parallel_loop3A_287 : vector<16xf32>
          %parallel_loop3A_289 = arith.index_cast %parallel_loop3A_203 : i32 to index
          %parallel_loop3A_290 = arith.constant 80 : index
          %parallel_loop3A_291 = tpu.vector_load %arg17[%parallel_loop3A_289, %parallel_loop3A_290] {strides = array<i32>} : memref<80x128xf32, #tpu.memory_space<vmem>>, vector<1x16xf32>,
          %parallel_loop3A_292 = vector.shape_cast %parallel_loop3A_291 : vector<1x16xf32> to vector<16xf32>
          %parallel_loop3A_293 = arith.mulf %get3A_41, %parallel_loop3A_292 : vector<16xf32>
          %parallel_loop3A_294 = arith.addf %parallel_loop3A_288, %parallel_loop3A_293 : vector<16xf32>
          %parallel_loop3A_295 = arith.index_cast %parallel_loop3A_203 : i32 to index
          %parallel_loop3A_296 = arith.constant 80 : index
          %parallel_loop3A_297 = tpu.vector_load %arg16[%parallel_loop3A_295, %parallel_loop3A_296] {strides = array<i32>} : memref<80x128xf32, #tpu.memory_space<vmem>>, vector<1x16xf32>,
          %parallel_loop3A_298 = vector.shape_cast %parallel_loop3A_297 : vector<1x16xf32> to vector<16xf32>
          %parallel_loop3A_299 = vector.shape_cast %parallel_loop3A_294 : vector<16xf32> to vector<1x16xf32>
          tpu.vector_store %arg16[%parallel_loop3A_295, %parallel_loop3A_296], %parallel_loop3A_299 {strides = array<i32>} : memref<80x128xf32, #tpu.memory_space<vmem>>, vector<1x16xf32>,
          %parallel_loop3A_300 = arith.index_cast %parallel_loop3A_203 : i32 to index
          %parallel_loop3A_301 = arith.constant 96 : index
          %parallel_loop3A_302 = tpu.vector_load %arg16[%parallel_loop3A_300, %parallel_loop3A_301] {strides = array<i32>} : memref<80x128xf32, #tpu.memory_space<vmem>>, vector<1x16xf32>,
          %parallel_loop3A_303 = vector.shape_cast %parallel_loop3A_302 : vector<1x16xf32> to vector<16xf32>
          %parallel_loop3A_304 = arith.mulf %get3A_20, %parallel_loop3A_303 : vector<16xf32>
          %parallel_loop3A_305 = arith.index_cast %parallel_loop3A_203 : i32 to index
          %parallel_loop3A_306 = arith.constant 96 : index
          %parallel_loop3A_307 = tpu.vector_load %arg17[%parallel_loop3A_305, %parallel_loop3A_306] {strides = array<i32>} : memref<80x128xf32, #tpu.memory_space<vmem>>, vector<1x16xf32>,
          %parallel_loop3A_308 = vector.shape_cast %parallel_loop3A_307 : vector<1x16xf32> to vector<16xf32>
          %parallel_loop3A_309 = arith.mulf %get3A_44, %parallel_loop3A_308 : vector<16xf32>
          %parallel_loop3A_310 = arith.addf %parallel_loop3A_304, %parallel_loop3A_309 : vector<16xf32>
          %parallel_loop3A_311 = arith.index_cast %parallel_loop3A_203 : i32 to index
          %parallel_loop3A_312 = arith.constant 96 : index
          %parallel_loop3A_313 = tpu.vector_load %arg16[%parallel_loop3A_311, %parallel_loop3A_312] {strides = array<i32>} : memref<80x128xf32, #tpu.memory_space<vmem>>, vector<1x16xf32>,
          %parallel_loop3A_314 = vector.shape_cast %parallel_loop3A_313 : vector<1x16xf32> to vector<16xf32>
          %parallel_loop3A_315 = vector.shape_cast %parallel_loop3A_310 : vector<16xf32> to vector<1x16xf32>
          tpu.vector_store %arg16[%parallel_loop3A_311, %parallel_loop3A_312], %parallel_loop3A_315 {strides = array<i32>} : memref<80x128xf32, #tpu.memory_space<vmem>>, vector<1x16xf32>,
          %parallel_loop3A_316 = arith.index_cast %parallel_loop3A_203 : i32 to index
          %parallel_loop3A_317 = arith.constant 112 : index
          %parallel_loop3A_318 = tpu.vector_load %arg16[%parallel_loop3A_316, %parallel_loop3A_317] {strides = array<i32>} : memref<80x128xf32, #tpu.memory_space<vmem>>, vector<1x16xf32>,
          %parallel_loop3A_319 = vector.shape_cast %parallel_loop3A_318 : vector<1x16xf32> to vector<16xf32>
          %parallel_loop3A_320 = arith.mulf %get3A_23, %parallel_loop3A_319 : vector<16xf32>
          %parallel_loop3A_321 = arith.index_cast %parallel_loop3A_203 : i32 to index
          %parallel_loop3A_322 = arith.constant 112 : index
          %parallel_loop3A_323 = tpu.vector_load %arg17[%parallel_loop3A_321, %parallel_loop3A_322] {strides = array<i32>} : memref<80x128xf32, #tpu.memory_space<vmem>>, vector<1x16xf32>,
          %parallel_loop3A_324 = vector.shape_cast %parallel_loop3A_323 : vector<1x16xf32> to vector<16xf32>
          %parallel_loop3A_325 = arith.mulf %get3A_47, %parallel_loop3A_324 : vector<16xf32>
          %parallel_loop3A_326 = arith.addf %parallel_loop3A_320, %parallel_loop3A_325 : vector<16xf32>
          %parallel_loop3A_327 = arith.index_cast %parallel_loop3A_203 : i32 to index
          %parallel_loop3A_328 = arith.constant 112 : index
          %parallel_loop3A_329 = tpu.vector_load %arg16[%parallel_loop3A_327, %parallel_loop3A_328] {strides = array<i32>} : memref<80x128xf32, #tpu.memory_space<vmem>>, vector<1x16xf32>,
          %parallel_loop3A_330 = vector.shape_cast %parallel_loop3A_329 : vector<1x16xf32> to vector<16xf32>
          %parallel_loop3A_331 = vector.shape_cast %parallel_loop3A_326 : vector<16xf32> to vector<1x16xf32>
          tpu.vector_store %arg16[%parallel_loop3A_327, %parallel_loop3A_328], %parallel_loop3A_331 {strides = array<i32>} : memref<80x128xf32, #tpu.memory_space<vmem>>, vector<1x16xf32>,
        } {sc.loop_unroll_factor = 4 : i64, sc.parallel_access}
        %mul3A_196 = arith.constant 80 : i32
        %mul3A_197 = arith.muli %add3A_167, %mul3A_196 : i32
        %add3A_198 = arith.addi %mul3A_49, %mul3A_197 : i32
        %dma_start3A_199 = arith.constant 0 : i32
        %dma_start3A_200 = tpu.memref_slice %arg7[%add3A_198, %dma_start3A_199] : memref<320000x128xf32, #tpu.memory_space<hbm>> -> memref<80x128xf32, #tpu.memory_space<hbm>>
        %dma_start3A_201 = arith.constant 0 : i32
        %dma_start3A_202 = tpu.memref_slice %arg7[%add3A_198, %dma_start3A_201] : memref<320000x128xf32, #tpu.memory_space<hbm>> -> memref<80x128xf32, #tpu.memory_space<hbm>>
        tpu.enqueue_dma source(%arg16 : memref<80x128xf32, #tpu.memory_space<vmem>>) target(%dma_start3A_202 : memref<80x128xf32, #tpu.memory_space<hbm>>) target_semaphore(%arg27 : memref<!tpu.dma_semaphore, #tpu.memory_space<semaphore_mem>>)
      } else {
      }
    }
    %scan3A_95 = arith.constant 32 : i32
    %dma_wait3A = arith.constant 0 : i32
    %dma_wait3A_96 = arith.constant 0 : i32
    %dma_wait3A_97 = tpu.memref_slice %arg7[%dma_wait3A, %dma_wait3A_96] : memref<320000x128xf32, #tpu.memory_space<hbm>> -> memref<80x128xf32, #tpu.memory_space<hbm>>
    %dma_wait3A_98 = arith.constant 0 : i32
    %dma_wait3A_99 = arith.constant 0 : i32
    %dma_wait3A_100 = tpu.memref_slice %arg7[%dma_wait3A_98, %dma_wait3A_99] : memref<320000x128xf32, #tpu.memory_space<hbm>> -> memref<80x128xf32, #tpu.memory_space<hbm>>
    tpu.wait_dma2 semaphore(%arg24 : memref<!tpu.dma_semaphore, #tpu.memory_space<semaphore_mem>>) src(%arg10 : memref<80x128xf32, #tpu.memory_space<vmem>>) dst(%dma_wait3A_100 : memref<80x128xf32, #tpu.memory_space<hbm>>)
    %dma_wait3A_101 = arith.constant 0 : i32
    %dma_wait3A_102 = arith.constant 0 : i32
    %dma_wait3A_103 = tpu.memref_slice %arg7[%dma_wait3A_101, %dma_wait3A_102] : memref<320000x128xf32, #tpu.memory_space<hbm>> -> memref<80x128xf32, #tpu.memory_space<hbm>>
    %dma_wait3A_104 = arith.constant 0 : i32
    %dma_wait3A_105 = arith.constant 0 : i32
    %dma_wait3A_106 = tpu.memref_slice %arg7[%dma_wait3A_104, %dma_wait3A_105] : memref<320000x128xf32, #tpu.memory_space<hbm>> -> memref<80x128xf32, #tpu.memory_space<hbm>>
    tpu.wait_dma2 semaphore(%arg25 : memref<!tpu.dma_semaphore, #tpu.memory_space<semaphore_mem>>) src(%arg12 : memref<80x128xf32, #tpu.memory_space<vmem>>) dst(%dma_wait3A_106 : memref<80x128xf32, #tpu.memory_space<hbm>>)
    %dma_wait3A_107 = arith.constant 0 : i32
    %dma_wait3A_108 = arith.constant 0 : i32
    %dma_wait3A_109 = tpu.memref_slice %arg7[%dma_wait3A_107, %dma_wait3A_108] : memref<320000x128xf32, #tpu.memory_space<hbm>> -> memref<80x128xf32, #tpu.memory_space<hbm>>
    %dma_wait3A_110 = arith.constant 0 : i32
    %dma_wait3A_111 = arith.constant 0 : i32
    %dma_wait3A_112 = tpu.memref_slice %arg7[%dma_wait3A_110, %dma_wait3A_111] : memref<320000x128xf32, #tpu.memory_space<hbm>> -> memref<80x128xf32, #tpu.memory_space<hbm>>
    tpu.wait_dma2 semaphore(%arg26 : memref<!tpu.dma_semaphore, #tpu.memory_space<semaphore_mem>>) src(%arg14 : memref<80x128xf32, #tpu.memory_space<vmem>>) dst(%dma_wait3A_112 : memref<80x128xf32, #tpu.memory_space<hbm>>)
    %dma_wait3A_113 = arith.constant 0 : i32
    %dma_wait3A_114 = arith.constant 0 : i32
    %dma_wait3A_115 = tpu.memref_slice %arg7[%dma_wait3A_113, %dma_wait3A_114] : memref<320000x128xf32, #tpu.memory_space<hbm>> -> memref<80x128xf32, #tpu.memory_space<hbm>>
    %dma_wait3A_116 = arith.constant 0 : i32
    %dma_wait3A_117 = arith.constant 0 : i32
    %dma_wait3A_118 = tpu.memref_slice %arg7[%dma_wait3A_116, %dma_wait3A_117] : memref<320000x128xf32, #tpu.memory_space<hbm>> -> memref<80x128xf32, #tpu.memory_space<hbm>>
    tpu.wait_dma2 semaphore(%arg27 : memref<!tpu.dma_semaphore, #tpu.memory_space<semaphore_mem>>) src(%arg16 : memref<80x128xf32, #tpu.memory_space<vmem>>) dst(%dma_wait3A_118 : memref<80x128xf32, #tpu.memory_space<hbm>>)
    return
  }
}

</mosaic_0001>

<sc_bundles>
// kernel: kernel.3.cloned.1.call-start
scs
__scs_entry_jumppad:
0x0: {  	(pc) =	sbr.rel $0x88, $3  }
0x1: {  	(tag) =	ssettag $0x0;
	lr =	simm.s32 $0x1  }
0x2: {  	[smem:$0x3F9D] =	sst lr;
	_ =	strace $0xD0000000  }
0x3: {  	_ = 	snop  }
0x4: {  	_ = 	snop  }
0x5: {  	_ = 	snop  }
0x6: {  	_ = 	snop  }
0x7: {  	_ = 	snop  }
__scs_overlays_trampoline_lowered:
0x8: {  	[smem:$0x3FAC] =	sst s0  }
0x9: {  	[smem:$0x3FAD] =	sst s1  }
0xa: {  	[smem:$0x3FAE] =	sst s2  }
0xb: {  	[smem:$0x3FAF] =	sst s3  }
0xc: {  	[smem:$0x3FB0] =	sst s4  }
0xd: {  	[smem:$0x3FB1] =	sst s5  }
0xe: {  	[smem:$0x3FB2] =	sst s6  }
0xf: {  	[smem:$0x3FB3] =	sst s7  }
0x10: {  	[smem:$0x3FB4] =	sst s8  }
0x11: {  	[smem:$0x3FB5] =	sst s9;
	s0 =	simm.s32 @!p0 $0x0  }
0x12: {  	s1 =	sld [smem:$0x3F9B];
	s0 =	simm.s32 @p0 $0x1  }
0x13: {  	[smem:$0x3FB6] =	sst s0;
	s0 =	simm.s32 @!p1 $0x0  }
0x14: {  	s2 =	sld [smem:$0x3F9A];
	s0 =	simm.s32 @p1 $0x1  }
0x15: {  	[smem:$0x3FB7] =	sst s0;
	s0 =	simm.s32 @!p2 $0x0  }
0x16: {  	s3 =	sld [smem:$0x3FDB];
	s0 =	simm.s32 @p2 $0x1  }
0x17: {  	s4 =	simm.s32 $0x1BF5;
	[smem:$0x3FB9] =	sst s0  }
0x18: {  	s0 =	sld [smem:$0x3F9C];
	_ =	swait.ge [sflag:s4], $0x0  }
0x19: {  	s7 =	sld [smem:$0x3F9D]  }
0x1a: {  	s8 =	sadd.s32 $0xFFFFE003, lr  }
0x1b: {  	s9 =	sadd.s32 $0xFFFFFEF7, lr;
	s5 =	simm.s32 $0xFFFFFFFF;
	p2 =	slt.u32 s8, $0xFFFFF086  }
0x1c: {  	p1 =	slt.u32 s9, $0xF7A;
	s5 =	simm.s32 @!p2 $0x0  }
0x1d: {  	s5 =	simm.s32 @p1 $0x1;
	p0 =	seq.s32 s7, s2  }
0x1e: {  	s7 =	smul.u32 @!p0 $0xF7A, s2;
	p2 =	seq.s32 @!p0 s5, $0x0  }
0x1f: {  	s9 =	smul.u32 $0xF7A, s1;
	s8 =	simm.s32 @!p0 $0x1BF5;
	p2 =	por !p2, p0  }
0x20: {  	[sflag:s8] =	ssyncset.s32 @!p0 $0xFFFFF086;
	s6 =	sadd.s32 @!p0 s3, s7;
	s7 =	simm.s32 @!p0 $0x108  }
0x21: {  	s3 =	sadd.s32 s3, s9;
	s6 =	sadd.s32 @!p0 $0x88, s6;
	s7 =	simm.s32 @p2 $0x1082  }
0x22: {  	[simem:s7], [sflag:s8] =	dma.local @!p0 [hbm:s6], $0xF7A  }
0x23: {  	s9 =	sor.u32 $0xD0000000, s2;
	s6 =	simm.s32 $0x108;
	_ =	swait.ge @!p0 [sflag:s8], $0x0  }
0x24: {  	s3 =	sadd.s32 $0x88, s3;
	s6 =	simm.s32 @!p1 $0x1082;
	[sflag:s4] =	ssyncset.s32 $0xFFFFF086  }
0x25: {  	[simem:s6], [sflag:s4] =	dma.local [hbm:s3], $0xF7A  }
0x26: {  	[smem:$0x3F9D] =	sst s1;
	(tag) =	ssettag s2;
	_ =	strace s9  }
0x27: {  	s1 =	sld [smem:$0x3FAD]  }
0x28: {  	s2 =	sld [smem:$0x3FAE]  }
0x29: {  	s4 =	sld [smem:$0x3FB0]  }
0x2a: {  	p0 =	seq.s32 s5, $0x0;
	s5 =	sld [smem:$0x3FB1]  }
0x2b: {  	s6 =	sld [smem:$0x3FB2]  }
0x2c: {  	s7 =	sld [smem:$0x3FB3]  }
0x2d: {  	s3 =	simm.s32 $0x108;
	s8 =	sld [smem:$0x3FB4]  }
0x2e: {  	s3 =	simm.s32 @!p0 $0x1082;
	s9 =	sld [smem:$0x3FB5]  }
0x2f: {  	lr =	sadd.s32 s0, s3;
	s0 =	sld [smem:$0x3FAC]  }
0x30: {  	s3 =	sld [smem:$0x3FAF]  }
0x31: {  	[smem:$0x3FB8] =	sst s10  }
0x32: {  	s10 =	sld [smem:$0x3FB6];
	_ =	sdelay $0x3  }
0x33: {  	p0 =	seq.s32 s10, $0x1;
	s10 =	sld [smem:$0x3FB8];
	_ =	sdelay $0x3  }
0x34: {  	[smem:$0x3FB8] =	sst s10  }
0x35: {  	s10 =	sld [smem:$0x3FB7];
	_ =	sdelay $0x3  }
0x36: {  	p1 =	seq.s32 s10, $0x1;
	s10 =	sld [smem:$0x3FB8];
	_ =	sdelay $0x3  }
0x37: {  	[smem:$0x3FB8] =	sst s10  }
0x38: {  	s10 =	sld [smem:$0x3FB9]  }
0x39: {  	_ = 	snop;
	(pc) =	sbr.ind lr, $3  }
0x3a: {  	_ = 	snop  }
0x3b: {  	_ = 	snop  }
0x3c: {  	p2 =	seq.s32 s10, $0x1;
	s10 =	sld [smem:$0x3FB8]  }
0x3d: {  	_ =	shalt  }
0x3e: {  	_ =	shalt  }
0x3f: {  	_ =	shalt  }
0x40: {  	_ =	shalt  }
0x41: {  	_ =	shalt  }
0x42: {  	_ =	shalt  }
0x43: {  	_ =	shalt  }
0x44: {  	_ =	shalt  }
0x45: {  	_ =	shalt  }
0x46: {  	_ =	shalt  }
0x47: {  	_ =	shalt  }
0x48: {  	_ =	shalt  }
0x49: {  	_ =	shalt  }
0x4a: {  	_ =	shalt  }
0x4b: {  	_ =	shalt  }
0x4c: {  	_ =	shalt  }
0x4d: {  	_ =	shalt  }
0x4e: {  	_ =	shalt  }
0x4f: {  	_ =	shalt  }
0x50: {  	_ =	shalt  }
0x51: {  	_ =	shalt  }
0x52: {  	_ =	shalt  }
0x53: {  	_ =	shalt  }
0x54: {  	_ =	shalt  }
0x55: {  	_ =	shalt  }
0x56: {  	_ =	shalt  }
0x57: {  	_ =	shalt  }
0x58: {  	_ =	shalt  }
0x59: {  	_ =	shalt  }
0x5a: {  	_ =	shalt  }
0x5b: {  	_ =	shalt  }
0x5c: {  	_ =	shalt  }
0x5d: {  	_ =	shalt  }
0x5e: {  	_ =	shalt  }
0x5f: {  	_ =	shalt  }
0x60: {  	_ =	shalt  }
0x61: {  	_ =	shalt  }
0x62: {  	_ =	shalt  }
0x63: {  	_ =	shalt  }
0x64: {  	_ =	shalt  }
0x65: {  	_ =	shalt  }
0x66: {  	_ =	shalt  }
0x67: {  	_ =	shalt  }
0x68: {  	_ =	shalt  }
0x69: {  	_ =	shalt  }
0x6a: {  	_ =	shalt  }
0x6b: {  	_ =	shalt  }
0x6c: {  	_ =	shalt  }
0x6d: {  	_ =	shalt  }
0x6e: {  	_ =	shalt  }
0x6f: {  	_ =	shalt  }
0x70: {  	_ =	shalt  }
0x71: {  	_ =	shalt  }
0x72: {  	_ =	shalt  }
0x73: {  	_ =	shalt  }
0x74: {  	_ =	shalt  }
0x75: {  	_ =	shalt  }
0x76: {  	_ =	shalt  }
0x77: {  	_ =	shalt  }
0x78: {  	_ =	shalt  }
0x79: {  	_ =	shalt  }
0x7a: {  	_ =	shalt  }
0x7b: {  	_ =	shalt  }
0x7c: {  	_ =	shalt  }
0x7d: {  	_ =	shalt  }
0x7e: {  	_ =	shalt  }
0x7f: {  	_ =	shalt  }
0x80: {  	_ =	shalt  }
0x81: {  	_ =	shalt  }
0x82: {  	_ =	shalt  }
0x83: {  	_ =	shalt  }
0x84: {  	_ =	shalt  }
0x85: {  	_ =	shalt  }
0x86: {  	_ =	shalt  }
0x87: {  	_ =	shalt  }
.Lfunc_end0:
.L_simem_size_0:
called_computation_lowered:
.L_overlay_start_0:
0x88: {  	s2 =	sld [smem:$0x3FD9]  }
0x89: {  	s3 =	sld [smem:$0x3FFE];
	_ =	sdelay $0x1  }
0x8a: {  	s1 =	srdreg.scid  }
0x8b: {  	s0 =	sand.u32 $0x1, s1  }
0x8c: {  	s17 =	sshll.u32 s0, $0xA;
	s2 =	sadd.s32 s3, s2  }
0x8d: {  	s2 =	sadd.s32 s2, s17  }
0x8e: {  	[smem:$0x3FC4] =	sst s2  }
0x8f: {  	_ = 	snop  }
0x90: {  	s2 =	sld [smem:$0x3FC9]  }
0x91: {  	s18 =	sld [smem:$0x3FC7]  }
0x92: {  	s4 =	sld [smem:$0x3FC6]  }
0x93: {  	s5 =	sld [smem:$0x3FD0];
	(tm) =	ssettm $0x1  }
0x94: {  	s6 =	sld [smem:$0x3FFB];
	_ =	sdelay $0x3  }
0x95: {  	_ =	strace s6  }
0x96: {  	s6 =	sld [smem:$0x3FFC];
	_ =	sdelay $0x3  }
0x97: {  	_ =	strace s6  }
0x98: {  	s6 =	sld [smem:$0x3FFD];
	_ =	sdelay $0x3  }
0x99: {  	_ =	strace s6  }
0x9a: {  	_ =	strace $0x8FFFFFFF  }
0x9b: {  	s19 =	sld [smem:$0x3FDB];
	_ =	sdelay $0x1  }
0x9c: {  	s7 =	simm.s32 $_scs_section_size  }
0x9d: {  	s8 =	simm.s32 $_size__tile_overlayer_lowered;
	s9 =	simm.s32 $_tile_overlayer_lowered  }
0x9e: {  	s22 =	simm.s32 $0x1BFF;
	s21 =	sshll.u32 s9, $0x1;
	s6 =	sadd.s32 s7, s19  }
0x9f: {  	s10 =	simm.s32 $0x0;
	s20 =	sshll.u32 s8, $0x1;
	s8 =	sadd.s32 s21, s6  }
0xa0: {  	[timem:s10], [sflag:s22] =	dma.local [hbm:s8], s20  }
0xa1: {  	_ =	swait.ge [sflag:s22], s20  }
0xa2: {  	s7 =	ssub.s32 $0x0, s20;
	[sflag:s22] =	ssyncset.done $0x0  }
0xa3: {  	[sflag:s22] =	ssyncadd.s32 s7;
	_ =	sdelay $0x1  }
0xa4: {  	s23 =	simm.s32 $0x1B8B  }
0xa5: {  	_ =	swait.ge [sflag:s23], $0x1  }
0xa6: {  	[sflag:s23] =	ssyncset.done $0x0  }
0xa7: {  	s25 =	simm.s32 $0x1B8E;
	s24 =	sld [smem:$0x3FFE];
	[sflag:s23] =	ssyncadd.s32 $0xFFFFFFFF  }
0xa8: {  	s26 =	simm.s32 $execute0_lowered;
	[smem:$0x3FD2] =	sst s25  }
0xa9: {  	s8 =	sshll.u32 s26, $0x1;
	_ =	strace $0x80000046;
	[dreg:$0x1] =	wrdreg $0xFFFFFFFF  }
0xaa: {  	s28 =	simm.s32 $_size_execute0_lowered;
	s6 =	sadd.s32 s6, s8;
	[dreg:$0x0] =	wrdreg $0x0  }
0xab: {  	s8 =	sshll.u32 s28, $0x1;
	[dreg:$0x2] =	wrdreg s6  }
0xac: {  	[dreg:$0x3] =	wrdreg s8  }
0xad: {  	[dreg:$0x4] =	wrdreg $0xC0  }
0xae: {  	_ =	task [dreg:s10], $0x5FFFF  }
0xaf: {  	[dreg:$0x1] =	wrdreg $0xFFFFFFFF  }
0xb0: {  	[dreg:$0x0] =	wrdreg $0x60  }
0xb1: {  	[dreg:$0x2] =	wrdreg s2  }
0xb2: {  	[dreg:$0x3] =	wrdreg s24  }
0xb3: {  	[dreg:$0x4] =	wrdreg s18  }
0xb4: {  	[dreg:$0x5] =	wrdreg s4  }
0xb5: {  	[dreg:$0x6] =	wrdreg s5  }
0xb6: {  	[dreg:$0x7] =	wrdreg $0x9  }
0xb7: {  	_ =	task.clear_ibuf [dreg:s10], $0x8FFFF;
	_ =	strace $0x90000046  }
0xb8: {  	s29 =	simm.s32 $0x9;
	_ =	strace $0x80000048  }
0xb9: {  	_ =	swait.ge [sflag:s29], $0x1  }
0xba: {  	[sflag:s29] =	ssyncadd.s32 $0xFFFFFFFF  }
0xbb: {  	_ =	strace $0x90000048  }
0xbc: {  	_ =	sfence  }
0xbd: {  	s30 =	sld [smem:$0x0];
	_ =	sdelay $0x2  }
0xbe: {  	s31 =	sshll.u32 s1, $0xD;
	s1 =	sshrl.u32 s1, $0x2  }
0xbf: {  	s3 =	sand.u32 $0x4000, s31;
	s1 =	sadd.s32 s1, s30  }
0xc0: {  	s0 =	sor.u32 s3, s0;
	s1 =	sshll.u32 s1, $0x11  }
0xc1: {  	s0 =	sor.u32 s1, s0  }
0xc2: {  	s0 =	sadd.s32 $0x8F2B, s0  }
0xc3: {  	[sflag:s0] =	ssyncadd.remote.s32 $0x1  }
0xc4: {  	_ =	sfence.sel $0xFFFF  }
0xc5: {  	[dreg:$0x0] =	wrdreg $0xFFFFFFFF;
	(pc) =	sbr.abs _section_cstart, $3  }
0xc6: {  	[dreg:$0x1] =	wrdreg $0xFFFFFFFF  }
0xc7: {  	_ =	task.clear_ibuf [dreg:s10], $0x2FFFF;
	_ =	strace $0x9FFFFFFF  }
0xc8: {  	(tm) =	ssettm $0x7FFFFFFF  }
0xc9: {  	_ =	shalt  }
tec
execute0_lowered:
.L_overlay_start_1:
0x0: {  	(tag) =	ssettag $0x1  }
0x1: {  	s0 =	rddreg [dreg:$0x0]  }
0x2: {  	s1 =	rddreg [dreg:$0x1]  }
0x3: {  	s2 =	srdreg.scid;
	s3 =	stileid.u32  }
0x4: {  	s5 =	rddreg [dreg:$0x4];
	s6 =	simm.s32 $0x0;
	s11 =	simm.s32 $0x9  }
0x5: {  	s15 =	simm.s32 $0x50;
	s16 =	simm.s32 $0x8000;
	s19 =	simm.s32 $0xD000  }
0x6: {  	s23 =	simm.s32 $0x12000;
	s28 =	simm.s32 $0x2;
	s29 =	simm.s32 $0x3  }
0x7: {  	s30 =	simm.s32 $0x4;
	s31 =	simm.s32 $0x17000;
	s13 =	simm.s32 $0x0  }
0x8: {  	s2 =	sand.u32 $0x1, s2;
	s3 =	sshll.u32 s3, $0x1;
	[smem:$0x7FF] =	sst s6  }
0x9: {  	s3 =	sor.u32 s2, s3;
	s2 =	ssub.s32 $0x2, s2;
	_ =	strace $0x80000047  }
.Ltmp0:
0xa: {  	s4 =	sshll.u32 s3, $0xB;
	s8 =	sshrl.u32 s2, $0x1;
	(pc) =	sbr.rel .LBB2_1-.Ltmp0, $4  }
0xb: {  	s9 =	smul.u32 $0x2710, s3;
	s3 =	simm.s32 $0x5;
	s7 =	sadd.s32 s1, s4  }
0xc: {  	s25 =	ssub.s32 s2, s8;
	s2 =	simm.s32 $0x7;
	s26 =	sadd.s32 $0x10000, s7  }
0xd: {  	s4 =	simm.s32 $0x8;
	s1 =	smax.u32 s25, $0x1;
	[dreg:$0x6] =	wrdreg s26  }
0xe: {  	[dreg:$0x7] =	wrdreg s1;
	s26 =	simm.s32 $0x1;
	s1 =	simm.s32 $0x6  }
.LBB2_17:
0xf: {  	_ =	swait.ge [sflag:s3], $0x2800  }
0x10: {  	[sflag:s3] =	ssyncset.done $0x0  }
0x11: {  	[sflag:s3] =	ssyncadd.s32 $0xFFFFD800  }
0x12: {  	_ =	swait.ge [sflag:s1], $0x2800  }
0x13: {  	[sflag:s1] =	ssyncset.done $0x0  }
0x14: {  	[sflag:s1] =	ssyncadd.s32 $0xFFFFD800  }
0x15: {  	_ =	swait.ge [sflag:s2], $0x2800  }
0x16: {  	[sflag:s2] =	ssyncset.done $0x0  }
0x17: {  	[sflag:s2] =	ssyncadd.s32 $0xFFFFD800  }
0x18: {  	_ =	swait.ge [sflag:s4], $0x2800  }
0x19: {  	s13 =	sadd.s32 $0x1, s13;
	s8 =	rddreg [dreg:$0x7]  }
0x1a: {  	p0 =	sne.s32 s13, s8  }
.Ltmp1:
0x1b: {  	_ = 	snop;
	(pc) =	sbr.rel @!p0 .LBB2_18-.Ltmp1, $3  }
0x1c: {  	_ =	sdelay $0x1  }
0x1d: {  	[sflag:s4] =	ssyncset.done $0x0  }
0x1e: {  	[sflag:s4] =	ssyncadd.s32 $0xFFFFD800  }
.LBB2_1:
0x1f: {  	s8 =	rddreg [dreg:$0x6]  }
0x20: {  	[tilespmem:s6], [sflag:$0x9] =	stream.linear.gather [hbm4b:s8+s6], $0x3E80, $0x38;
	[tilespmem:$0x1C100] =	vst v63  }
0x21: {  	_ =	swait.ge [sflag:s11], $0x3E80  }
0x22: {  	[sflag:s11] =	ssyncset.done $0x0  }
0x23: {  	s10 =	simm.s32 $0x4000;
	[sflag:s11] =	ssyncadd.s32 $0xFFFFC180  }
0x24: {  	[tilespmem:s10], [sflag:$0x9] =	stream.linear.gather [hbm4b:s7+s6], $0x3E80, $0x38;
	[tilespmem:$0x1C100] =	vst v63  }
0x25: {  	_ =	swait.ge [sflag:s11], $0x3E80  }
0x26: {  	[sflag:s11] =	ssyncset.done $0x0  }
0x27: {  	[sflag:s11] =	ssyncadd.s32 $0xFFFFC180  }
0x28: {  	s12 =	simm.s32 $0x1C000;
	s25 =	rddreg [dreg:$0x2]  }
0x29: {  	[tilespmem:s12], [sflag:$0x9] =	stream.linear.gather [hbm4b:s25+s6], $0x80, $0x38;
	[tilespmem:$0x1C100] =	vst v63  }
0x2a: {  	_ =	swait.ge [sflag:s11], $0x80  }
0x2b: {  	[sflag:s11] =	ssyncset.done $0x0  }
0x2c: {  	[sflag:s11] =	ssyncadd.s32 $0xFFFFFF80  }
0x2d: {  	s14 =	simm.s32 $0x1C080;
	s12 =	rddreg [dreg:$0x3]  }
0x2e: {  	[tilespmem:s14], [sflag:$0x9] =	stream.linear.gather [hbm4b:s12+s6], $0x80, $0x38;
	[tilespmem:$0x1C100] =	vst v63  }
0x2f: {  	_ =	swait.ge [sflag:s11], $0x80  }
0x30: {  	[sflag:s11] =	ssyncset.done $0x0  }
0x31: {  	[sflag:s11] =	ssyncadd.s32 $0xFFFFFF80  }
0x32: {  	v0 =	vld [tilespmem:$0x1C000]  }
0x33: {  	v1 =	vld [tilespmem:$0x1C010]  }
0x34: {  	v2 =	vld [tilespmem:$0x1C020]  }
0x35: {  	v3 =	vld [tilespmem:$0x1C030]  }
0x36: {  	v4 =	vld [tilespmem:$0x1C040]  }
0x37: {  	v5 =	vld [tilespmem:$0x1C050]  }
0x38: {  	v6 =	vld [tilespmem:$0x1C060]  }
0x39: {  	v7 =	vld [tilespmem:$0x1C070]  }
0x3a: {  	v8 =	vld [tilespmem:$0x1C080]  }
0x3b: {  	v9 =	vld [tilespmem:$0x1C090]  }
0x3c: {  	v10 =	vld [tilespmem:$0x1C0A0]  }
0x3d: {  	v11 =	vld [tilespmem:$0x1C0B0]  }
0x3e: {  	v12 =	vld [tilespmem:$0x1C0C0]  }
0x3f: {  	v13 =	vld [tilespmem:$0x1C0D0]  }
0x40: {  	v14 =	vld [tilespmem:$0x1C0E0]  }
0x41: {  	v15 =	vld [tilespmem:$0x1C0F0];
	[tilespmem:s16], [sflag:$0x1] =	stream.indirect.gather [hbm4b:s0+s15], $0x80, s6, s15, $0xb8  }
0x42: {  	s17 =	simm.s32 $0xA800  }
0x43: {  	[tilespmem:s17], [sflag:$0x1] =	stream.indirect.gather [hbm4b:s0+s15], $0x80, s10, s15, $0xb8;
	[tilespmem:$0x1C100] =	vst v63  }
0x44: {  	s18 =	simm.s32 $0x80  }
0x45: {  	[tilespmem:s19], [sflag:$0x2] =	stream.indirect.gather [hbm4b:s0+s15], $0x80, s18, s15, $0xb8;
	[tilespmem:$0x1C100] =	vst v63  }
0x46: {  	s20 =	simm.s32 $0x4080;
	s21 =	simm.s32 $0xF800  }
0x47: {  	[tilespmem:s21], [sflag:$0x2] =	stream.indirect.gather [hbm4b:s0+s15], $0x80, s20, s15, $0xb8;
	[tilespmem:$0x1C100] =	vst v63  }
.Ltmp2:
0x48: {  	_ = 	snop;
	(pc) =	sbr.rel .LBB2_2-.Ltmp2, $4  }
0x49: {  	s22 =	simm.s32 $0x100  }
0x4a: {  	[tilespmem:s23], [sflag:$0x3] =	stream.indirect.gather [hbm4b:s0+s15], $0x80, s22, s15, $0xb8;
	[tilespmem:$0x1C100] =	vst v63  }
0x4b: {  	s24 =	simm.s32 $0x4100;
	s25 =	simm.s32 $0x14800;
	s14 =	simm.s32 $0x0  }
0x4c: {  	[tilespmem:s25], [sflag:$0x3] =	stream.indirect.gather [hbm4b:s0+s15], $0x80, s24, s15, $0xb8;
	[tilespmem:$0x1C100] =	vst v63  }
.LBB2_16:
0x4d: {  	s14 =	sadd.s32 $0x1, s14  }
0x4e: {  	p0 =	sne.s32 s14, $0x20  }
.Ltmp3:
0x4f: {  	_ = 	snop;
	(pc) =	sbr.rel @!p0 .LBB2_17-.Ltmp3, $1  }
0x50: {  	_ =	sdelay $0x3  }
.LBB2_2:
0x51: {  	s17 =	sshllo.u32 s14, $0x2  }
0x52: {  	p0 =	sgt.u32 s17, $0x7C  }
0x53: {  	p1 =	seq.s32 @!p0 s14, $0x0  }
0x54: {  	p1 =	por p1, p0  }
0x55: {  	s8 =	simm.s32 @!p1 $0x8  }
0x56: {  	_ =	swait.ge @!p1 [sflag:s8], $0x2800  }
0x57: {  	s10 =	simm.s32 @!p0 $0x50;
	[sflag:s8] =	ssyncset.done @!p1 $0x0  }
0x58: {  	s12 =	simm.s32 @!p0 $0x17000;
	[sflag:s8] =	ssyncadd.s32 @!p1 $0xFFFFD800;
	s8 =	sshll.u32 @!p0 s17, $0x7  }
0x59: {  	[tilespmem:s12], [sflag:$0x4] =	stream.indirect.gather @!p0 [hbm4b:s0+s10], $0x80, s8, s10, $0xb8;
	[tilespmem:$0x1C100] =	vst v63  }
0x5a: {  	s8 =	sadd.s32 @!p0 $0x4000, s8;
	s12 =	simm.s32 @!p0 $0x19800  }
0x5b: {  	[tilespmem:s12], [sflag:$0x4] =	stream.indirect.gather @!p0 [hbm4b:s0+s10], $0x80, s8, s10, $0xb8;
	[tilespmem:$0x1C100] =	vst v63  }
0x5c: {  	_ =	swait.ge [sflag:s26], $0x2800  }
0x5d: {  	[sflag:s26] =	ssyncset.done $0x0  }
0x5e: {  	[sflag:s26] =	ssyncadd.s32 $0xFFFFD800  }
0x5f: {  	_ =	swait.ge [sflag:s26], $0x2800  }
0x60: {  	[sflag:s26] =	ssyncset.done $0x0  }
0x61: {  	s20 =	simm.s32 $0x8100;
	[sflag:s26] =	ssyncadd.s32 $0xFFFFD800  }
0x62: {  	s18 =	simm.s32 $0xA900;
	v16 =	vld [tilespmem:s20+$0x80]  }
0x63: {  	v17 =	vld [tilespmem:s18+$0x80];
	_ =	sdelay $0x2  }
0x64: {  	v18 =	vld [tilespmem:s20+$0xFFFFFF80]  }
0x65: {  	v19 =	vld [tilespmem:s18+$0xFFFFFF80]  }
0x66: {  	v16 =	vmul.f32 v16, v0;
	v17 =	vmul.f32 v17, v8  }
0x67: {  	v20 =	vld [tilespmem:s18+$0xFFFFFF00]  }
0x68: {  	v21 =	vld [tilespmem:s20+$0x0];
	v16 =	vadd.f32 v17, v16  }
0x69: {  	v17 =	vld [tilespmem:s18+$0x0]  }
0x6a: {  	v22 =	vld [tilespmem:s20+$0xFFFFFF00];
	[tilespmem:s20+$0x80] =	vst v16;
	v16 =	vmul.f32 v18, v0;
	v18 =	vmul.f32 v19, v8  }
0x6b: {  	v19 =	vld [tilespmem:s20+$0x90]  }
0x6c: {  	v23 =	vld [tilespmem:s18+$0x90];
	v16 =	vadd.f32 v18, v16;
	_ =	sdelay $0x1  }
0x6d: {  	v18 =	vmul.f32 v21, v0;
	[tilespmem:s20+$0xFFFFFF80] =	vst v16;
	v16 =	vmul.f32 v17, v8  }
0x6e: {  	v22 =	vmul.f32 v22, v0;
	v21 =	vld [tilespmem:s20+$0xFFFFFF10];
	v17 =	vmul.f32 v20, v8  }
0x6f: {  	v20 =	vld [tilespmem:s20+$0xFFFFFF90];
	v16 =	vadd.f32 v16, v18  }
0x70: {  	v24 =	vld [tilespmem:s18+$0xFFFFFF90];
	v18 =	vmul.f32 v19, v1;
	v19 =	vmul.f32 v23, v9;
	v17 =	vadd.f32 v17, v22  }
0x71: {  	v23 =	vld [tilespmem:s20+$0x10];
	[tilespmem:s20+$0x0] =	vst v16  }
0x72: {  	v16 =	vadd.f32 v19, v18;
	[tilespmem:s20+$0xFFFFFF00] =	vst v17;
	v17 =	vld [tilespmem:s18+$0x10]  }
0x73: {  	v18 =	vld [tilespmem:s18+$0xFFFFFF10]  }
0x74: {  	[tilespmem:s20+$0x90] =	vst v16;
	v16 =	vld [tilespmem:s20+$0xA0]  }
0x75: {  	v19 =	vmul.f32 v20, v1;
	v20 =	vmul.f32 v24, v9;
	v24 =	vld [tilespmem:s18+$0xA0]  }
0x76: {  	v25 =	vld [tilespmem:s20+$0xFFFFFFA0]  }
0x77: {  	v26 =	vld [tilespmem:s20+$0xFFFFFF30];
	v19 =	vadd.f32 v20, v19;
	v20 =	vmul.f32 v23, v1;
	v17 =	vmul.f32 v17, v9  }
0x78: {  	v27 =	vld [tilespmem:s20+$0xFFFFFFB0];
	v21 =	vmul.f32 v21, v1;
	v18 =	vmul.f32 v18, v9  }
0x79: {  	v22 =	vld [tilespmem:s20+$0xFFFFFF20];
	[tilespmem:s20+$0xFFFFFF90] =	vst v19;
	v17 =	vadd.f32 v17, v20  }
0x7a: {  	v19 =	vld [tilespmem:s18+$0xFFFFFFA0];
	v16 =	vmul.f32 v16, v2;
	v20 =	vmul.f32 v24, v10;
	v18 =	vadd.f32 v18, v21  }
0x7b: {  	v23 =	vld [tilespmem:s20+$0x20];
	[tilespmem:s20+$0x10] =	vst v17  }
0x7c: {  	v16 =	vadd.f32 v20, v16;
	[tilespmem:s20+$0xFFFFFF10] =	vst v18;
	v17 =	vld [tilespmem:s18+$0x20]  }
0x7d: {  	v18 =	vld [tilespmem:s18+$0xFFFFFF20]  }
0x7e: {  	[tilespmem:s20+$0xA0] =	vst v16;
	v16 =	vld [tilespmem:s20+$0xB0]  }
0x7f: {  	v25 =	vmul.f32 v25, v2;
	v19 =	vmul.f32 v19, v10;
	v20 =	vld [tilespmem:s18+$0xB0]  }
0x80: {  	s22 =	simm.s32 $0xAB00;
	v29 =	vld [tilespmem:s20+$0xE0]  }
0x81: {  	v30 =	vld [tilespmem:s22+$0xFFFFFF80];
	v23 =	vmul.f32 v23, v2;
	v19 =	vadd.f32 v19, v25;
	v17 =	vmul.f32 v17, v10  }
0x82: {  	s21 =	simm.s32 $0x8300;
	v31 =	vld [tilespmem:s22+$0xFFFFFF00];
	v22 =	vmul.f32 v22, v2;
	v18 =	vmul.f32 v18, v10  }
0x83: {  	v32 =	vld [tilespmem:s21+$0x0];
	[tilespmem:s20+$0xFFFFFFA0] =	vst v19;
	v17 =	vadd.f32 v17, v23  }
0x84: {  	v16 =	vmul.f32 v16, v3;
	v28 =	vld [tilespmem:s18+$0xFFFFFFB0];
	v23 =	vmul.f32 v20, v11;
	v18 =	vadd.f32 v18, v22  }
0x85: {  	v21 =	vld [tilespmem:s20+$0x30];
	[tilespmem:s20+$0x20] =	vst v17  }
0x86: {  	v16 =	vadd.f32 v23, v16;
	[tilespmem:s20+$0xFFFFFF20] =	vst v18;
	v17 =	vld [tilespmem:s18+$0x30]  }
0x87: {  	v18 =	vld [tilespmem:s18+$0xFFFFFF30]  }
0x88: {  	[tilespmem:s20+$0xB0] =	vst v16;
	v16 =	vld [tilespmem:s20+$0xC0]  }
0x89: {  	v22 =	vmul.f32 v27, v3;
	v23 =	vmul.f32 v28, v11;
	v27 =	vld [tilespmem:s18+$0xC0]  }
0x8a: {  	v33 =	vld [tilespmem:s21+$0xFFFFFF00]  }
0x8b: {  	v36 =	vld [tilespmem:s21+$0xFFFFFF10];
	v22 =	vadd.f32 v23, v22;
	v23 =	vmul.f32 v21, v3;
	v17 =	vmul.f32 v17, v11  }
0x8c: {  	v62 =	vld [tilespmem:s21+$0x10];
	v26 =	vmul.f32 v26, v3;
	v18 =	vmul.f32 v18, v11  }
0x8d: {  	v25 =	vld [tilespmem:s20+$0xFFFFFFC0];
	v17 =	vadd.f32 v17, v23  }
0x8e: {  	v24 =	vld [tilespmem:s20+$0xFFFFFF40];
	v23 =	vmul.f32 v16, v4;
	v27 =	vmul.f32 v27, v12;
	v18 =	vadd.f32 v18, v26  }
0x8f: {  	v19 =	vld [tilespmem:s20+$0x40];
	[tilespmem:s20+$0x30] =	vst v17  }
0x90: {  	v17 =	vadd.f32 v27, v23;
	[tilespmem:s20+$0xFFFFFF30] =	vst v18;
	v23 =	vld [tilespmem:s18+$0x40]  }
0x91: {  	v26 =	vld [tilespmem:s18+$0xFFFFFF40]  }
0x92: {  	[tilespmem:s20+$0xC0] =	vst v17;
	v17 =	vmul.f32 v25, v4;
	v25 =	vld [tilespmem:s20+$0xD0]  }
0x93: {  	v27 =	vld [tilespmem:s18+$0xD0]  }
0x94: {  	v63 =	vld [tilespmem:s21+$0xFFFFFF20]  }
0x95: {  	v38 =	vld [tilespmem:s20+$0x70]  }
0x96: {  	v39 =	vld [tilespmem:s21+$0xFFFFFFA0];
	v19 =	vmul.f32 v19, v4;
	v23 =	vmul.f32 v23, v12  }
0x97: {  	v47 =	vld [tilespmem:s21+$0x20];
	v24 =	vmul.f32 v24, v4;
	v26 =	vmul.f32 v26, v12  }
0x98: {  	v40 =	vld [tilespmem:s21+$0xFFFFFF30];
	v25 =	vmul.f32 v25, v5;
	v23 =	vadd.f32 v23, v19;
	v27 =	vmul.f32 v27, v13  }
0x99: {  	v24 =	vadd.f32 v26, v24;
	v26 =	vld [tilespmem:s21+$0x80]  }
0x9a: {  	[tilespmem:s20+$0x40] =	vst v23;
	v23 =	vadd.f32 v27, v25;
	v25 =	vld [tilespmem:s22+$0x80]  }
0x9b: {  	v49 =	vld [tilespmem:s21+$0x30]  }
0x9c: {  	v50 =	vld [tilespmem:s21+$0xFFFFFF40]  }
0x9d: {  	v51 =	vld [tilespmem:s20+$0xF0]  }
0x9e: {  	[tilespmem:s20+$0xD0] =	vst v23;
	v23 =	vld [tilespmem:s21+$0xFFFFFF80]  }
0x9f: {  	v41 =	vld [tilespmem:s21+$0xFFFFFFB0];
	v26 =	vmul.f32 v26, v0;
	v25 =	vmul.f32 v25, v8  }
0xa0: {  	v54 =	vld [tilespmem:s21+$0xFFFFFFC0]  }
0xa1: {  	v59 =	vld [tilespmem:s21+$0xD0];
	v25 =	vadd.f32 v25, v26  }
0xa2: {  	v26 =	vld [tilespmem:s22+$0x0]  }
0xa3: {  	v60 =	vld [tilespmem:s21+$0xFFFFFFE0];
	v23 =	vmul.f32 v23, v0;
	[tilespmem:s21+$0x80] =	vst v25;
	v25 =	vmul.f32 v30, v8  }
0xa4: {  	v30 =	vld [tilespmem:s21+$0x90]  }
0xa5: {  	v34 =	vld [tilespmem:s22+$0x90];
	v25 =	vadd.f32 v25, v23  }
0xa6: {  	v20 =	vld [tilespmem:s20+$0xFFFFFF50]  }
0xa7: {  	v32 =	vmul.f32 v32, v0;
	v21 =	vld [tilespmem:s20+$0xFFFFFFD0];
	[tilespmem:s21+$0xFFFFFF80] =	vst v25;
	v25 =	vmul.f32 v26, v8  }
0xa8: {  	v33 =	vmul.f32 v33, v0;
	[tilespmem:s20+$0xFFFFFFB0] =	vst v22;
	v22 =	vld [tilespmem:s20+$0x50];
	v26 =	vmul.f32 v31, v8  }
0xa9: {  	v31 =	vld [tilespmem:s21+$0xFFFFFF90];
	v25 =	vadd.f32 v25, v32  }
0xaa: {  	v37 =	vld [tilespmem:s22+$0xFFFFFF90];
	v30 =	vmul.f32 v30, v1;
	v61 =	vmul.f32 v34, v9;
	v26 =	vadd.f32 v26, v33  }
0xab: {  	v28 =	vld [tilespmem:s18+$0xFFFFFFC0];
	[tilespmem:s21+$0x0] =	vst v25  }
0xac: {  	v25 =	vadd.f32 v61, v30;
	[tilespmem:s21+$0xFFFFFF00] =	vst v26;
	v26 =	vld [tilespmem:s22+$0x10]  }
0xad: {  	v30 =	vld [tilespmem:s22+$0xFFFFFF10]  }
0xae: {  	[tilespmem:s21+$0x90] =	vst v25;
	v25 =	vld [tilespmem:s21+$0xA0]  }
0xaf: {  	v31 =	vmul.f32 v31, v1;
	v44 =	vmul.f32 v37, v9;
	v45 =	vld [tilespmem:s22+$0xA0]  }
0xb0: {  	v18 =	vmul.f32 v28, v12;
	v35 =	vld [tilespmem:s18+$0xE0]  }
0xb1: {  	v46 =	vmul.f32 v62, v1;
	v16 =	vld [tilespmem:s20+$0xFFFFFF60];
	v31 =	vadd.f32 v44, v31;
	v26 =	vmul.f32 v26, v9  }
0xb2: {  	v36 =	vmul.f32 v36, v1;
	v28 =	vadd.f32 v18, v17;
	v18 =	vld [tilespmem:s20+$0xFFFFFFE0];
	v30 =	vmul.f32 v30, v9  }
0xb3: {  	v17 =	vld [tilespmem:s20+$0x60];
	[tilespmem:s21+$0xFFFFFF90] =	vst v31;
	v26 =	vadd.f32 v26, v46  }
0xb4: {  	[tilespmem:s20+$0xFFFFFFC0] =	vst v28;
	v31 =	vld [tilespmem:s22+$0xFFFFFFA0];
	v25 =	vmul.f32 v25, v2;
	v48 =	vmul.f32 v45, v10;
	v30 =	vadd.f32 v30, v36  }
0xb5: {  	v29 =	vmul.f32 v29, v6;
	v28 =	vld [tilespmem:s18+$0xFFFFFFD0];
	v35 =	vmul.f32 v35, v14;
	[tilespmem:s21+$0x10] =	vst v26  }
0xb6: {  	v25 =	vadd.f32 v48, v25;
	[tilespmem:s21+$0xFFFFFF10] =	vst v30;
	v26 =	vld [tilespmem:s22+$0x20]  }
0xb7: {  	v29 =	vadd.f32 v35, v29;
	v30 =	vld [tilespmem:s22+$0xFFFFFF20]  }
0xb8: {  	[tilespmem:s21+$0xA0] =	vst v25;
	v25 =	vld [tilespmem:s21+$0xB0]  }
0xb9: {  	v52 =	vmul.f32 v39, v2;
	[tilespmem:s20+$0xE0] =	vst v29;
	v31 =	vmul.f32 v31, v10;
	v29 =	vld [tilespmem:s22+$0xB0]  }
0xba: {  	v19 =	vld [tilespmem:s20+$0xFFFFFF70]  }
0xbb: {  	[tilespmem:s20+$0xFFFFFF40] =	vst v24;
	v24 =	vld [tilespmem:s18+$0x50];
	v31 =	vadd.f32 v31, v52  }
0xbc: {  	v27 =	vld [tilespmem:s18+$0xFFFFFF50];
	v34 =	vmul.f32 v47, v2;
	v26 =	vmul.f32 v26, v10  }
0xbd: {  	v23 =	vld [tilespmem:s20+$0xFFFFFFF0];
	v33 =	vmul.f32 v63, v2;
	v30 =	vmul.f32 v30, v10;
	[tilespmem:s21+$0xFFFFFFA0] =	vst v31  }
0xbe: {  	v25 =	vmul.f32 v25, v3;
	v55 =	vld [tilespmem:s22+$0xFFFFFFB0];
	v26 =	vadd.f32 v26, v34;
	v29 =	vmul.f32 v29, v11  }
0xbf: {  	v53 =	vld [tilespmem:s18+$0xF0];
	v30 =	vadd.f32 v30, v33  }
0xc0: {  	v63 =	vld [tilespmem:s21+$0xFFFFFF70];
	[tilespmem:s21+$0x20] =	vst v26;
	v25 =	vadd.f32 v29, v25  }
0xc1: {  	v20 =	vmul.f32 v20, v5;
	v27 =	vmul.f32 v27, v13;
	[tilespmem:s21+$0xFFFFFF20] =	vst v30;
	v29 =	vld [tilespmem:s22+$0x30]  }
0xc2: {  	v21 =	vmul.f32 v21, v5;
	v30 =	vld [tilespmem:s22+$0xFFFFFF30];
	[tilespmem:s21+$0xB0] =	vst v25;
	v25 =	vmul.f32 v28, v13  }
0xc3: {  	v20 =	vadd.f32 v27, v20;
	v27 =	vmul.f32 v41, v3;
	v28 =	vld [tilespmem:s21+$0xC0];
	v33 =	vmul.f32 v55, v11  }
0xc4: {  	v22 =	vmul.f32 v22, v5;
	v24 =	vmul.f32 v24, v13;
	v56 =	vld [tilespmem:s22+$0xC0];
	v21 =	vadd.f32 v25, v21  }
0xc5: {  	[tilespmem:s20+$0xFFFFFF50] =	vst v20;
	v31 =	vld [tilespmem:s21+$0x40];
	v20 =	vadd.f32 v33, v27  }
0xc6: {  	v26 =	vld [tilespmem:s21+$0xFFFFFF50];
	[tilespmem:s20+$0xFFFFFFD0] =	vst v21;
	v21 =	vadd.f32 v24, v22;
	v22 =	vmul.f32 v49, v3;
	v29 =	vmul.f32 v29, v11  }
0xc7: {  	v24 =	vld [tilespmem:s18+$0xFFFFFF60];
	[tilespmem:s21+$0xFFFFFFB0] =	vst v20  }
0xc8: {  	v57 =	vmul.f32 v40, v3;
	v30 =	vmul.f32 v30, v11;
	[tilespmem:s20+$0x50] =	vst v21;
	v21 =	vadd.f32 v29, v22;
	v22 =	vld [tilespmem:s22+$0xFFFFFFC0]  }
0xc9: {  	v20 =	vld [tilespmem:s18+$0xFFFFFFE0];
	v28 =	vmul.f32 v28, v4;
	v29 =	vmul.f32 v56, v12  }
0xca: {  	v30 =	vadd.f32 v30, v57;
	v58 =	vld [tilespmem:s18+$0x60]  }
0xcb: {  	v25 =	vld [tilespmem:s21+$0xFFFFFFD0];
	[tilespmem:s21+$0x30] =	vst v21;
	v28 =	vadd.f32 v29, v28  }
0xcc: {  	v16 =	vmul.f32 v16, v6;
	[tilespmem:s21+$0xFFFFFF30] =	vst v30;
	v29 =	vld [tilespmem:s22+$0x40];
	v24 =	vmul.f32 v24, v14  }
0xcd: {  	v30 =	vld [tilespmem:s22+$0xFFFFFF40];
	[tilespmem:s21+$0xC0] =	vst v28;
	v28 =	vmul.f32 v54, v4;
	v22 =	vmul.f32 v22, v12  }
0xce: {  	v18 =	vmul.f32 v18, v6;
	v27 =	vld [tilespmem:s21+$0x50];
	v20 =	vmul.f32 v20, v14;
	v16 =	vadd.f32 v24, v16  }
0xcf: {  	v17 =	vmul.f32 v17, v6;
	v24 =	vld [tilespmem:s22+$0xD0];
	v22 =	vadd.f32 v22, v28;
	v28 =	vmul.f32 v58, v14  }
0xd0: {  	v61 =	vmul.f32 v23, v7;
	v21 =	vld [tilespmem:s21+$0xFFFFFF60];
	v18 =	vadd.f32 v20, v18;
	[tilespmem:s20+$0xFFFFFF60] =	vst v16  }
0xd1: {  	v20 =	vmul.f32 v31, v4;
	v23 =	vld [tilespmem:s18+$0xFFFFFF70];
	v17 =	vadd.f32 v28, v17;
	[tilespmem:s21+$0xFFFFFFC0] =	vst v22;
	v22 =	vmul.f32 v29, v12  }
0xd2: {  	[tilespmem:s20+$0xFFFFFFE0] =	vst v18;
	v18 =	vmul.f32 v30, v12;
	v28 =	vmul.f32 v50, v4;
	v29 =	vld [tilespmem:s22+$0xFFFFFFD0]  }
0xd3: {  	v19 =	vmul.f32 v19, v7;
	v32 =	vmul.f32 v51, v7;
	[tilespmem:s20+$0x60] =	vst v17;
	v17 =	vadd.f32 v22, v20;
	v20 =	vld [tilespmem:s18+$0xFFFFFFF0]  }
0xd4: {  	v30 =	vmul.f32 v59, v5;
	v24 =	vmul.f32 v24, v13;
	v18 =	vadd.f32 v18, v28;
	v62 =	vld [tilespmem:s18+$0x70]  }
0xd5: {  	v16 =	vld [tilespmem:s21+$0x60];
	v28 =	vmul.f32 v53, v15;
	v22 =	vmul.f32 v26, v5;
	[tilespmem:s21+$0x40] =	vst v17  }
0xd6: {  	v17 =	vadd.f32 v24, v30;
	v24 =	vmul.f32 v25, v5;
	[tilespmem:s21+$0xFFFFFF40] =	vst v18;
	v30 =	vmul.f32 v23, v15;
	v25 =	vld [tilespmem:s22+$0x50]  }
0xd7: {  	v32 =	vadd.f32 v28, v32;
	v23 =	vmul.f32 v27, v5;
	v28 =	vld [tilespmem:s22+$0xFFFFFF50];
	v27 =	vmul.f32 v29, v13  }
0xd8: {  	v26 =	vld [tilespmem:s21+$0xE0];
	v18 =	vmul.f32 v21, v6;
	[tilespmem:s21+$0xD0] =	vst v17;
	v21 =	vadd.f32 v30, v19;
	v20 =	vmul.f32 v20, v15  }
0xd9: {  	v31 =	vmul.f32 v38, v7;
	[tilespmem:s20+$0xF0] =	vst v32;
	v29 =	vadd.f32 v27, v24;
	v27 =	vld [tilespmem:s22+$0xE0];
	v30 =	vmul.f32 v62, v15  }
0xda: {  	s24 =	simm.s32 $0x4;
	v17 =	vmul.f32 v60, v6;
	v19 =	vmul.f32 v16, v6;
	v24 =	vld [tilespmem:s21+$0xFFFFFFF0];
	[tilespmem:s20+$0xFFFFFF70] =	vst v21;
	v21 =	vadd.f32 v20, v61  }
0xdb: {  	s8 =	simm.s32 $0x8500;
	s12 =	simm.s32 $0xAB00;
	s18 =	sshll.u32 s14, $0x2;
	v16 =	vmul.f32 v63, v7;
	[tilespmem:s21+$0xFFFFFFD0] =	vst v29;
	v29 =	vmul.f32 v25, v13;
	v25 =	vld [tilespmem:s21+$0x70];
	v20 =	vadd.f32 v30, v31  }
.LBB2_3:
0xdc: {  	v30 =	vld [tilespmem:s8+$0x80];
	v28 =	vmul.f32 v28, v13;
	s22 =	sadd.s32 $0x200, s22;
	[tilespmem:s20+$0xFFFFFFF0] =	vst v21  }
0xdd: {  	s24 =	sadd.s32 $0x4, s24;
	v31 =	vld [tilespmem:s22+$0x80];
	v23 =	vadd.f32 v29, v23;
	[tilespmem:s20+$0x70] =	vst v20;
	s20 =	smov.u32 s21;
	s21 =	smov.u32 s8  }
0xde: {  	p1 =	slt.u32 s24, $0x4C;
	v29 =	vld [tilespmem:s22+$0xFFFFFF00];
	v20 =	vadd.f32 v28, v22;
	v22 =	vmul.f32 v26, v6;
	v26 =	vmul.f32 v27, v14  }
0xdf: {  	v27 =	vld [tilespmem:s8+$0xFFFFFF80];
	v21 =	vmul.f32 v24, v7;
	[tilespmem:s20+$0x50] =	vst v23  }
0xe0: {  	v23 =	vld [tilespmem:s22+$0xFFFFFF80];
	[tilespmem:s20+$0xFFFFFF50] =	vst v20;
	v20 =	vmul.f32 v25, v7;
	v22 =	vadd.f32 v26, v22  }
0xe1: {  	v24 =	vld [tilespmem:s8+$0x0]  }
0xe2: {  	v25 =	vmul.f32 v30, v0;
	v26 =	vmul.f32 v31, v8;
	[tilespmem:s20+$0xE0] =	vst v22;
	v22 =	vld [tilespmem:s20+$0xF0]  }
0xe3: {  	v28 =	vmul.f32 v29, v8;
	v29 =	vld [tilespmem:s12+$0xF0]  }
0xe4: {  	v27 =	vmul.f32 v27, v0;
	v30 =	vld [tilespmem:s22+$0x0];
	v25 =	vadd.f32 v26, v25  }
0xe5: {  	v26 =	vld [tilespmem:s8+$0xFFFFFF00];
	v23 =	vmul.f32 v23, v8  }
0xe6: {  	v24 =	vmul.f32 v24, v0;
	[tilespmem:s8+$0x80] =	vst v25;
	v25 =	vld [tilespmem:s8+$0x90]  }
0xe7: {  	v23 =	vadd.f32 v23, v27;
	v27 =	vld [tilespmem:s22+$0x90]  }
0xe8: {  	v22 =	vmul.f32 v22, v7;
	v31 =	vld [tilespmem:s8+$0xFFFFFF10];
	v29 =	vmul.f32 v29, v15  }
0xe9: {  	[tilespmem:s8+$0xFFFFFF80] =	vst v23;
	v23 =	vld [tilespmem:s8+$0xFFFFFF90];
	v30 =	vmul.f32 v30, v8  }
0xea: {  	v26 =	vmul.f32 v26, v0;
	v32 =	vld [tilespmem:s22+$0xFFFFFF90];
	v22 =	vadd.f32 v29, v22  }
0xeb: {  	v24 =	vadd.f32 v30, v24;
	v29 =	vld [tilespmem:s8+$0x10]  }
0xec: {  	v25 =	vmul.f32 v25, v1;
	v26 =	vadd.f32 v28, v26;
	v28 =	vld [tilespmem:s8+$0xFFFFFF20];
	v27 =	vmul.f32 v27, v9;
	[tilespmem:s20+$0xF0] =	vst v22  }
0xed: {  	v22 =	vmul.f32 v31, v1;
	v30 =	vld [tilespmem:s8+$0xFFFFFFA0];
	[tilespmem:s8+$0x0] =	vst v24  }
0xee: {  	[tilespmem:s8+$0xFFFFFF00] =	vst v26;
	v23 =	vmul.f32 v23, v1;
	v24 =	vld [tilespmem:s22+$0x10];
	v25 =	vadd.f32 v27, v25  }
0xef: {  	v26 =	vld [tilespmem:s22+$0xFFFFFF10];
	v27 =	vmul.f32 v32, v9  }
0xf0: {  	v29 =	vmul.f32 v29, v1;
	[tilespmem:s8+$0x90] =	vst v25;
	v25 =	vld [tilespmem:s8+$0xA0]  }
0xf1: {  	v28 =	vmul.f32 v28, v2;
	v23 =	vadd.f32 v27, v23;
	v27 =	vld [tilespmem:s22+$0xA0]  }
0xf2: {  	v30 =	vmul.f32 v30, v2;
	v31 =	vld [tilespmem:s8+$0x20]  }
0xf3: {  	v32 =	vld [tilespmem:s8+$0xFFFFFF30];
	[tilespmem:s8+$0xFFFFFF90] =	vst v23;
	v23 =	vmul.f32 v24, v9  }
0xf4: {  	v24 =	vmul.f32 v26, v9;
	v26 =	vld [tilespmem:s22+$0xFFFFFFA0]  }
0xf5: {  	v33 =	vld [tilespmem:s8+$0xFFFFFFB0];
	v23 =	vadd.f32 v23, v29  }
0xf6: {  	v25 =	vmul.f32 v25, v2;
	v22 =	vadd.f32 v24, v22;
	v24 =	vld [tilespmem:s8+$0x30];
	v27 =	vmul.f32 v27, v10  }
0xf7: {  	v29 =	vld [tilespmem:s8+$0xFFFFFF40];
	[tilespmem:s8+$0x10] =	vst v23;
	v23 =	vmul.f32 v31, v2  }
0xf8: {  	[tilespmem:s8+$0xFFFFFF10] =	vst v22;
	v31 =	vmul.f32 v32, v3;
	v22 =	vld [tilespmem:s22+$0x20];
	v25 =	vadd.f32 v27, v25  }
0xf9: {  	v27 =	vld [tilespmem:s22+$0xFFFFFF20];
	v26 =	vmul.f32 v26, v10  }
0xfa: {  	v32 =	vmul.f32 v33, v3;
	[tilespmem:s8+$0xA0] =	vst v25;
	v25 =	vld [tilespmem:s8+$0xB0]  }
0xfb: {  	v26 =	vadd.f32 v26, v30;
	v24 =	vmul.f32 v24, v3;
	v30 =	vld [tilespmem:s22+$0xB0]  }
0xfc: {  	v29 =	vmul.f32 v29, v4;
	v33 =	vld [tilespmem:s8+$0xFFFFFFC0]  }
0xfd: {  	[tilespmem:s8+$0xFFFFFFA0] =	vst v26;
	v22 =	vmul.f32 v22, v10;
	v26 =	vld [tilespmem:s8+$0x40]  }
0xfe: {  	v27 =	vmul.f32 v27, v10;
	v34 =	vld [tilespmem:s22+$0xFFFFFFB0]  }
0xff: {  	v35 =	vld [tilespmem:s8+$0xFFFFFF50];
	v22 =	vadd.f32 v22, v23  }
0x100: {  	v25 =	vmul.f32 v25, v3;
	v23 =	vadd.f32 v27, v28;
	v27 =	vld [tilespmem:s8+$0xFFFFFFD0];
	v28 =	vmul.f32 v30, v11  }
0x101: {  	v30 =	vmul.f32 v33, v4;
	[tilespmem:s8+$0x20] =	vst v22;
	v33 =	vld [tilespmem:s8+$0x50]  }
0x102: {  	[tilespmem:s8+$0xFFFFFF20] =	vst v23;
	v36 =	vld [tilespmem:s22+$0x30];
	v26 =	vmul.f32 v26, v4;
	v23 =	vadd.f32 v28, v25  }
0x103: {  	v25 =	vld [tilespmem:s22+$0xFFFFFF30];
	v28 =	vmul.f32 v34, v11  }
0x104: {  	v22 =	vmul.f32 v35, v5;
	[tilespmem:s8+$0xB0] =	vst v23;
	v34 =	vld [tilespmem:s8+$0xC0]  }
0x105: {  	v28 =	vadd.f32 v28, v32;
	v27 =	vmul.f32 v27, v5;
	v32 =	vld [tilespmem:s22+$0xC0]  }
0x106: {  	v23 =	vmul.f32 v33, v5;
	v33 =	vld [tilespmem:s12+$0xFFFFFF60]  }
0x107: {  	[tilespmem:s8+$0xFFFFFFB0] =	vst v28;
	v28 =	vmul.f32 v36, v11;
	v35 =	vld [tilespmem:s12+$0xFFFFFFE0]  }
0x108: {  	v25 =	vmul.f32 v25, v11;
	v36 =	vld [tilespmem:s22+$0xFFFFFFC0]  }
0x109: {  	v24 =	vadd.f32 v28, v24;
	v28 =	vld [tilespmem:s12+$0x60]  }
0x10a: {  	v34 =	vmul.f32 v34, v4;
	v25 =	vadd.f32 v25, v31;
	v31 =	vld [tilespmem:s8+$0xFFFFFF60];
	v32 =	vmul.f32 v32, v12  }
0x10b: {  	v37 =	vld [tilespmem:s8+$0xFFFFFFE0];
	[tilespmem:s8+$0x30] =	vst v24;
	v24 =	vmul.f32 v33, v14  }
0x10c: {  	[tilespmem:s8+$0xFFFFFF30] =	vst v25;
	v25 =	vld [tilespmem:s22+$0x40];
	v32 =	vadd.f32 v32, v34;
	v33 =	vmul.f32 v35, v14  }
0x10d: {  	v34 =	vld [tilespmem:s22+$0xFFFFFF40];
	v35 =	vmul.f32 v36, v12;
	v24 =	vadd.f32 v24, v18  }
0x10e: {  	[tilespmem:s8+$0xC0] =	vst v32;
	v32 =	vld [tilespmem:s8+$0xD0];
	v33 =	vadd.f32 v33, v17;
	v28 =	vmul.f32 v28, v14  }
0x10f: {  	v18 =	vmul.f32 v31, v6;
	v30 =	vadd.f32 v35, v30;
	v31 =	vld [tilespmem:s22+$0xD0];
	[tilespmem:s20+$0xFFFFFF60] =	vst v24  }
0x110: {  	v17 =	vmul.f32 v37, v6;
	v24 =	vld [tilespmem:s8+$0x60];
	[tilespmem:s20+$0xFFFFFFE0] =	vst v33;
	v19 =	vadd.f32 v28, v19  }
0x111: {  	[tilespmem:s8+$0xFFFFFFC0] =	vst v30;
	v25 =	vmul.f32 v25, v12;
	v28 =	vld [tilespmem:s12+$0xFFFFFF70]  }
0x112: {  	v30 =	vmul.f32 v34, v12;
	v33 =	vld [tilespmem:s22+$0xFFFFFFD0];
	[tilespmem:s20+$0x60] =	vst v19  }
0x113: {  	v19 =	vadd.f32 v25, v26;
	v25 =	vld [tilespmem:s12+$0xFFFFFFF0]  }
0x114: {  	v26 =	vadd.f32 v30, v29;
	v29 =	vmul.f32 v32, v5;
	v30 =	vmul.f32 v31, v13;
	v31 =	vld [tilespmem:s12+$0x70];
	s12 =	smov.u32 s22  }
0x115: {  	v32 =	vld [tilespmem:s8+$0xFFFFFF70];
	[tilespmem:s8+$0x40] =	vst v19;
	v19 =	vmul.f32 v24, v6  }
0x116: {  	[tilespmem:s8+$0xFFFFFF40] =	vst v26;
	v34 =	vld [tilespmem:s22+$0x50];
	v24 =	vadd.f32 v30, v29;
	v29 =	vmul.f32 v28, v15  }
.Ltmp4:
0x117: {  	v28 =	vld [tilespmem:s22+$0xFFFFFF50];
	v30 =	vmul.f32 v33, v13;
	(pc) =	sbr.rel @p1 .LBB2_3-.Ltmp4, $4  }
0x118: {  	[tilespmem:s8+$0xD0] =	vst v24;
	v26 =	vld [tilespmem:s8+$0xE0];
	v29 =	vadd.f32 v29, v16;
	v25 =	vmul.f32 v25, v15  }
0x119: {  	v30 =	vadd.f32 v30, v27;
	v27 =	vld [tilespmem:s22+$0xE0];
	v31 =	vmul.f32 v31, v15  }
0x11a: {  	v16 =	vmul.f32 v32, v7;
	v24 =	vld [tilespmem:s8+$0xFFFFFFF0];
	[tilespmem:s20+$0xFFFFFF70] =	vst v29;
	v21 =	vadd.f32 v25, v21  }
0x11b: {  	s8 =	sadd.s32 $0x200, s8;
	[tilespmem:s21+$0xFFFFFFD0] =	vst v30;
	v29 =	vmul.f32 v34, v13;
	v25 =	vld [tilespmem:s21+$0x70];
	v20 =	vadd.f32 v31, v20  }
0x11c: {  	v28 =	vmul.f32 v28, v13;
	_ =	sdelay $0x1  }
0x11d: {  	v22 =	vadd.f32 v28, v22;
	_ =	sdelay $0x1  }
0x11e: {  	v23 =	vadd.f32 v29, v23;
	[tilespmem:s21+$0xFFFFFF50] =	vst v22  }
0x11f: {  	v22 =	vld [tilespmem:s12+$0xFFFFFF60]  }
0x120: {  	v53 =	vld [tilespmem:s12+$0xFFFFFFE0];
	[tilespmem:s21+$0x50] =	vst v23  }
0x121: {  	v54 =	vld [tilespmem:s12+$0x60];
	_ =	sdelay $0x1  }
0x122: {  	v26 =	vmul.f32 v26, v6;
	v27 =	vmul.f32 v27, v14  }
0x123: {  	v22 =	vmul.f32 v22, v14  }
0x124: {  	v26 =	vadd.f32 v27, v26;
	v23 =	vmul.f32 v53, v14  }
0x125: {  	v55 =	vmul.f32 v54, v14;
	v18 =	vadd.f32 v22, v18  }
0x126: {  	v56 =	vld [tilespmem:s21+$0xF0];
	[tilespmem:s21+$0xE0] =	vst v26;
	v17 =	vadd.f32 v23, v17  }
0x127: {  	v57 =	vld [tilespmem:s12+$0xF0];
	v58 =	vadd.f32 v55, v19;
	[tilespmem:s21+$0xFFFFFF60] =	vst v18  }
0x128: {  	[tilespmem:s21+$0xFFFFFFE0] =	vst v17;
	v17 =	vld [tilespmem:s12+$0xFFFFFF70]  }
0x129: {  	v59 =	vld [tilespmem:s12+$0xFFFFFFF0];
	[tilespmem:s21+$0x60] =	vst v58  }
0x12a: {  	v60 =	vld [tilespmem:s12+$0x70];
	_ =	sdelay $0x1  }
0x12b: {  	v61 =	vmul.f32 v56, v7;
	v23 =	vmul.f32 v57, v15  }
0x12c: {  	v17 =	vmul.f32 v17, v15  }
0x12d: {  	[tilespmem:s20+$0xFFFFFFF0] =	vst v21;
	v62 =	vmul.f32 v24, v7;
	v22 =	vadd.f32 v23, v61;
	v18 =	vmul.f32 v59, v15  }
0x12e: {  	s8 =	smul.u32 $0x140, s14;
	[tilespmem:s20+$0x70] =	vst v20;
	v63 =	vmul.f32 v25, v7;
	v16 =	vadd.f32 v17, v16;
	v17 =	vmul.f32 v60, v15  }
0x12f: {  	[tilespmem:s21+$0xF0] =	vst v22;
	v18 =	vadd.f32 v18, v62  }
0x130: {  	s8 =	sadd.s32 s9, s8;
	[tilespmem:s21+$0xFFFFFF70] =	vst v16;
	v16 =	vadd.f32 v17, v63  }
0x131: {  	s8 =	sshll.u32 s8, $0x4;
	[tilespmem:s21+$0xFFFFFFF0] =	vst v18  }
0x132: {  	p1 =	seq.s32 s14, $0x1F;
	s8 =	sadd.s32 s5, s8;
	[tilespmem:s21+$0x70] =	vst v16  }
0x133: {  	[hbm4b:s8+s6] =	stream.linear.scatter [tilespmem:s16], [sflag:$0x5], $0x2800, $0x38;
	[tilespmem:$0x1C100] =	vst v63  }
0x134: {  	s8 =	simm.s32 @!p1 $0x5  }
0x135: {  	_ =	swait.ge @!p1 [sflag:s8], $0x2800  }
0x136: {  	[sflag:s8] =	ssyncset.done @!p1 $0x0  }
0x137: {  	[sflag:s8] =	ssyncadd.s32 @!p1 $0xFFFFD800;
	s8 =	sshll.u32 @!p1 s14, $0x9  }
0x138: {  	s20 =	simm.s32 @!p1 $0x8000;
	s12 =	simm.s32 @!p1 $0x50;
	s10 =	sadd.s32 @!p1 $0x200, s8  }
0x139: {  	[tilespmem:s20], [sflag:$0x1] =	stream.indirect.gather @!p1 [hbm4b:s0+s12], $0x80, s10, s12, $0xb8;
	[tilespmem:$0x1C100] =	vst v63  }
0x13a: {  	s8 =	sadd.s32 @!p1 $0x4200, s8;
	s20 =	sor.u32 $0x1, s18;
	s10 =	simm.s32 @!p1 $0xA800  }
0x13b: {  	[tilespmem:s10], [sflag:$0x1] =	stream.indirect.gather @!p1 [hbm4b:s0+s12], $0x80, s8, s12, $0xb8;
	[tilespmem:$0x1C100] =	vst v63  }
0x13c: {  	p1 =	sgt.u32 s20, $0x7C  }
.Ltmp5:
0x13d: {  	_ = 	snop;
	(pc) =	sbr.rel @p1 .LBB2_8-.Ltmp5, $1  }
0x13e: {  	_ =	sdelay $0x3  }
0x13f: {  	_ =	swait.ge [sflag:s28], $0x2800  }
0x140: {  	[sflag:s28] =	ssyncset.done $0x0  }
0x141: {  	[sflag:s28] =	ssyncadd.s32 $0xFFFFD800  }
0x142: {  	_ =	swait.ge [sflag:s28], $0x2800  }
0x143: {  	[sflag:s28] =	ssyncset.done $0x0  }
0x144: {  	s21 =	simm.s32 $0xD100;
	[sflag:s28] =	ssyncadd.s32 $0xFFFFD800  }
0x145: {  	s25 =	simm.s32 $0xF900;
	v16 =	vld [tilespmem:s21+$0x80]  }
0x146: {  	v17 =	vld [tilespmem:s25+$0x80];
	_ =	sdelay $0x2  }
0x147: {  	v18 =	vld [tilespmem:s21+$0xFFFFFF80]  }
0x148: {  	v19 =	vld [tilespmem:s25+$0xFFFFFF80]  }
0x149: {  	v16 =	vmul.f32 v16, v0;
	v17 =	vmul.f32 v17, v8  }
0x14a: {  	v20 =	vld [tilespmem:s25+$0xFFFFFF00]  }
0x14b: {  	v21 =	vld [tilespmem:s21+$0x0];
	v16 =	vadd.f32 v17, v16  }
0x14c: {  	v17 =	vld [tilespmem:s25+$0x0]  }
0x14d: {  	v22 =	vld [tilespmem:s21+$0xFFFFFF00];
	[tilespmem:s21+$0x80] =	vst v16;
	v16 =	vmul.f32 v18, v0;
	v18 =	vmul.f32 v19, v8  }
0x14e: {  	v19 =	vld [tilespmem:s21+$0x90]  }
0x14f: {  	v23 =	vld [tilespmem:s25+$0x90];
	v16 =	vadd.f32 v18, v16;
	_ =	sdelay $0x1  }
0x150: {  	v18 =	vmul.f32 v21, v0;
	[tilespmem:s21+$0xFFFFFF80] =	vst v16;
	v16 =	vmul.f32 v17, v8  }
0x151: {  	v22 =	vmul.f32 v22, v0;
	v21 =	vld [tilespmem:s21+$0xFFFFFF10];
	v17 =	vmul.f32 v20, v8  }
0x152: {  	v20 =	vld [tilespmem:s21+$0xFFFFFF90];
	v16 =	vadd.f32 v16, v18  }
0x153: {  	v24 =	vld [tilespmem:s25+$0xFFFFFF90];
	v18 =	vmul.f32 v19, v1;
	v19 =	vmul.f32 v23, v9;
	v17 =	vadd.f32 v17, v22  }
0x154: {  	v23 =	vld [tilespmem:s21+$0x10];
	[tilespmem:s21+$0x0] =	vst v16  }
0x155: {  	v16 =	vadd.f32 v19, v18;
	[tilespmem:s21+$0xFFFFFF00] =	vst v17;
	v17 =	vld [tilespmem:s25+$0x10]  }
0x156: {  	v18 =	vld [tilespmem:s25+$0xFFFFFF10]  }
0x157: {  	[tilespmem:s21+$0x90] =	vst v16;
	v16 =	vld [tilespmem:s21+$0xA0]  }
0x158: {  	v19 =	vmul.f32 v20, v1;
	v20 =	vmul.f32 v24, v9;
	v24 =	vld [tilespmem:s25+$0xA0]  }
0x159: {  	v25 =	vld [tilespmem:s21+$0xFFFFFFA0]  }
0x15a: {  	v26 =	vld [tilespmem:s21+$0xFFFFFF30];
	v19 =	vadd.f32 v20, v19;
	v20 =	vmul.f32 v23, v1;
	v17 =	vmul.f32 v17, v9  }
0x15b: {  	v27 =	vld [tilespmem:s21+$0xFFFFFFB0];
	v21 =	vmul.f32 v21, v1;
	v18 =	vmul.f32 v18, v9  }
0x15c: {  	v22 =	vld [tilespmem:s21+$0xFFFFFF20];
	[tilespmem:s21+$0xFFFFFF90] =	vst v19;
	v17 =	vadd.f32 v17, v20  }
0x15d: {  	v19 =	vld [tilespmem:s25+$0xFFFFFFA0];
	v16 =	vmul.f32 v16, v2;
	v20 =	vmul.f32 v24, v10;
	v18 =	vadd.f32 v18, v21  }
0x15e: {  	v23 =	vld [tilespmem:s21+$0x20];
	[tilespmem:s21+$0x10] =	vst v17  }
0x15f: {  	v16 =	vadd.f32 v20, v16;
	[tilespmem:s21+$0xFFFFFF10] =	vst v18;
	v17 =	vld [tilespmem:s25+$0x20]  }
0x160: {  	v18 =	vld [tilespmem:s25+$0xFFFFFF20]  }
0x161: {  	[tilespmem:s21+$0xA0] =	vst v16;
	v16 =	vld [tilespmem:s21+$0xB0]  }
0x162: {  	v25 =	vmul.f32 v25, v2;
	v19 =	vmul.f32 v19, v10;
	v20 =	vld [tilespmem:s25+$0xB0]  }
0x163: {  	s24 =	simm.s32 $0xFB00;
	v29 =	vld [tilespmem:s21+$0xE0]  }
0x164: {  	v30 =	vld [tilespmem:s24+$0xFFFFFF80];
	v23 =	vmul.f32 v23, v2;
	v19 =	vadd.f32 v19, v25;
	v17 =	vmul.f32 v17, v10  }
0x165: {  	s22 =	simm.s32 $0xD300;
	v31 =	vld [tilespmem:s24+$0xFFFFFF00];
	v22 =	vmul.f32 v22, v2;
	v18 =	vmul.f32 v18, v10  }
0x166: {  	v32 =	vld [tilespmem:s22+$0x0];
	[tilespmem:s21+$0xFFFFFFA0] =	vst v19;
	v17 =	vadd.f32 v17, v23  }
0x167: {  	v16 =	vmul.f32 v16, v3;
	v28 =	vld [tilespmem:s25+$0xFFFFFFB0];
	v23 =	vmul.f32 v20, v11;
	v18 =	vadd.f32 v18, v22  }
0x168: {  	v21 =	vld [tilespmem:s21+$0x30];
	[tilespmem:s21+$0x20] =	vst v17  }
0x169: {  	v16 =	vadd.f32 v23, v16;
	[tilespmem:s21+$0xFFFFFF20] =	vst v18;
	v17 =	vld [tilespmem:s25+$0x30]  }
0x16a: {  	v18 =	vld [tilespmem:s25+$0xFFFFFF30]  }
0x16b: {  	[tilespmem:s21+$0xB0] =	vst v16;
	v16 =	vld [tilespmem:s21+$0xC0]  }
0x16c: {  	v22 =	vmul.f32 v27, v3;
	v23 =	vmul.f32 v28, v11;
	v27 =	vld [tilespmem:s25+$0xC0]  }
0x16d: {  	v33 =	vld [tilespmem:s22+$0xFFFFFF00]  }
0x16e: {  	v36 =	vld [tilespmem:s22+$0xFFFFFF10];
	v22 =	vadd.f32 v23, v22;
	v23 =	vmul.f32 v21, v3;
	v17 =	vmul.f32 v17, v11  }
0x16f: {  	v62 =	vld [tilespmem:s22+$0x10];
	v26 =	vmul.f32 v26, v3;
	v18 =	vmul.f32 v18, v11  }
0x170: {  	v25 =	vld [tilespmem:s21+$0xFFFFFFC0];
	v17 =	vadd.f32 v17, v23  }
0x171: {  	v24 =	vld [tilespmem:s21+$0xFFFFFF40];
	v23 =	vmul.f32 v16, v4;
	v27 =	vmul.f32 v27, v12;
	v18 =	vadd.f32 v18, v26  }
0x172: {  	v19 =	vld [tilespmem:s21+$0x40];
	[tilespmem:s21+$0x30] =	vst v17  }
0x173: {  	v17 =	vadd.f32 v27, v23;
	[tilespmem:s21+$0xFFFFFF30] =	vst v18;
	v23 =	vld [tilespmem:s25+$0x40]  }
0x174: {  	v26 =	vld [tilespmem:s25+$0xFFFFFF40]  }
0x175: {  	[tilespmem:s21+$0xC0] =	vst v17;
	v17 =	vmul.f32 v25, v4;
	v25 =	vld [tilespmem:s21+$0xD0]  }
0x176: {  	v27 =	vld [tilespmem:s25+$0xD0]  }
0x177: {  	v63 =	vld [tilespmem:s22+$0xFFFFFF20]  }
0x178: {  	v38 =	vld [tilespmem:s21+$0x70]  }
0x179: {  	v39 =	vld [tilespmem:s22+$0xFFFFFFA0];
	v19 =	vmul.f32 v19, v4;
	v23 =	vmul.f32 v23, v12  }
0x17a: {  	v47 =	vld [tilespmem:s22+$0x20];
	v24 =	vmul.f32 v24, v4;
	v26 =	vmul.f32 v26, v12  }
0x17b: {  	v40 =	vld [tilespmem:s22+$0xFFFFFF30];
	v25 =	vmul.f32 v25, v5;
	v23 =	vadd.f32 v23, v19;
	v27 =	vmul.f32 v27, v13  }
0x17c: {  	v24 =	vadd.f32 v26, v24;
	v26 =	vld [tilespmem:s22+$0x80]  }
0x17d: {  	[tilespmem:s21+$0x40] =	vst v23;
	v23 =	vadd.f32 v27, v25;
	v25 =	vld [tilespmem:s24+$0x80]  }
0x17e: {  	v49 =	vld [tilespmem:s22+$0x30]  }
0x17f: {  	v50 =	vld [tilespmem:s22+$0xFFFFFF40]  }
0x180: {  	v51 =	vld [tilespmem:s21+$0xF0]  }
0x181: {  	[tilespmem:s21+$0xD0] =	vst v23;
	v23 =	vld [tilespmem:s22+$0xFFFFFF80]  }
0x182: {  	v41 =	vld [tilespmem:s22+$0xFFFFFFB0];
	v26 =	vmul.f32 v26, v0;
	v25 =	vmul.f32 v25, v8  }
0x183: {  	v54 =	vld [tilespmem:s22+$0xFFFFFFC0]  }
0x184: {  	v59 =	vld [tilespmem:s22+$0xD0];
	v25 =	vadd.f32 v25, v26  }
0x185: {  	v26 =	vld [tilespmem:s24+$0x0]  }
0x186: {  	v60 =	vld [tilespmem:s22+$0xFFFFFFE0];
	v23 =	vmul.f32 v23, v0;
	[tilespmem:s22+$0x80] =	vst v25;
	v25 =	vmul.f32 v30, v8  }
0x187: {  	v30 =	vld [tilespmem:s22+$0x90]  }
0x188: {  	v34 =	vld [tilespmem:s24+$0x90];
	v25 =	vadd.f32 v25, v23  }
0x189: {  	v20 =	vld [tilespmem:s21+$0xFFFFFF50]  }
0x18a: {  	v32 =	vmul.f32 v32, v0;
	v21 =	vld [tilespmem:s21+$0xFFFFFFD0];
	[tilespmem:s22+$0xFFFFFF80] =	vst v25;
	v25 =	vmul.f32 v26, v8  }
0x18b: {  	v33 =	vmul.f32 v33, v0;
	[tilespmem:s21+$0xFFFFFFB0] =	vst v22;
	v22 =	vld [tilespmem:s21+$0x50];
	v26 =	vmul.f32 v31, v8  }
0x18c: {  	v31 =	vld [tilespmem:s22+$0xFFFFFF90];
	v25 =	vadd.f32 v25, v32  }
0x18d: {  	v37 =	vld [tilespmem:s24+$0xFFFFFF90];
	v30 =	vmul.f32 v30, v1;
	v61 =	vmul.f32 v34, v9;
	v26 =	vadd.f32 v26, v33  }
0x18e: {  	v28 =	vld [tilespmem:s25+$0xFFFFFFC0];
	[tilespmem:s22+$0x0] =	vst v25  }
0x18f: {  	v25 =	vadd.f32 v61, v30;
	[tilespmem:s22+$0xFFFFFF00] =	vst v26;
	v26 =	vld [tilespmem:s24+$0x10]  }
0x190: {  	v30 =	vld [tilespmem:s24+$0xFFFFFF10]  }
0x191: {  	[tilespmem:s22+$0x90] =	vst v25;
	v25 =	vld [tilespmem:s22+$0xA0]  }
0x192: {  	v31 =	vmul.f32 v31, v1;
	v44 =	vmul.f32 v37, v9;
	v45 =	vld [tilespmem:s24+$0xA0]  }
0x193: {  	v18 =	vmul.f32 v28, v12;
	v35 =	vld [tilespmem:s25+$0xE0]  }
0x194: {  	v46 =	vmul.f32 v62, v1;
	v16 =	vld [tilespmem:s21+$0xFFFFFF60];
	v31 =	vadd.f32 v44, v31;
	v26 =	vmul.f32 v26, v9  }
0x195: {  	v36 =	vmul.f32 v36, v1;
	v28 =	vadd.f32 v18, v17;
	v18 =	vld [tilespmem:s21+$0xFFFFFFE0];
	v30 =	vmul.f32 v30, v9  }
0x196: {  	v17 =	vld [tilespmem:s21+$0x60];
	[tilespmem:s22+$0xFFFFFF90] =	vst v31;
	v26 =	vadd.f32 v26, v46  }
0x197: {  	[tilespmem:s21+$0xFFFFFFC0] =	vst v28;
	v31 =	vld [tilespmem:s24+$0xFFFFFFA0];
	v25 =	vmul.f32 v25, v2;
	v48 =	vmul.f32 v45, v10;
	v30 =	vadd.f32 v30, v36  }
0x198: {  	v29 =	vmul.f32 v29, v6;
	v28 =	vld [tilespmem:s25+$0xFFFFFFD0];
	v35 =	vmul.f32 v35, v14;
	[tilespmem:s22+$0x10] =	vst v26  }
0x199: {  	v25 =	vadd.f32 v48, v25;
	[tilespmem:s22+$0xFFFFFF10] =	vst v30;
	v26 =	vld [tilespmem:s24+$0x20]  }
0x19a: {  	v29 =	vadd.f32 v35, v29;
	v30 =	vld [tilespmem:s24+$0xFFFFFF20]  }
0x19b: {  	[tilespmem:s22+$0xA0] =	vst v25;
	v25 =	vld [tilespmem:s22+$0xB0]  }
0x19c: {  	v52 =	vmul.f32 v39, v2;
	[tilespmem:s21+$0xE0] =	vst v29;
	v31 =	vmul.f32 v31, v10;
	v29 =	vld [tilespmem:s24+$0xB0]  }
0x19d: {  	v19 =	vld [tilespmem:s21+$0xFFFFFF70]  }
0x19e: {  	[tilespmem:s21+$0xFFFFFF40] =	vst v24;
	v24 =	vld [tilespmem:s25+$0x50];
	v31 =	vadd.f32 v31, v52  }
0x19f: {  	v27 =	vld [tilespmem:s25+$0xFFFFFF50];
	v34 =	vmul.f32 v47, v2;
	v26 =	vmul.f32 v26, v10  }
0x1a0: {  	v23 =	vld [tilespmem:s21+$0xFFFFFFF0];
	v33 =	vmul.f32 v63, v2;
	v30 =	vmul.f32 v30, v10;
	[tilespmem:s22+$0xFFFFFFA0] =	vst v31  }
0x1a1: {  	v25 =	vmul.f32 v25, v3;
	v55 =	vld [tilespmem:s24+$0xFFFFFFB0];
	v26 =	vadd.f32 v26, v34;
	v29 =	vmul.f32 v29, v11  }
0x1a2: {  	v53 =	vld [tilespmem:s25+$0xF0];
	v30 =	vadd.f32 v30, v33  }
0x1a3: {  	v63 =	vld [tilespmem:s22+$0xFFFFFF70];
	[tilespmem:s22+$0x20] =	vst v26;
	v25 =	vadd.f32 v29, v25  }
0x1a4: {  	v20 =	vmul.f32 v20, v5;
	v27 =	vmul.f32 v27, v13;
	[tilespmem:s22+$0xFFFFFF20] =	vst v30;
	v29 =	vld [tilespmem:s24+$0x30]  }
0x1a5: {  	v21 =	vmul.f32 v21, v5;
	v30 =	vld [tilespmem:s24+$0xFFFFFF30];
	[tilespmem:s22+$0xB0] =	vst v25;
	v25 =	vmul.f32 v28, v13  }
0x1a6: {  	v20 =	vadd.f32 v27, v20;
	v27 =	vmul.f32 v41, v3;
	v28 =	vld [tilespmem:s22+$0xC0];
	v33 =	vmul.f32 v55, v11  }
0x1a7: {  	v22 =	vmul.f32 v22, v5;
	v24 =	vmul.f32 v24, v13;
	v56 =	vld [tilespmem:s24+$0xC0];
	v21 =	vadd.f32 v25, v21  }
0x1a8: {  	[tilespmem:s21+$0xFFFFFF50] =	vst v20;
	v31 =	vld [tilespmem:s22+$0x40];
	v20 =	vadd.f32 v33, v27  }
0x1a9: {  	v26 =	vld [tilespmem:s22+$0xFFFFFF50];
	[tilespmem:s21+$0xFFFFFFD0] =	vst v21;
	v21 =	vadd.f32 v24, v22;
	v22 =	vmul.f32 v49, v3;
	v29 =	vmul.f32 v29, v11  }
0x1aa: {  	v24 =	vld [tilespmem:s25+$0xFFFFFF60];
	[tilespmem:s22+$0xFFFFFFB0] =	vst v20  }
0x1ab: {  	v57 =	vmul.f32 v40, v3;
	v30 =	vmul.f32 v30, v11;
	[tilespmem:s21+$0x50] =	vst v21;
	v21 =	vadd.f32 v29, v22;
	v22 =	vld [tilespmem:s24+$0xFFFFFFC0]  }
0x1ac: {  	v20 =	vld [tilespmem:s25+$0xFFFFFFE0];
	v28 =	vmul.f32 v28, v4;
	v29 =	vmul.f32 v56, v12  }
0x1ad: {  	v30 =	vadd.f32 v30, v57;
	v58 =	vld [tilespmem:s25+$0x60]  }
0x1ae: {  	v25 =	vld [tilespmem:s22+$0xFFFFFFD0];
	[tilespmem:s22+$0x30] =	vst v21;
	v28 =	vadd.f32 v29, v28  }
0x1af: {  	v16 =	vmul.f32 v16, v6;
	[tilespmem:s22+$0xFFFFFF30] =	vst v30;
	v29 =	vld [tilespmem:s24+$0x40];
	v24 =	vmul.f32 v24, v14  }
0x1b0: {  	v30 =	vld [tilespmem:s24+$0xFFFFFF40];
	[tilespmem:s22+$0xC0] =	vst v28;
	v28 =	vmul.f32 v54, v4;
	v22 =	vmul.f32 v22, v12  }
0x1b1: {  	v18 =	vmul.f32 v18, v6;
	v27 =	vld [tilespmem:s22+$0x50];
	v20 =	vmul.f32 v20, v14;
	v16 =	vadd.f32 v24, v16  }
0x1b2: {  	v17 =	vmul.f32 v17, v6;
	v24 =	vld [tilespmem:s24+$0xD0];
	v22 =	vadd.f32 v22, v28;
	v28 =	vmul.f32 v58, v14  }
0x1b3: {  	v61 =	vmul.f32 v23, v7;
	v21 =	vld [tilespmem:s22+$0xFFFFFF60];
	v18 =	vadd.f32 v20, v18;
	[tilespmem:s21+$0xFFFFFF60] =	vst v16  }
0x1b4: {  	v20 =	vmul.f32 v31, v4;
	v23 =	vld [tilespmem:s25+$0xFFFFFF70];
	v17 =	vadd.f32 v28, v17;
	[tilespmem:s22+$0xFFFFFFC0] =	vst v22;
	v22 =	vmul.f32 v29, v12  }
0x1b5: {  	[tilespmem:s21+$0xFFFFFFE0] =	vst v18;
	v18 =	vmul.f32 v30, v12;
	v28 =	vmul.f32 v50, v4;
	v29 =	vld [tilespmem:s24+$0xFFFFFFD0]  }
0x1b6: {  	v19 =	vmul.f32 v19, v7;
	v32 =	vmul.f32 v51, v7;
	[tilespmem:s21+$0x60] =	vst v17;
	v17 =	vadd.f32 v22, v20;
	v20 =	vld [tilespmem:s25+$0xFFFFFFF0]  }
0x1b7: {  	v30 =	vmul.f32 v59, v5;
	v24 =	vmul.f32 v24, v13;
	v18 =	vadd.f32 v18, v28;
	v62 =	vld [tilespmem:s25+$0x70]  }
0x1b8: {  	v16 =	vld [tilespmem:s22+$0x60];
	v28 =	vmul.f32 v53, v15;
	v22 =	vmul.f32 v26, v5;
	[tilespmem:s22+$0x40] =	vst v17  }
0x1b9: {  	v17 =	vadd.f32 v24, v30;
	v24 =	vmul.f32 v25, v5;
	[tilespmem:s22+$0xFFFFFF40] =	vst v18;
	v30 =	vmul.f32 v23, v15;
	v25 =	vld [tilespmem:s24+$0x50]  }
0x1ba: {  	v32 =	vadd.f32 v28, v32;
	v23 =	vmul.f32 v27, v5;
	v28 =	vld [tilespmem:s24+$0xFFFFFF50];
	v27 =	vmul.f32 v29, v13  }
0x1bb: {  	v26 =	vld [tilespmem:s22+$0xE0];
	v18 =	vmul.f32 v21, v6;
	[tilespmem:s22+$0xD0] =	vst v17;
	v21 =	vadd.f32 v30, v19;
	v20 =	vmul.f32 v20, v15  }
0x1bc: {  	v31 =	vmul.f32 v38, v7;
	[tilespmem:s21+$0xF0] =	vst v32;
	v29 =	vadd.f32 v27, v24;
	v27 =	vld [tilespmem:s24+$0xE0];
	v30 =	vmul.f32 v62, v15  }
0x1bd: {  	v17 =	vmul.f32 v60, v6;
	v19 =	vmul.f32 v16, v6;
	v24 =	vld [tilespmem:s22+$0xFFFFFFF0];
	[tilespmem:s21+$0xFFFFFF70] =	vst v21;
	v21 =	vadd.f32 v20, v61  }
0x1be: {  	s8 =	simm.s32 $0xD500;
	s12 =	simm.s32 $0xFB00;
	s25 =	simm.s32 $0x4;
	v16 =	vmul.f32 v63, v7;
	[tilespmem:s22+$0xFFFFFFD0] =	vst v29;
	v29 =	vmul.f32 v25, v13;
	v25 =	vld [tilespmem:s22+$0x70];
	v20 =	vadd.f32 v30, v31  }
.LBB2_6:
0x1bf: {  	v30 =	vld [tilespmem:s8+$0x80];
	v28 =	vmul.f32 v28, v13;
	s24 =	sadd.s32 $0x200, s24;
	[tilespmem:s21+$0xFFFFFFF0] =	vst v21  }
0x1c0: {  	s25 =	sadd.s32 $0x4, s25;
	v31 =	vld [tilespmem:s24+$0x80];
	v23 =	vadd.f32 v29, v23;
	[tilespmem:s21+$0x70] =	vst v20;
	s21 =	smov.u32 s22;
	s22 =	smov.u32 s8  }
0x1c1: {  	p1 =	slt.u32 s25, $0x4C;
	v29 =	vld [tilespmem:s24+$0xFFFFFF00];
	v20 =	vadd.f32 v28, v22;
	v22 =	vmul.f32 v26, v6;
	v26 =	vmul.f32 v27, v14  }
0x1c2: {  	v27 =	vld [tilespmem:s8+$0xFFFFFF80];
	v21 =	vmul.f32 v24, v7;
	[tilespmem:s21+$0x50] =	vst v23  }
0x1c3: {  	v23 =	vld [tilespmem:s24+$0xFFFFFF80];
	[tilespmem:s21+$0xFFFFFF50] =	vst v20;
	v20 =	vmul.f32 v25, v7;
	v22 =	vadd.f32 v26, v22  }
0x1c4: {  	v24 =	vld [tilespmem:s8+$0x0]  }
0x1c5: {  	v25 =	vmul.f32 v30, v0;
	v26 =	vmul.f32 v31, v8;
	[tilespmem:s21+$0xE0] =	vst v22;
	v22 =	vld [tilespmem:s21+$0xF0]  }
0x1c6: {  	v28 =	vmul.f32 v29, v8;
	v29 =	vld [tilespmem:s12+$0xF0]  }
0x1c7: {  	v27 =	vmul.f32 v27, v0;
	v30 =	vld [tilespmem:s24+$0x0];
	v25 =	vadd.f32 v26, v25  }
0x1c8: {  	v26 =	vld [tilespmem:s8+$0xFFFFFF00];
	v23 =	vmul.f32 v23, v8  }
0x1c9: {  	v24 =	vmul.f32 v24, v0;
	[tilespmem:s8+$0x80] =	vst v25;
	v25 =	vld [tilespmem:s8+$0x90]  }
0x1ca: {  	v23 =	vadd.f32 v23, v27;
	v27 =	vld [tilespmem:s24+$0x90]  }
0x1cb: {  	v22 =	vmul.f32 v22, v7;
	v31 =	vld [tilespmem:s8+$0xFFFFFF10];
	v29 =	vmul.f32 v29, v15  }
0x1cc: {  	[tilespmem:s8+$0xFFFFFF80] =	vst v23;
	v23 =	vld [tilespmem:s8+$0xFFFFFF90];
	v30 =	vmul.f32 v30, v8  }
0x1cd: {  	v26 =	vmul.f32 v26, v0;
	v32 =	vld [tilespmem:s24+$0xFFFFFF90];
	v22 =	vadd.f32 v29, v22  }
0x1ce: {  	v24 =	vadd.f32 v30, v24;
	v29 =	vld [tilespmem:s8+$0x10]  }
0x1cf: {  	v25 =	vmul.f32 v25, v1;
	v26 =	vadd.f32 v28, v26;
	v28 =	vld [tilespmem:s8+$0xFFFFFF20];
	v27 =	vmul.f32 v27, v9;
	[tilespmem:s21+$0xF0] =	vst v22  }
0x1d0: {  	v22 =	vmul.f32 v31, v1;
	v30 =	vld [tilespmem:s8+$0xFFFFFFA0];
	[tilespmem:s8+$0x0] =	vst v24  }
0x1d1: {  	[tilespmem:s8+$0xFFFFFF00] =	vst v26;
	v23 =	vmul.f32 v23, v1;
	v24 =	vld [tilespmem:s24+$0x10];
	v25 =	vadd.f32 v27, v25  }
0x1d2: {  	v26 =	vld [tilespmem:s24+$0xFFFFFF10];
	v27 =	vmul.f32 v32, v9  }
0x1d3: {  	v29 =	vmul.f32 v29, v1;
	[tilespmem:s8+$0x90] =	vst v25;
	v25 =	vld [tilespmem:s8+$0xA0]  }
0x1d4: {  	v28 =	vmul.f32 v28, v2;
	v23 =	vadd.f32 v27, v23;
	v27 =	vld [tilespmem:s24+$0xA0]  }
0x1d5: {  	v30 =	vmul.f32 v30, v2;
	v31 =	vld [tilespmem:s8+$0x20]  }
0x1d6: {  	v32 =	vld [tilespmem:s8+$0xFFFFFF30];
	[tilespmem:s8+$0xFFFFFF90] =	vst v23;
	v23 =	vmul.f32 v24, v9  }
0x1d7: {  	v24 =	vmul.f32 v26, v9;
	v26 =	vld [tilespmem:s24+$0xFFFFFFA0]  }
0x1d8: {  	v33 =	vld [tilespmem:s8+$0xFFFFFFB0];
	v23 =	vadd.f32 v23, v29  }
0x1d9: {  	v25 =	vmul.f32 v25, v2;
	v22 =	vadd.f32 v24, v22;
	v24 =	vld [tilespmem:s8+$0x30];
	v27 =	vmul.f32 v27, v10  }
0x1da: {  	v29 =	vld [tilespmem:s8+$0xFFFFFF40];
	[tilespmem:s8+$0x10] =	vst v23;
	v23 =	vmul.f32 v31, v2  }
0x1db: {  	[tilespmem:s8+$0xFFFFFF10] =	vst v22;
	v31 =	vmul.f32 v32, v3;
	v22 =	vld [tilespmem:s24+$0x20];
	v25 =	vadd.f32 v27, v25  }
0x1dc: {  	v27 =	vld [tilespmem:s24+$0xFFFFFF20];
	v26 =	vmul.f32 v26, v10  }
0x1dd: {  	v32 =	vmul.f32 v33, v3;
	[tilespmem:s8+$0xA0] =	vst v25;
	v25 =	vld [tilespmem:s8+$0xB0]  }
0x1de: {  	v26 =	vadd.f32 v26, v30;
	v24 =	vmul.f32 v24, v3;
	v30 =	vld [tilespmem:s24+$0xB0]  }
0x1df: {  	v29 =	vmul.f32 v29, v4;
	v33 =	vld [tilespmem:s8+$0xFFFFFFC0]  }
0x1e0: {  	[tilespmem:s8+$0xFFFFFFA0] =	vst v26;
	v22 =	vmul.f32 v22, v10;
	v26 =	vld [tilespmem:s8+$0x40]  }
0x1e1: {  	v27 =	vmul.f32 v27, v10;
	v34 =	vld [tilespmem:s24+$0xFFFFFFB0]  }
0x1e2: {  	v35 =	vld [tilespmem:s8+$0xFFFFFF50];
	v22 =	vadd.f32 v22, v23  }
0x1e3: {  	v25 =	vmul.f32 v25, v3;
	v23 =	vadd.f32 v27, v28;
	v27 =	vld [tilespmem:s8+$0xFFFFFFD0];
	v28 =	vmul.f32 v30, v11  }
0x1e4: {  	v30 =	vmul.f32 v33, v4;
	[tilespmem:s8+$0x20] =	vst v22;
	v33 =	vld [tilespmem:s8+$0x50]  }
0x1e5: {  	[tilespmem:s8+$0xFFFFFF20] =	vst v23;
	v36 =	vld [tilespmem:s24+$0x30];
	v26 =	vmul.f32 v26, v4;
	v23 =	vadd.f32 v28, v25  }
0x1e6: {  	v25 =	vld [tilespmem:s24+$0xFFFFFF30];
	v28 =	vmul.f32 v34, v11  }
0x1e7: {  	v22 =	vmul.f32 v35, v5;
	[tilespmem:s8+$0xB0] =	vst v23;
	v34 =	vld [tilespmem:s8+$0xC0]  }
0x1e8: {  	v28 =	vadd.f32 v28, v32;
	v27 =	vmul.f32 v27, v5;
	v32 =	vld [tilespmem:s24+$0xC0]  }
0x1e9: {  	v23 =	vmul.f32 v33, v5;
	v33 =	vld [tilespmem:s12+$0xFFFFFF60]  }
0x1ea: {  	[tilespmem:s8+$0xFFFFFFB0] =	vst v28;
	v28 =	vmul.f32 v36, v11;
	v35 =	vld [tilespmem:s12+$0xFFFFFFE0]  }
0x1eb: {  	v25 =	vmul.f32 v25, v11;
	v36 =	vld [tilespmem:s24+$0xFFFFFFC0]  }
0x1ec: {  	v24 =	vadd.f32 v28, v24;
	v28 =	vld [tilespmem:s12+$0x60]  }
0x1ed: {  	v34 =	vmul.f32 v34, v4;
	v25 =	vadd.f32 v25, v31;
	v31 =	vld [tilespmem:s8+$0xFFFFFF60];
	v32 =	vmul.f32 v32, v12  }
0x1ee: {  	v37 =	vld [tilespmem:s8+$0xFFFFFFE0];
	[tilespmem:s8+$0x30] =	vst v24;
	v24 =	vmul.f32 v33, v14  }
0x1ef: {  	[tilespmem:s8+$0xFFFFFF30] =	vst v25;
	v25 =	vld [tilespmem:s24+$0x40];
	v32 =	vadd.f32 v32, v34;
	v33 =	vmul.f32 v35, v14  }
0x1f0: {  	v34 =	vld [tilespmem:s24+$0xFFFFFF40];
	v35 =	vmul.f32 v36, v12;
	v24 =	vadd.f32 v24, v18  }
0x1f1: {  	[tilespmem:s8+$0xC0] =	vst v32;
	v32 =	vld [tilespmem:s8+$0xD0];
	v33 =	vadd.f32 v33, v17;
	v28 =	vmul.f32 v28, v14  }
0x1f2: {  	v18 =	vmul.f32 v31, v6;
	v30 =	vadd.f32 v35, v30;
	v31 =	vld [tilespmem:s24+$0xD0];
	[tilespmem:s21+$0xFFFFFF60] =	vst v24  }
0x1f3: {  	v17 =	vmul.f32 v37, v6;
	v24 =	vld [tilespmem:s8+$0x60];
	[tilespmem:s21+$0xFFFFFFE0] =	vst v33;
	v19 =	vadd.f32 v28, v19  }
0x1f4: {  	[tilespmem:s8+$0xFFFFFFC0] =	vst v30;
	v25 =	vmul.f32 v25, v12;
	v28 =	vld [tilespmem:s12+$0xFFFFFF70]  }
0x1f5: {  	v30 =	vmul.f32 v34, v12;
	v33 =	vld [tilespmem:s24+$0xFFFFFFD0];
	[tilespmem:s21+$0x60] =	vst v19  }
0x1f6: {  	v19 =	vadd.f32 v25, v26;
	v25 =	vld [tilespmem:s12+$0xFFFFFFF0]  }
0x1f7: {  	v26 =	vadd.f32 v30, v29;
	v29 =	vmul.f32 v32, v5;
	v30 =	vmul.f32 v31, v13;
	v31 =	vld [tilespmem:s12+$0x70];
	s12 =	smov.u32 s24  }
0x1f8: {  	v32 =	vld [tilespmem:s8+$0xFFFFFF70];
	[tilespmem:s8+$0x40] =	vst v19;
	v19 =	vmul.f32 v24, v6  }
0x1f9: {  	[tilespmem:s8+$0xFFFFFF40] =	vst v26;
	v34 =	vld [tilespmem:s24+$0x50];
	v24 =	vadd.f32 v30, v29;
	v29 =	vmul.f32 v28, v15  }
.Ltmp6:
0x1fa: {  	v28 =	vld [tilespmem:s24+$0xFFFFFF50];
	v30 =	vmul.f32 v33, v13;
	(pc) =	sbr.rel @p1 .LBB2_6-.Ltmp6, $4  }
0x1fb: {  	[tilespmem:s8+$0xD0] =	vst v24;
	v26 =	vld [tilespmem:s8+$0xE0];
	v29 =	vadd.f32 v29, v16;
	v25 =	vmul.f32 v25, v15  }
0x1fc: {  	v30 =	vadd.f32 v30, v27;
	v27 =	vld [tilespmem:s24+$0xE0];
	v31 =	vmul.f32 v31, v15  }
0x1fd: {  	v16 =	vmul.f32 v32, v7;
	v24 =	vld [tilespmem:s8+$0xFFFFFFF0];
	[tilespmem:s21+$0xFFFFFF70] =	vst v29;
	v21 =	vadd.f32 v25, v21  }
0x1fe: {  	s8 =	sadd.s32 $0x200, s8;
	[tilespmem:s22+$0xFFFFFFD0] =	vst v30;
	v29 =	vmul.f32 v34, v13;
	v25 =	vld [tilespmem:s22+$0x70];
	v20 =	vadd.f32 v31, v20  }
0x1ff: {  	v28 =	vmul.f32 v28, v13;
	_ =	sdelay $0x1  }
0x200: {  	v22 =	vadd.f32 v28, v22;
	_ =	sdelay $0x1  }
0x201: {  	v23 =	vadd.f32 v29, v23;
	[tilespmem:s22+$0xFFFFFF50] =	vst v22  }
0x202: {  	v22 =	vld [tilespmem:s12+$0xFFFFFF60]  }
0x203: {  	v53 =	vld [tilespmem:s12+$0xFFFFFFE0];
	[tilespmem:s22+$0x50] =	vst v23  }
0x204: {  	v54 =	vld [tilespmem:s12+$0x60];
	_ =	sdelay $0x1  }
0x205: {  	v26 =	vmul.f32 v26, v6;
	v27 =	vmul.f32 v27, v14  }
0x206: {  	v22 =	vmul.f32 v22, v14  }
0x207: {  	v26 =	vadd.f32 v27, v26;
	v23 =	vmul.f32 v53, v14  }
0x208: {  	v55 =	vmul.f32 v54, v14;
	v18 =	vadd.f32 v22, v18  }
0x209: {  	v56 =	vld [tilespmem:s22+$0xF0];
	[tilespmem:s22+$0xE0] =	vst v26;
	v17 =	vadd.f32 v23, v17  }
0x20a: {  	v57 =	vld [tilespmem:s12+$0xF0];
	v58 =	vadd.f32 v55, v19;
	[tilespmem:s22+$0xFFFFFF60] =	vst v18  }
0x20b: {  	[tilespmem:s22+$0xFFFFFFE0] =	vst v17;
	v17 =	vld [tilespmem:s12+$0xFFFFFF70]  }
0x20c: {  	v59 =	vld [tilespmem:s12+$0xFFFFFFF0];
	[tilespmem:s22+$0x60] =	vst v58  }
0x20d: {  	v60 =	vld [tilespmem:s12+$0x70];
	_ =	sdelay $0x1  }
0x20e: {  	v61 =	vmul.f32 v56, v7;
	v23 =	vmul.f32 v57, v15  }
0x20f: {  	v17 =	vmul.f32 v17, v15  }
0x210: {  	[tilespmem:s21+$0xFFFFFFF0] =	vst v21;
	v62 =	vmul.f32 v24, v7;
	v22 =	vadd.f32 v23, v61;
	v18 =	vmul.f32 v59, v15  }
0x211: {  	s8 =	smul.u32 $0x50, s20;
	[tilespmem:s21+$0x70] =	vst v20;
	v63 =	vmul.f32 v25, v7;
	v16 =	vadd.f32 v17, v16;
	v17 =	vmul.f32 v60, v15  }
0x212: {  	[tilespmem:s22+$0xF0] =	vst v22;
	v18 =	vadd.f32 v18, v62  }
0x213: {  	s8 =	sadd.s32 s9, s8;
	[tilespmem:s22+$0xFFFFFF70] =	vst v16;
	v16 =	vadd.f32 v17, v63  }
0x214: {  	s8 =	sshll.u32 s8, $0x4;
	[tilespmem:s22+$0xFFFFFFF0] =	vst v18  }
0x215: {  	s8 =	sadd.s32 s5, s8;
	[tilespmem:s22+$0x70] =	vst v16  }
0x216: {  	[hbm4b:s8+s6] =	stream.linear.scatter [tilespmem:s19], [sflag:$0x6], $0x2800, $0x38;
	[tilespmem:$0x1C100] =	vst v63  }
.LBB2_8:
0x217: {  	p1 =	sgt.u32 s14, $0x1D  }
0x218: {  	s18 =	sor.u32 $0x2, s18;
	s8 =	simm.s32 @!p1 $0x6  }
0x219: {  	s20 =	sshll.u32 @!p1 s14, $0x9;
	p2 =	sgt.u32 s18, $0x7C;
	_ =	swait.ge @!p1 [sflag:s8], $0x2800  }
.Ltmp7:
0x21a: {  	s21 =	simm.s32 @!p1 $0x50;
	[sflag:s8] =	ssyncset.done @!p1 $0x0;
	(pc) =	sbr.rel @p2 .LBB2_12-.Ltmp7, $4  }
0x21b: {  	s10 =	simm.s32 @!p1 $0xD000;
	[sflag:s8] =	ssyncadd.s32 @!p1 $0xFFFFD800;
	s8 =	sadd.s32 @!p1 $0x280, s20  }
0x21c: {  	[tilespmem:s10], [sflag:$0x2] =	stream.indirect.gather @!p1 [hbm4b:s0+s21], $0x80, s8, s21, $0xb8;
	[tilespmem:$0x1C100] =	vst v63  }
0x21d: {  	s8 =	sadd.s32 @!p1 $0x4280, s20;
	s10 =	simm.s32 @!p1 $0xF800  }
0x21e: {  	[tilespmem:s10], [sflag:$0x2] =	stream.indirect.gather @!p1 [hbm4b:s0+s21], $0x80, s8, s21, $0xb8;
	[tilespmem:$0x1C100] =	vst v63  }
0x21f: {  	_ =	swait.ge [sflag:s29], $0x2800  }
0x220: {  	[sflag:s29] =	ssyncset.done $0x0  }
0x221: {  	[sflag:s29] =	ssyncadd.s32 $0xFFFFD800  }
0x222: {  	_ =	swait.ge [sflag:s29], $0x2800  }
0x223: {  	[sflag:s29] =	ssyncset.done $0x0  }
0x224: {  	s22 =	simm.s32 $0x12100;
	[sflag:s29] =	ssyncadd.s32 $0xFFFFD800  }
0x225: {  	s12 =	simm.s32 $0x14900;
	v16 =	vld [tilespmem:s22+$0x80]  }
0x226: {  	v17 =	vld [tilespmem:s12+$0x80];
	_ =	sdelay $0x2  }
0x227: {  	v18 =	vld [tilespmem:s22+$0xFFFFFF80]  }
0x228: {  	v19 =	vld [tilespmem:s12+$0xFFFFFF80]  }
0x229: {  	v16 =	vmul.f32 v16, v0;
	v17 =	vmul.f32 v17, v8  }
0x22a: {  	v20 =	vld [tilespmem:s12+$0xFFFFFF00]  }
0x22b: {  	v21 =	vld [tilespmem:s22+$0x0];
	v16 =	vadd.f32 v17, v16  }
0x22c: {  	v17 =	vld [tilespmem:s12+$0x0]  }
0x22d: {  	v22 =	vld [tilespmem:s22+$0xFFFFFF00];
	[tilespmem:s22+$0x80] =	vst v16;
	v16 =	vmul.f32 v18, v0;
	v18 =	vmul.f32 v19, v8  }
0x22e: {  	v19 =	vld [tilespmem:s22+$0x90]  }
0x22f: {  	v23 =	vld [tilespmem:s12+$0x90];
	v16 =	vadd.f32 v18, v16;
	_ =	sdelay $0x1  }
0x230: {  	v18 =	vmul.f32 v21, v0;
	[tilespmem:s22+$0xFFFFFF80] =	vst v16;
	v16 =	vmul.f32 v17, v8  }
0x231: {  	v22 =	vmul.f32 v22, v0;
	v21 =	vld [tilespmem:s22+$0xFFFFFF10];
	v17 =	vmul.f32 v20, v8  }
0x232: {  	v20 =	vld [tilespmem:s22+$0xFFFFFF90];
	v16 =	vadd.f32 v16, v18  }
0x233: {  	v24 =	vld [tilespmem:s12+$0xFFFFFF90];
	v18 =	vmul.f32 v19, v1;
	v19 =	vmul.f32 v23, v9;
	v17 =	vadd.f32 v17, v22  }
0x234: {  	v23 =	vld [tilespmem:s22+$0x10];
	[tilespmem:s22+$0x0] =	vst v16  }
0x235: {  	v16 =	vadd.f32 v19, v18;
	[tilespmem:s22+$0xFFFFFF00] =	vst v17;
	v17 =	vld [tilespmem:s12+$0x10]  }
0x236: {  	v18 =	vld [tilespmem:s12+$0xFFFFFF10]  }
0x237: {  	[tilespmem:s22+$0x90] =	vst v16;
	v16 =	vld [tilespmem:s22+$0xA0]  }
0x238: {  	v19 =	vmul.f32 v20, v1;
	v20 =	vmul.f32 v24, v9;
	v24 =	vld [tilespmem:s12+$0xA0]  }
0x239: {  	v25 =	vld [tilespmem:s22+$0xFFFFFFA0]  }
0x23a: {  	v26 =	vld [tilespmem:s22+$0xFFFFFF30];
	v19 =	vadd.f32 v20, v19;
	v20 =	vmul.f32 v23, v1;
	v17 =	vmul.f32 v17, v9  }
0x23b: {  	v27 =	vld [tilespmem:s22+$0xFFFFFFB0];
	v21 =	vmul.f32 v21, v1;
	v18 =	vmul.f32 v18, v9  }
0x23c: {  	v22 =	vld [tilespmem:s22+$0xFFFFFF20];
	[tilespmem:s22+$0xFFFFFF90] =	vst v19;
	v17 =	vadd.f32 v17, v20  }
0x23d: {  	v19 =	vld [tilespmem:s12+$0xFFFFFFA0];
	v16 =	vmul.f32 v16, v2;
	v20 =	vmul.f32 v24, v10;
	v18 =	vadd.f32 v18, v21  }
0x23e: {  	v23 =	vld [tilespmem:s22+$0x20];
	[tilespmem:s22+$0x10] =	vst v17  }
0x23f: {  	v16 =	vadd.f32 v20, v16;
	[tilespmem:s22+$0xFFFFFF10] =	vst v18;
	v17 =	vld [tilespmem:s12+$0x20]  }
0x240: {  	v18 =	vld [tilespmem:s12+$0xFFFFFF20]  }
0x241: {  	[tilespmem:s22+$0xA0] =	vst v16;
	v16 =	vld [tilespmem:s22+$0xB0]  }
0x242: {  	v25 =	vmul.f32 v25, v2;
	v19 =	vmul.f32 v19, v10;
	v20 =	vld [tilespmem:s12+$0xB0]  }
0x243: {  	s25 =	simm.s32 $0x14B00;
	v29 =	vld [tilespmem:s22+$0xE0]  }
0x244: {  	v30 =	vld [tilespmem:s25+$0xFFFFFF80];
	v23 =	vmul.f32 v23, v2;
	v19 =	vadd.f32 v19, v25;
	v17 =	vmul.f32 v17, v10  }
0x245: {  	s24 =	simm.s32 $0x12300;
	v31 =	vld [tilespmem:s25+$0xFFFFFF00];
	v22 =	vmul.f32 v22, v2;
	v18 =	vmul.f32 v18, v10  }
0x246: {  	v32 =	vld [tilespmem:s24+$0x0];
	[tilespmem:s22+$0xFFFFFFA0] =	vst v19;
	v17 =	vadd.f32 v17, v23  }
0x247: {  	v16 =	vmul.f32 v16, v3;
	v28 =	vld [tilespmem:s12+$0xFFFFFFB0];
	v23 =	vmul.f32 v20, v11;
	v18 =	vadd.f32 v18, v22  }
0x248: {  	v21 =	vld [tilespmem:s22+$0x30];
	[tilespmem:s22+$0x20] =	vst v17  }
0x249: {  	v16 =	vadd.f32 v23, v16;
	[tilespmem:s22+$0xFFFFFF20] =	vst v18;
	v17 =	vld [tilespmem:s12+$0x30]  }
0x24a: {  	v18 =	vld [tilespmem:s12+$0xFFFFFF30]  }
0x24b: {  	[tilespmem:s22+$0xB0] =	vst v16;
	v16 =	vld [tilespmem:s22+$0xC0]  }
0x24c: {  	v22 =	vmul.f32 v27, v3;
	v23 =	vmul.f32 v28, v11;
	v27 =	vld [tilespmem:s12+$0xC0]  }
0x24d: {  	v33 =	vld [tilespmem:s24+$0xFFFFFF00]  }
0x24e: {  	v36 =	vld [tilespmem:s24+$0xFFFFFF10];
	v22 =	vadd.f32 v23, v22;
	v23 =	vmul.f32 v21, v3;
	v17 =	vmul.f32 v17, v11  }
0x24f: {  	v62 =	vld [tilespmem:s24+$0x10];
	v26 =	vmul.f32 v26, v3;
	v18 =	vmul.f32 v18, v11  }
0x250: {  	v25 =	vld [tilespmem:s22+$0xFFFFFFC0];
	v17 =	vadd.f32 v17, v23  }
0x251: {  	v24 =	vld [tilespmem:s22+$0xFFFFFF40];
	v23 =	vmul.f32 v16, v4;
	v27 =	vmul.f32 v27, v12;
	v18 =	vadd.f32 v18, v26  }
0x252: {  	v19 =	vld [tilespmem:s22+$0x40];
	[tilespmem:s22+$0x30] =	vst v17  }
0x253: {  	v17 =	vadd.f32 v27, v23;
	[tilespmem:s22+$0xFFFFFF30] =	vst v18;
	v23 =	vld [tilespmem:s12+$0x40]  }
0x254: {  	v26 =	vld [tilespmem:s12+$0xFFFFFF40]  }
0x255: {  	[tilespmem:s22+$0xC0] =	vst v17;
	v17 =	vmul.f32 v25, v4;
	v25 =	vld [tilespmem:s22+$0xD0]  }
0x256: {  	v27 =	vld [tilespmem:s12+$0xD0]  }
0x257: {  	v63 =	vld [tilespmem:s24+$0xFFFFFF20]  }
0x258: {  	v38 =	vld [tilespmem:s22+$0x70]  }
0x259: {  	v39 =	vld [tilespmem:s24+$0xFFFFFFA0];
	v19 =	vmul.f32 v19, v4;
	v23 =	vmul.f32 v23, v12  }
0x25a: {  	v47 =	vld [tilespmem:s24+$0x20];
	v24 =	vmul.f32 v24, v4;
	v26 =	vmul.f32 v26, v12  }
0x25b: {  	v40 =	vld [tilespmem:s24+$0xFFFFFF30];
	v25 =	vmul.f32 v25, v5;
	v23 =	vadd.f32 v23, v19;
	v27 =	vmul.f32 v27, v13  }
0x25c: {  	v24 =	vadd.f32 v26, v24;
	v26 =	vld [tilespmem:s24+$0x80]  }
0x25d: {  	[tilespmem:s22+$0x40] =	vst v23;
	v23 =	vadd.f32 v27, v25;
	v25 =	vld [tilespmem:s25+$0x80]  }
0x25e: {  	v49 =	vld [tilespmem:s24+$0x30]  }
0x25f: {  	v50 =	vld [tilespmem:s24+$0xFFFFFF40]  }
0x260: {  	v51 =	vld [tilespmem:s22+$0xF0]  }
0x261: {  	[tilespmem:s22+$0xD0] =	vst v23;
	v23 =	vld [tilespmem:s24+$0xFFFFFF80]  }
0x262: {  	v41 =	vld [tilespmem:s24+$0xFFFFFFB0];
	v26 =	vmul.f32 v26, v0;
	v25 =	vmul.f32 v25, v8  }
0x263: {  	v54 =	vld [tilespmem:s24+$0xFFFFFFC0]  }
0x264: {  	v59 =	vld [tilespmem:s24+$0xD0];
	v25 =	vadd.f32 v25, v26  }
0x265: {  	v26 =	vld [tilespmem:s25+$0x0]  }
0x266: {  	v60 =	vld [tilespmem:s24+$0xFFFFFFE0];
	v23 =	vmul.f32 v23, v0;
	[tilespmem:s24+$0x80] =	vst v25;
	v25 =	vmul.f32 v30, v8  }
0x267: {  	v30 =	vld [tilespmem:s24+$0x90]  }
0x268: {  	v34 =	vld [tilespmem:s25+$0x90];
	v25 =	vadd.f32 v25, v23  }
0x269: {  	v20 =	vld [tilespmem:s22+$0xFFFFFF50]  }
0x26a: {  	v32 =	vmul.f32 v32, v0;
	v21 =	vld [tilespmem:s22+$0xFFFFFFD0];
	[tilespmem:s24+$0xFFFFFF80] =	vst v25;
	v25 =	vmul.f32 v26, v8  }
0x26b: {  	v33 =	vmul.f32 v33, v0;
	[tilespmem:s22+$0xFFFFFFB0] =	vst v22;
	v22 =	vld [tilespmem:s22+$0x50];
	v26 =	vmul.f32 v31, v8  }
0x26c: {  	v31 =	vld [tilespmem:s24+$0xFFFFFF90];
	v25 =	vadd.f32 v25, v32  }
0x26d: {  	v37 =	vld [tilespmem:s25+$0xFFFFFF90];
	v30 =	vmul.f32 v30, v1;
	v61 =	vmul.f32 v34, v9;
	v26 =	vadd.f32 v26, v33  }
0x26e: {  	v28 =	vld [tilespmem:s12+$0xFFFFFFC0];
	[tilespmem:s24+$0x0] =	vst v25  }
0x26f: {  	v25 =	vadd.f32 v61, v30;
	[tilespmem:s24+$0xFFFFFF00] =	vst v26;
	v26 =	vld [tilespmem:s25+$0x10]  }
0x270: {  	v30 =	vld [tilespmem:s25+$0xFFFFFF10]  }
0x271: {  	[tilespmem:s24+$0x90] =	vst v25;
	v25 =	vld [tilespmem:s24+$0xA0]  }
0x272: {  	v31 =	vmul.f32 v31, v1;
	v44 =	vmul.f32 v37, v9;
	v45 =	vld [tilespmem:s25+$0xA0]  }
0x273: {  	v18 =	vmul.f32 v28, v12;
	v35 =	vld [tilespmem:s12+$0xE0]  }
0x274: {  	v46 =	vmul.f32 v62, v1;
	v16 =	vld [tilespmem:s22+$0xFFFFFF60];
	v31 =	vadd.f32 v44, v31;
	v26 =	vmul.f32 v26, v9  }
0x275: {  	v36 =	vmul.f32 v36, v1;
	v28 =	vadd.f32 v18, v17;
	v18 =	vld [tilespmem:s22+$0xFFFFFFE0];
	v30 =	vmul.f32 v30, v9  }
0x276: {  	v17 =	vld [tilespmem:s22+$0x60];
	[tilespmem:s24+$0xFFFFFF90] =	vst v31;
	v26 =	vadd.f32 v26, v46  }
0x277: {  	[tilespmem:s22+$0xFFFFFFC0] =	vst v28;
	v31 =	vld [tilespmem:s25+$0xFFFFFFA0];
	v25 =	vmul.f32 v25, v2;
	v48 =	vmul.f32 v45, v10;
	v30 =	vadd.f32 v30, v36  }
0x278: {  	v29 =	vmul.f32 v29, v6;
	v28 =	vld [tilespmem:s12+$0xFFFFFFD0];
	v35 =	vmul.f32 v35, v14;
	[tilespmem:s24+$0x10] =	vst v26  }
0x279: {  	v25 =	vadd.f32 v48, v25;
	[tilespmem:s24+$0xFFFFFF10] =	vst v30;
	v26 =	vld [tilespmem:s25+$0x20]  }
0x27a: {  	v29 =	vadd.f32 v35, v29;
	v30 =	vld [tilespmem:s25+$0xFFFFFF20]  }
0x27b: {  	[tilespmem:s24+$0xA0] =	vst v25;
	v25 =	vld [tilespmem:s24+$0xB0]  }
0x27c: {  	v52 =	vmul.f32 v39, v2;
	[tilespmem:s22+$0xE0] =	vst v29;
	v31 =	vmul.f32 v31, v10;
	v29 =	vld [tilespmem:s25+$0xB0]  }
0x27d: {  	v19 =	vld [tilespmem:s22+$0xFFFFFF70]  }
0x27e: {  	[tilespmem:s22+$0xFFFFFF40] =	vst v24;
	v24 =	vld [tilespmem:s12+$0x50];
	v31 =	vadd.f32 v31, v52  }
0x27f: {  	v27 =	vld [tilespmem:s12+$0xFFFFFF50];
	v34 =	vmul.f32 v47, v2;
	v26 =	vmul.f32 v26, v10  }
0x280: {  	v23 =	vld [tilespmem:s22+$0xFFFFFFF0];
	v33 =	vmul.f32 v63, v2;
	v30 =	vmul.f32 v30, v10;
	[tilespmem:s24+$0xFFFFFFA0] =	vst v31  }
0x281: {  	v25 =	vmul.f32 v25, v3;
	v55 =	vld [tilespmem:s25+$0xFFFFFFB0];
	v26 =	vadd.f32 v26, v34;
	v29 =	vmul.f32 v29, v11  }
0x282: {  	v53 =	vld [tilespmem:s12+$0xF0];
	v30 =	vadd.f32 v30, v33  }
0x283: {  	v63 =	vld [tilespmem:s24+$0xFFFFFF70];
	[tilespmem:s24+$0x20] =	vst v26;
	v25 =	vadd.f32 v29, v25  }
0x284: {  	v20 =	vmul.f32 v20, v5;
	v27 =	vmul.f32 v27, v13;
	[tilespmem:s24+$0xFFFFFF20] =	vst v30;
	v29 =	vld [tilespmem:s25+$0x30]  }
0x285: {  	v21 =	vmul.f32 v21, v5;
	v30 =	vld [tilespmem:s25+$0xFFFFFF30];
	[tilespmem:s24+$0xB0] =	vst v25;
	v25 =	vmul.f32 v28, v13  }
0x286: {  	v20 =	vadd.f32 v27, v20;
	v27 =	vmul.f32 v41, v3;
	v28 =	vld [tilespmem:s24+$0xC0];
	v33 =	vmul.f32 v55, v11  }
0x287: {  	v22 =	vmul.f32 v22, v5;
	v24 =	vmul.f32 v24, v13;
	v56 =	vld [tilespmem:s25+$0xC0];
	v21 =	vadd.f32 v25, v21  }
0x288: {  	[tilespmem:s22+$0xFFFFFF50] =	vst v20;
	v31 =	vld [tilespmem:s24+$0x40];
	v20 =	vadd.f32 v33, v27  }
0x289: {  	v26 =	vld [tilespmem:s24+$0xFFFFFF50];
	[tilespmem:s22+$0xFFFFFFD0] =	vst v21;
	v21 =	vadd.f32 v24, v22;
	v22 =	vmul.f32 v49, v3;
	v29 =	vmul.f32 v29, v11  }
0x28a: {  	v24 =	vld [tilespmem:s12+$0xFFFFFF60];
	[tilespmem:s24+$0xFFFFFFB0] =	vst v20  }
0x28b: {  	v57 =	vmul.f32 v40, v3;
	v30 =	vmul.f32 v30, v11;
	[tilespmem:s22+$0x50] =	vst v21;
	v21 =	vadd.f32 v29, v22;
	v22 =	vld [tilespmem:s25+$0xFFFFFFC0]  }
0x28c: {  	v20 =	vld [tilespmem:s12+$0xFFFFFFE0];
	v28 =	vmul.f32 v28, v4;
	v29 =	vmul.f32 v56, v12  }
0x28d: {  	v30 =	vadd.f32 v30, v57;
	v58 =	vld [tilespmem:s12+$0x60]  }
0x28e: {  	v25 =	vld [tilespmem:s24+$0xFFFFFFD0];
	[tilespmem:s24+$0x30] =	vst v21;
	v28 =	vadd.f32 v29, v28  }
0x28f: {  	v16 =	vmul.f32 v16, v6;
	[tilespmem:s24+$0xFFFFFF30] =	vst v30;
	v29 =	vld [tilespmem:s25+$0x40];
	v24 =	vmul.f32 v24, v14  }
0x290: {  	v30 =	vld [tilespmem:s25+$0xFFFFFF40];
	[tilespmem:s24+$0xC0] =	vst v28;
	v28 =	vmul.f32 v54, v4;
	v22 =	vmul.f32 v22, v12  }
0x291: {  	v18 =	vmul.f32 v18, v6;
	v27 =	vld [tilespmem:s24+$0x50];
	v20 =	vmul.f32 v20, v14;
	v16 =	vadd.f32 v24, v16  }
0x292: {  	v17 =	vmul.f32 v17, v6;
	v24 =	vld [tilespmem:s25+$0xD0];
	v22 =	vadd.f32 v22, v28;
	v28 =	vmul.f32 v58, v14  }
0x293: {  	v61 =	vmul.f32 v23, v7;
	v21 =	vld [tilespmem:s24+$0xFFFFFF60];
	v18 =	vadd.f32 v20, v18;
	[tilespmem:s22+$0xFFFFFF60] =	vst v16  }
0x294: {  	v20 =	vmul.f32 v31, v4;
	v23 =	vld [tilespmem:s12+$0xFFFFFF70];
	v17 =	vadd.f32 v28, v17;
	[tilespmem:s24+$0xFFFFFFC0] =	vst v22;
	v22 =	vmul.f32 v29, v12  }
0x295: {  	[tilespmem:s22+$0xFFFFFFE0] =	vst v18;
	v18 =	vmul.f32 v30, v12;
	v28 =	vmul.f32 v50, v4;
	v29 =	vld [tilespmem:s25+$0xFFFFFFD0]  }
0x296: {  	v19 =	vmul.f32 v19, v7;
	v32 =	vmul.f32 v51, v7;
	[tilespmem:s22+$0x60] =	vst v17;
	v17 =	vadd.f32 v22, v20;
	v20 =	vld [tilespmem:s12+$0xFFFFFFF0]  }
0x297: {  	v30 =	vmul.f32 v59, v5;
	v24 =	vmul.f32 v24, v13;
	v18 =	vadd.f32 v18, v28;
	v62 =	vld [tilespmem:s12+$0x70]  }
0x298: {  	v16 =	vld [tilespmem:s24+$0x60];
	v28 =	vmul.f32 v53, v15;
	v22 =	vmul.f32 v26, v5;
	[tilespmem:s24+$0x40] =	vst v17  }
0x299: {  	v17 =	vadd.f32 v24, v30;
	v24 =	vmul.f32 v25, v5;
	[tilespmem:s24+$0xFFFFFF40] =	vst v18;
	v30 =	vmul.f32 v23, v15;
	v25 =	vld [tilespmem:s25+$0x50]  }
0x29a: {  	v32 =	vadd.f32 v28, v32;
	v23 =	vmul.f32 v27, v5;
	v28 =	vld [tilespmem:s25+$0xFFFFFF50];
	v27 =	vmul.f32 v29, v13  }
0x29b: {  	v26 =	vld [tilespmem:s24+$0xE0];
	v18 =	vmul.f32 v21, v6;
	[tilespmem:s24+$0xD0] =	vst v17;
	v21 =	vadd.f32 v30, v19;
	v20 =	vmul.f32 v20, v15  }
0x29c: {  	v31 =	vmul.f32 v38, v7;
	[tilespmem:s22+$0xF0] =	vst v32;
	v29 =	vadd.f32 v27, v24;
	v27 =	vld [tilespmem:s25+$0xE0];
	v30 =	vmul.f32 v62, v15  }
0x29d: {  	v17 =	vmul.f32 v60, v6;
	v19 =	vmul.f32 v16, v6;
	v24 =	vld [tilespmem:s24+$0xFFFFFFF0];
	[tilespmem:s22+$0xFFFFFF70] =	vst v21;
	v21 =	vadd.f32 v20, v61  }
0x29e: {  	s8 =	simm.s32 $0x4;
	s10 =	simm.s32 $0x12500;
	s12 =	simm.s32 $0x14B00;
	v16 =	vmul.f32 v63, v7;
	[tilespmem:s24+$0xFFFFFFD0] =	vst v29;
	v29 =	vmul.f32 v25, v13;
	v25 =	vld [tilespmem:s24+$0x70];
	v20 =	vadd.f32 v30, v31  }
.LBB2_10:
0x29f: {  	v30 =	vld [tilespmem:s10+$0x80];
	v28 =	vmul.f32 v28, v13;
	s25 =	sadd.s32 $0x200, s25;
	[tilespmem:s22+$0xFFFFFFF0] =	vst v21  }
0x2a0: {  	s8 =	sadd.s32 $0x4, s8;
	v31 =	vld [tilespmem:s25+$0x80];
	v23 =	vadd.f32 v29, v23;
	[tilespmem:s22+$0x70] =	vst v20;
	s22 =	smov.u32 s24;
	s24 =	smov.u32 s10  }
0x2a1: {  	p2 =	slt.u32 s8, $0x4C;
	v29 =	vld [tilespmem:s25+$0xFFFFFF00];
	v20 =	vadd.f32 v28, v22;
	v22 =	vmul.f32 v26, v6;
	v26 =	vmul.f32 v27, v14  }
0x2a2: {  	v27 =	vld [tilespmem:s10+$0xFFFFFF80];
	v21 =	vmul.f32 v24, v7;
	[tilespmem:s22+$0x50] =	vst v23  }
0x2a3: {  	v23 =	vld [tilespmem:s25+$0xFFFFFF80];
	[tilespmem:s22+$0xFFFFFF50] =	vst v20;
	v20 =	vmul.f32 v25, v7;
	v22 =	vadd.f32 v26, v22  }
0x2a4: {  	v24 =	vld [tilespmem:s10+$0x0]  }
0x2a5: {  	v25 =	vmul.f32 v30, v0;
	v26 =	vmul.f32 v31, v8;
	[tilespmem:s22+$0xE0] =	vst v22;
	v22 =	vld [tilespmem:s22+$0xF0]  }
0x2a6: {  	v28 =	vmul.f32 v29, v8;
	v29 =	vld [tilespmem:s12+$0xF0]  }
0x2a7: {  	v27 =	vmul.f32 v27, v0;
	v30 =	vld [tilespmem:s25+$0x0];
	v25 =	vadd.f32 v26, v25  }
0x2a8: {  	v26 =	vld [tilespmem:s10+$0xFFFFFF00];
	v23 =	vmul.f32 v23, v8  }
0x2a9: {  	v24 =	vmul.f32 v24, v0;
	[tilespmem:s10+$0x80] =	vst v25;
	v25 =	vld [tilespmem:s10+$0x90]  }
0x2aa: {  	v23 =	vadd.f32 v23, v27;
	v27 =	vld [tilespmem:s25+$0x90]  }
0x2ab: {  	v22 =	vmul.f32 v22, v7;
	v31 =	vld [tilespmem:s10+$0xFFFFFF10];
	v29 =	vmul.f32 v29, v15  }
0x2ac: {  	[tilespmem:s10+$0xFFFFFF80] =	vst v23;
	v23 =	vld [tilespmem:s10+$0xFFFFFF90];
	v30 =	vmul.f32 v30, v8  }
0x2ad: {  	v26 =	vmul.f32 v26, v0;
	v32 =	vld [tilespmem:s25+$0xFFFFFF90];
	v22 =	vadd.f32 v29, v22  }
0x2ae: {  	v24 =	vadd.f32 v30, v24;
	v29 =	vld [tilespmem:s10+$0x10]  }
0x2af: {  	v25 =	vmul.f32 v25, v1;
	v26 =	vadd.f32 v28, v26;
	v28 =	vld [tilespmem:s10+$0xFFFFFF20];
	v27 =	vmul.f32 v27, v9;
	[tilespmem:s22+$0xF0] =	vst v22  }
0x2b0: {  	v22 =	vmul.f32 v31, v1;
	v30 =	vld [tilespmem:s10+$0xFFFFFFA0];
	[tilespmem:s10+$0x0] =	vst v24  }
0x2b1: {  	[tilespmem:s10+$0xFFFFFF00] =	vst v26;
	v23 =	vmul.f32 v23, v1;
	v24 =	vld [tilespmem:s25+$0x10];
	v25 =	vadd.f32 v27, v25  }
0x2b2: {  	v26 =	vld [tilespmem:s25+$0xFFFFFF10];
	v27 =	vmul.f32 v32, v9  }
0x2b3: {  	v29 =	vmul.f32 v29, v1;
	[tilespmem:s10+$0x90] =	vst v25;
	v25 =	vld [tilespmem:s10+$0xA0]  }
0x2b4: {  	v28 =	vmul.f32 v28, v2;
	v23 =	vadd.f32 v27, v23;
	v27 =	vld [tilespmem:s25+$0xA0]  }
0x2b5: {  	v30 =	vmul.f32 v30, v2;
	v31 =	vld [tilespmem:s10+$0x20]  }
0x2b6: {  	v32 =	vld [tilespmem:s10+$0xFFFFFF30];
	[tilespmem:s10+$0xFFFFFF90] =	vst v23;
	v23 =	vmul.f32 v24, v9  }
0x2b7: {  	v24 =	vmul.f32 v26, v9;
	v26 =	vld [tilespmem:s25+$0xFFFFFFA0]  }
0x2b8: {  	v33 =	vld [tilespmem:s10+$0xFFFFFFB0];
	v23 =	vadd.f32 v23, v29  }
0x2b9: {  	v25 =	vmul.f32 v25, v2;
	v22 =	vadd.f32 v24, v22;
	v24 =	vld [tilespmem:s10+$0x30];
	v27 =	vmul.f32 v27, v10  }
0x2ba: {  	v29 =	vld [tilespmem:s10+$0xFFFFFF40];
	[tilespmem:s10+$0x10] =	vst v23;
	v23 =	vmul.f32 v31, v2  }
0x2bb: {  	[tilespmem:s10+$0xFFFFFF10] =	vst v22;
	v31 =	vmul.f32 v32, v3;
	v22 =	vld [tilespmem:s25+$0x20];
	v25 =	vadd.f32 v27, v25  }
0x2bc: {  	v27 =	vld [tilespmem:s25+$0xFFFFFF20];
	v26 =	vmul.f32 v26, v10  }
0x2bd: {  	v32 =	vmul.f32 v33, v3;
	[tilespmem:s10+$0xA0] =	vst v25;
	v25 =	vld [tilespmem:s10+$0xB0]  }
0x2be: {  	v26 =	vadd.f32 v26, v30;
	v24 =	vmul.f32 v24, v3;
	v30 =	vld [tilespmem:s25+$0xB0]  }
0x2bf: {  	v29 =	vmul.f32 v29, v4;
	v33 =	vld [tilespmem:s10+$0xFFFFFFC0]  }
0x2c0: {  	[tilespmem:s10+$0xFFFFFFA0] =	vst v26;
	v22 =	vmul.f32 v22, v10;
	v26 =	vld [tilespmem:s10+$0x40]  }
0x2c1: {  	v27 =	vmul.f32 v27, v10;
	v34 =	vld [tilespmem:s25+$0xFFFFFFB0]  }
0x2c2: {  	v35 =	vld [tilespmem:s10+$0xFFFFFF50];
	v22 =	vadd.f32 v22, v23  }
0x2c3: {  	v25 =	vmul.f32 v25, v3;
	v23 =	vadd.f32 v27, v28;
	v27 =	vld [tilespmem:s10+$0xFFFFFFD0];
	v28 =	vmul.f32 v30, v11  }
0x2c4: {  	v30 =	vmul.f32 v33, v4;
	[tilespmem:s10+$0x20] =	vst v22;
	v33 =	vld [tilespmem:s10+$0x50]  }
0x2c5: {  	[tilespmem:s10+$0xFFFFFF20] =	vst v23;
	v36 =	vld [tilespmem:s25+$0x30];
	v26 =	vmul.f32 v26, v4;
	v23 =	vadd.f32 v28, v25  }
0x2c6: {  	v25 =	vld [tilespmem:s25+$0xFFFFFF30];
	v28 =	vmul.f32 v34, v11  }
0x2c7: {  	v22 =	vmul.f32 v35, v5;
	[tilespmem:s10+$0xB0] =	vst v23;
	v34 =	vld [tilespmem:s10+$0xC0]  }
0x2c8: {  	v28 =	vadd.f32 v28, v32;
	v27 =	vmul.f32 v27, v5;
	v32 =	vld [tilespmem:s25+$0xC0]  }
0x2c9: {  	v23 =	vmul.f32 v33, v5;
	v33 =	vld [tilespmem:s12+$0xFFFFFF60]  }
0x2ca: {  	[tilespmem:s10+$0xFFFFFFB0] =	vst v28;
	v28 =	vmul.f32 v36, v11;
	v35 =	vld [tilespmem:s12+$0xFFFFFFE0]  }
0x2cb: {  	v25 =	vmul.f32 v25, v11;
	v36 =	vld [tilespmem:s25+$0xFFFFFFC0]  }
0x2cc: {  	v24 =	vadd.f32 v28, v24;
	v28 =	vld [tilespmem:s12+$0x60]  }
0x2cd: {  	v34 =	vmul.f32 v34, v4;
	v25 =	vadd.f32 v25, v31;
	v31 =	vld [tilespmem:s10+$0xFFFFFF60];
	v32 =	vmul.f32 v32, v12  }
0x2ce: {  	v37 =	vld [tilespmem:s10+$0xFFFFFFE0];
	[tilespmem:s10+$0x30] =	vst v24;
	v24 =	vmul.f32 v33, v14  }
0x2cf: {  	[tilespmem:s10+$0xFFFFFF30] =	vst v25;
	v25 =	vld [tilespmem:s25+$0x40];
	v32 =	vadd.f32 v32, v34;
	v33 =	vmul.f32 v35, v14  }
0x2d0: {  	v34 =	vld [tilespmem:s25+$0xFFFFFF40];
	v35 =	vmul.f32 v36, v12;
	v24 =	vadd.f32 v24, v18  }
0x2d1: {  	[tilespmem:s10+$0xC0] =	vst v32;
	v32 =	vld [tilespmem:s10+$0xD0];
	v33 =	vadd.f32 v33, v17;
	v28 =	vmul.f32 v28, v14  }
0x2d2: {  	v18 =	vmul.f32 v31, v6;
	v30 =	vadd.f32 v35, v30;
	v31 =	vld [tilespmem:s25+$0xD0];
	[tilespmem:s22+$0xFFFFFF60] =	vst v24  }
0x2d3: {  	v17 =	vmul.f32 v37, v6;
	v24 =	vld [tilespmem:s10+$0x60];
	[tilespmem:s22+$0xFFFFFFE0] =	vst v33;
	v19 =	vadd.f32 v28, v19  }
0x2d4: {  	[tilespmem:s10+$0xFFFFFFC0] =	vst v30;
	v25 =	vmul.f32 v25, v12;
	v28 =	vld [tilespmem:s12+$0xFFFFFF70]  }
0x2d5: {  	v30 =	vmul.f32 v34, v12;
	v33 =	vld [tilespmem:s25+$0xFFFFFFD0];
	[tilespmem:s22+$0x60] =	vst v19  }
0x2d6: {  	v19 =	vadd.f32 v25, v26;
	v25 =	vld [tilespmem:s12+$0xFFFFFFF0]  }
0x2d7: {  	v26 =	vadd.f32 v30, v29;
	v29 =	vmul.f32 v32, v5;
	v30 =	vmul.f32 v31, v13;
	v31 =	vld [tilespmem:s12+$0x70];
	s12 =	smov.u32 s25  }
0x2d8: {  	v32 =	vld [tilespmem:s10+$0xFFFFFF70];
	[tilespmem:s10+$0x40] =	vst v19;
	v19 =	vmul.f32 v24, v6  }
0x2d9: {  	[tilespmem:s10+$0xFFFFFF40] =	vst v26;
	v34 =	vld [tilespmem:s25+$0x50];
	v24 =	vadd.f32 v30, v29;
	v29 =	vmul.f32 v28, v15  }
.Ltmp8:
0x2da: {  	v28 =	vld [tilespmem:s25+$0xFFFFFF50];
	v30 =	vmul.f32 v33, v13;
	(pc) =	sbr.rel @p2 .LBB2_10-.Ltmp8, $4  }
0x2db: {  	[tilespmem:s10+$0xD0] =	vst v24;
	v26 =	vld [tilespmem:s10+$0xE0];
	v29 =	vadd.f32 v29, v16;
	v25 =	vmul.f32 v25, v15  }
0x2dc: {  	v30 =	vadd.f32 v30, v27;
	v27 =	vld [tilespmem:s25+$0xE0];
	v31 =	vmul.f32 v31, v15  }
0x2dd: {  	v16 =	vmul.f32 v32, v7;
	v24 =	vld [tilespmem:s10+$0xFFFFFFF0];
	[tilespmem:s22+$0xFFFFFF70] =	vst v29;
	v21 =	vadd.f32 v25, v21  }
0x2de: {  	s10 =	sadd.s32 $0x200, s10;
	[tilespmem:s24+$0xFFFFFFD0] =	vst v30;
	v29 =	vmul.f32 v34, v13;
	v25 =	vld [tilespmem:s24+$0x70];
	v20 =	vadd.f32 v31, v20  }
0x2df: {  	v28 =	vmul.f32 v28, v13;
	_ =	sdelay $0x1  }
0x2e0: {  	v22 =	vadd.f32 v28, v22;
	_ =	sdelay $0x1  }
0x2e1: {  	v23 =	vadd.f32 v29, v23;
	[tilespmem:s24+$0xFFFFFF50] =	vst v22  }
0x2e2: {  	v22 =	vld [tilespmem:s12+$0xFFFFFF60]  }
0x2e3: {  	v53 =	vld [tilespmem:s12+$0xFFFFFFE0];
	[tilespmem:s24+$0x50] =	vst v23  }
0x2e4: {  	v54 =	vld [tilespmem:s12+$0x60];
	_ =	sdelay $0x1  }
0x2e5: {  	v26 =	vmul.f32 v26, v6;
	v27 =	vmul.f32 v27, v14  }
0x2e6: {  	v22 =	vmul.f32 v22, v14  }
0x2e7: {  	v26 =	vadd.f32 v27, v26;
	v23 =	vmul.f32 v53, v14  }
0x2e8: {  	v55 =	vmul.f32 v54, v14;
	v18 =	vadd.f32 v22, v18  }
0x2e9: {  	v56 =	vld [tilespmem:s24+$0xF0];
	[tilespmem:s24+$0xE0] =	vst v26;
	v17 =	vadd.f32 v23, v17  }
0x2ea: {  	v57 =	vld [tilespmem:s12+$0xF0];
	v58 =	vadd.f32 v55, v19;
	[tilespmem:s24+$0xFFFFFF60] =	vst v18  }
0x2eb: {  	[tilespmem:s24+$0xFFFFFFE0] =	vst v17;
	v17 =	vld [tilespmem:s12+$0xFFFFFF70]  }
0x2ec: {  	v59 =	vld [tilespmem:s12+$0xFFFFFFF0];
	[tilespmem:s24+$0x60] =	vst v58  }
0x2ed: {  	v60 =	vld [tilespmem:s12+$0x70];
	_ =	sdelay $0x1  }
0x2ee: {  	v61 =	vmul.f32 v56, v7;
	v23 =	vmul.f32 v57, v15  }
0x2ef: {  	v17 =	vmul.f32 v17, v15  }
0x2f0: {  	[tilespmem:s22+$0xFFFFFFF0] =	vst v21;
	v62 =	vmul.f32 v24, v7;
	v22 =	vadd.f32 v23, v61;
	v18 =	vmul.f32 v59, v15  }
0x2f1: {  	s8 =	smul.u32 $0x50, s18;
	[tilespmem:s22+$0x70] =	vst v20;
	v63 =	vmul.f32 v25, v7;
	v16 =	vadd.f32 v17, v16;
	v17 =	vmul.f32 v60, v15  }
0x2f2: {  	[tilespmem:s24+$0xF0] =	vst v22;
	v18 =	vadd.f32 v18, v62  }
0x2f3: {  	s8 =	sadd.s32 s9, s8;
	[tilespmem:s24+$0xFFFFFF70] =	vst v16;
	v16 =	vadd.f32 v17, v63  }
0x2f4: {  	s8 =	sshll.u32 s8, $0x4;
	[tilespmem:s24+$0xFFFFFFF0] =	vst v18  }
0x2f5: {  	s8 =	sadd.s32 s5, s8;
	[tilespmem:s24+$0x70] =	vst v16  }
0x2f6: {  	[hbm4b:s8+s6] =	stream.linear.scatter [tilespmem:s23], [sflag:$0x7], $0x2800, $0x38;
	[tilespmem:$0x1C100] =	vst v63  }
.LBB2_12:
0x2f7: {  	s8 =	simm.s32 @!p1 $0x7  }
0x2f8: {  	_ =	swait.ge @!p1 [sflag:s8], $0x2800  }
.Ltmp9:
0x2f9: {  	[sflag:s8] =	ssyncset.done @!p1 $0x0;
	(pc) =	sbr.rel @p0 .LBB2_16-.Ltmp9, $4  }
0x2fa: {  	s10 =	simm.s32 @!p1 $0x12000;
	[sflag:s8] =	ssyncadd.s32 @!p1 $0xFFFFD800;
	s8 =	sadd.s32 @!p1 $0x300, s20  }
0x2fb: {  	[tilespmem:s10], [sflag:$0x3] =	stream.indirect.gather @!p1 [hbm4b:s0+s21], $0x80, s8, s21, $0xb8;
	[tilespmem:$0x1C100] =	vst v63  }
0x2fc: {  	s8 =	sadd.s32 @!p1 $0x4300, s20;
	s10 =	simm.s32 @!p1 $0x14800  }
0x2fd: {  	[tilespmem:s10], [sflag:$0x3] =	stream.indirect.gather @!p1 [hbm4b:s0+s21], $0x80, s8, s21, $0xb8;
	[tilespmem:$0x1C100] =	vst v63  }
0x2fe: {  	_ =	swait.ge [sflag:s30], $0x2800  }
0x2ff: {  	[sflag:s30] =	ssyncset.done $0x0  }
0x300: {  	[sflag:s30] =	ssyncadd.s32 $0xFFFFD800  }
0x301: {  	_ =	swait.ge [sflag:s30], $0x2800  }
0x302: {  	[sflag:s30] =	ssyncset.done $0x0  }
0x303: {  	s18 =	simm.s32 $0x17100;
	[sflag:s30] =	ssyncadd.s32 $0xFFFFD800  }
0x304: {  	s12 =	simm.s32 $0x19900;
	v16 =	vld [tilespmem:s18+$0x80]  }
0x305: {  	v17 =	vld [tilespmem:s12+$0x80];
	_ =	sdelay $0x2  }
0x306: {  	v18 =	vld [tilespmem:s18+$0xFFFFFF80]  }
0x307: {  	v19 =	vld [tilespmem:s12+$0xFFFFFF80]  }
0x308: {  	v16 =	vmul.f32 v16, v0;
	v17 =	vmul.f32 v17, v8  }
0x309: {  	v20 =	vld [tilespmem:s12+$0xFFFFFF00]  }
0x30a: {  	v21 =	vld [tilespmem:s18+$0x0];
	v16 =	vadd.f32 v17, v16  }
0x30b: {  	v17 =	vld [tilespmem:s12+$0x0]  }
0x30c: {  	v22 =	vld [tilespmem:s18+$0xFFFFFF00];
	[tilespmem:s18+$0x80] =	vst v16;
	v16 =	vmul.f32 v18, v0;
	v18 =	vmul.f32 v19, v8  }
0x30d: {  	v19 =	vld [tilespmem:s18+$0x90]  }
0x30e: {  	v23 =	vld [tilespmem:s12+$0x90];
	v16 =	vadd.f32 v18, v16;
	_ =	sdelay $0x1  }
0x30f: {  	v18 =	vmul.f32 v21, v0;
	[tilespmem:s18+$0xFFFFFF80] =	vst v16;
	v16 =	vmul.f32 v17, v8  }
0x310: {  	v22 =	vmul.f32 v22, v0;
	v21 =	vld [tilespmem:s18+$0xFFFFFF10];
	v17 =	vmul.f32 v20, v8  }
0x311: {  	v20 =	vld [tilespmem:s18+$0xFFFFFF90];
	v16 =	vadd.f32 v16, v18  }
0x312: {  	v24 =	vld [tilespmem:s12+$0xFFFFFF90];
	v18 =	vmul.f32 v19, v1;
	v19 =	vmul.f32 v23, v9;
	v17 =	vadd.f32 v17, v22  }
0x313: {  	v23 =	vld [tilespmem:s18+$0x10];
	[tilespmem:s18+$0x0] =	vst v16  }
0x314: {  	v16 =	vadd.f32 v19, v18;
	[tilespmem:s18+$0xFFFFFF00] =	vst v17;
	v17 =	vld [tilespmem:s12+$0x10]  }
0x315: {  	v18 =	vld [tilespmem:s12+$0xFFFFFF10]  }
0x316: {  	[tilespmem:s18+$0x90] =	vst v16;
	v16 =	vld [tilespmem:s18+$0xA0]  }
0x317: {  	v19 =	vmul.f32 v20, v1;
	v20 =	vmul.f32 v24, v9;
	v24 =	vld [tilespmem:s12+$0xA0]  }
0x318: {  	v25 =	vld [tilespmem:s18+$0xFFFFFFA0]  }
0x319: {  	v26 =	vld [tilespmem:s18+$0xFFFFFF30];
	v19 =	vadd.f32 v20, v19;
	v20 =	vmul.f32 v23, v1;
	v17 =	vmul.f32 v17, v9  }
0x31a: {  	v27 =	vld [tilespmem:s18+$0xFFFFFFB0];
	v21 =	vmul.f32 v21, v1;
	v18 =	vmul.f32 v18, v9  }
0x31b: {  	v22 =	vld [tilespmem:s18+$0xFFFFFF20];
	[tilespmem:s18+$0xFFFFFF90] =	vst v19;
	v17 =	vadd.f32 v17, v20  }
0x31c: {  	v19 =	vld [tilespmem:s12+$0xFFFFFFA0];
	v16 =	vmul.f32 v16, v2;
	v20 =	vmul.f32 v24, v10;
	v18 =	vadd.f32 v18, v21  }
0x31d: {  	v23 =	vld [tilespmem:s18+$0x20];
	[tilespmem:s18+$0x10] =	vst v17  }
0x31e: {  	v16 =	vadd.f32 v20, v16;
	[tilespmem:s18+$0xFFFFFF10] =	vst v18;
	v17 =	vld [tilespmem:s12+$0x20]  }
0x31f: {  	v18 =	vld [tilespmem:s12+$0xFFFFFF20]  }
0x320: {  	[tilespmem:s18+$0xA0] =	vst v16;
	v16 =	vld [tilespmem:s18+$0xB0]  }
0x321: {  	v25 =	vmul.f32 v25, v2;
	v19 =	vmul.f32 v19, v10;
	v20 =	vld [tilespmem:s12+$0xB0]  }
0x322: {  	s21 =	simm.s32 $0x19B00;
	v29 =	vld [tilespmem:s18+$0xE0]  }
0x323: {  	v30 =	vld [tilespmem:s21+$0xFFFFFF80];
	v23 =	vmul.f32 v23, v2;
	v19 =	vadd.f32 v19, v25;
	v17 =	vmul.f32 v17, v10  }
0x324: {  	s20 =	simm.s32 $0x17300;
	v31 =	vld [tilespmem:s21+$0xFFFFFF00];
	v22 =	vmul.f32 v22, v2;
	v18 =	vmul.f32 v18, v10  }
0x325: {  	v32 =	vld [tilespmem:s20+$0x0];
	[tilespmem:s18+$0xFFFFFFA0] =	vst v19;
	v17 =	vadd.f32 v17, v23  }
0x326: {  	v16 =	vmul.f32 v16, v3;
	v28 =	vld [tilespmem:s12+$0xFFFFFFB0];
	v23 =	vmul.f32 v20, v11;
	v18 =	vadd.f32 v18, v22  }
0x327: {  	v21 =	vld [tilespmem:s18+$0x30];
	[tilespmem:s18+$0x20] =	vst v17  }
0x328: {  	v16 =	vadd.f32 v23, v16;
	[tilespmem:s18+$0xFFFFFF20] =	vst v18;
	v17 =	vld [tilespmem:s12+$0x30]  }
0x329: {  	v18 =	vld [tilespmem:s12+$0xFFFFFF30]  }
0x32a: {  	[tilespmem:s18+$0xB0] =	vst v16;
	v16 =	vld [tilespmem:s18+$0xC0]  }
0x32b: {  	v22 =	vmul.f32 v27, v3;
	v23 =	vmul.f32 v28, v11;
	v27 =	vld [tilespmem:s12+$0xC0]  }
0x32c: {  	v33 =	vld [tilespmem:s20+$0xFFFFFF00]  }
0x32d: {  	v36 =	vld [tilespmem:s20+$0xFFFFFF10];
	v22 =	vadd.f32 v23, v22;
	v23 =	vmul.f32 v21, v3;
	v17 =	vmul.f32 v17, v11  }
0x32e: {  	v62 =	vld [tilespmem:s20+$0x10];
	v26 =	vmul.f32 v26, v3;
	v18 =	vmul.f32 v18, v11  }
0x32f: {  	v25 =	vld [tilespmem:s18+$0xFFFFFFC0];
	v17 =	vadd.f32 v17, v23  }
0x330: {  	v24 =	vld [tilespmem:s18+$0xFFFFFF40];
	v23 =	vmul.f32 v16, v4;
	v27 =	vmul.f32 v27, v12;
	v18 =	vadd.f32 v18, v26  }
0x331: {  	v19 =	vld [tilespmem:s18+$0x40];
	[tilespmem:s18+$0x30] =	vst v17  }
0x332: {  	v17 =	vadd.f32 v27, v23;
	[tilespmem:s18+$0xFFFFFF30] =	vst v18;
	v23 =	vld [tilespmem:s12+$0x40]  }
0x333: {  	v26 =	vld [tilespmem:s12+$0xFFFFFF40]  }
0x334: {  	[tilespmem:s18+$0xC0] =	vst v17;
	v17 =	vmul.f32 v25, v4;
	v25 =	vld [tilespmem:s18+$0xD0]  }
0x335: {  	v27 =	vld [tilespmem:s12+$0xD0]  }
0x336: {  	v63 =	vld [tilespmem:s20+$0xFFFFFF20]  }
0x337: {  	v38 =	vld [tilespmem:s18+$0x70]  }
0x338: {  	v39 =	vld [tilespmem:s20+$0xFFFFFFA0];
	v19 =	vmul.f32 v19, v4;
	v23 =	vmul.f32 v23, v12  }
0x339: {  	v47 =	vld [tilespmem:s20+$0x20];
	v24 =	vmul.f32 v24, v4;
	v26 =	vmul.f32 v26, v12  }
0x33a: {  	v40 =	vld [tilespmem:s20+$0xFFFFFF30];
	v25 =	vmul.f32 v25, v5;
	v23 =	vadd.f32 v23, v19;
	v27 =	vmul.f32 v27, v13  }
0x33b: {  	v24 =	vadd.f32 v26, v24;
	v26 =	vld [tilespmem:s20+$0x80]  }
0x33c: {  	[tilespmem:s18+$0x40] =	vst v23;
	v23 =	vadd.f32 v27, v25;
	v25 =	vld [tilespmem:s21+$0x80]  }
0x33d: {  	v49 =	vld [tilespmem:s20+$0x30]  }
0x33e: {  	v50 =	vld [tilespmem:s20+$0xFFFFFF40]  }
0x33f: {  	v51 =	vld [tilespmem:s18+$0xF0]  }
0x340: {  	[tilespmem:s18+$0xD0] =	vst v23;
	v23 =	vld [tilespmem:s20+$0xFFFFFF80]  }
0x341: {  	v41 =	vld [tilespmem:s20+$0xFFFFFFB0];
	v26 =	vmul.f32 v26, v0;
	v25 =	vmul.f32 v25, v8  }
0x342: {  	v54 =	vld [tilespmem:s20+$0xFFFFFFC0]  }
0x343: {  	v59 =	vld [tilespmem:s20+$0xD0];
	v25 =	vadd.f32 v25, v26  }
0x344: {  	v26 =	vld [tilespmem:s21+$0x0]  }
0x345: {  	v60 =	vld [tilespmem:s20+$0xFFFFFFE0];
	v23 =	vmul.f32 v23, v0;
	[tilespmem:s20+$0x80] =	vst v25;
	v25 =	vmul.f32 v30, v8  }
0x346: {  	v30 =	vld [tilespmem:s20+$0x90]  }
0x347: {  	v34 =	vld [tilespmem:s21+$0x90];
	v25 =	vadd.f32 v25, v23  }
0x348: {  	v20 =	vld [tilespmem:s18+$0xFFFFFF50]  }
0x349: {  	v32 =	vmul.f32 v32, v0;
	v21 =	vld [tilespmem:s18+$0xFFFFFFD0];
	[tilespmem:s20+$0xFFFFFF80] =	vst v25;
	v25 =	vmul.f32 v26, v8  }
0x34a: {  	v33 =	vmul.f32 v33, v0;
	[tilespmem:s18+$0xFFFFFFB0] =	vst v22;
	v22 =	vld [tilespmem:s18+$0x50];
	v26 =	vmul.f32 v31, v8  }
0x34b: {  	v31 =	vld [tilespmem:s20+$0xFFFFFF90];
	v25 =	vadd.f32 v25, v32  }
0x34c: {  	v37 =	vld [tilespmem:s21+$0xFFFFFF90];
	v30 =	vmul.f32 v30, v1;
	v61 =	vmul.f32 v34, v9;
	v26 =	vadd.f32 v26, v33  }
0x34d: {  	v28 =	vld [tilespmem:s12+$0xFFFFFFC0];
	[tilespmem:s20+$0x0] =	vst v25  }
0x34e: {  	v25 =	vadd.f32 v61, v30;
	[tilespmem:s20+$0xFFFFFF00] =	vst v26;
	v26 =	vld [tilespmem:s21+$0x10]  }
0x34f: {  	v30 =	vld [tilespmem:s21+$0xFFFFFF10]  }
0x350: {  	[tilespmem:s20+$0x90] =	vst v25;
	v25 =	vld [tilespmem:s20+$0xA0]  }
0x351: {  	v31 =	vmul.f32 v31, v1;
	v44 =	vmul.f32 v37, v9;
	v45 =	vld [tilespmem:s21+$0xA0]  }
0x352: {  	v18 =	vmul.f32 v28, v12;
	v35 =	vld [tilespmem:s12+$0xE0]  }
0x353: {  	v46 =	vmul.f32 v62, v1;
	v16 =	vld [tilespmem:s18+$0xFFFFFF60];
	v31 =	vadd.f32 v44, v31;
	v26 =	vmul.f32 v26, v9  }
0x354: {  	v36 =	vmul.f32 v36, v1;
	v28 =	vadd.f32 v18, v17;
	v18 =	vld [tilespmem:s18+$0xFFFFFFE0];
	v30 =	vmul.f32 v30, v9  }
0x355: {  	v17 =	vld [tilespmem:s18+$0x60];
	[tilespmem:s20+$0xFFFFFF90] =	vst v31;
	v26 =	vadd.f32 v26, v46  }
0x356: {  	[tilespmem:s18+$0xFFFFFFC0] =	vst v28;
	v31 =	vld [tilespmem:s21+$0xFFFFFFA0];
	v25 =	vmul.f32 v25, v2;
	v48 =	vmul.f32 v45, v10;
	v30 =	vadd.f32 v30, v36  }
0x357: {  	v29 =	vmul.f32 v29, v6;
	v28 =	vld [tilespmem:s12+$0xFFFFFFD0];
	v35 =	vmul.f32 v35, v14;
	[tilespmem:s20+$0x10] =	vst v26  }
0x358: {  	v25 =	vadd.f32 v48, v25;
	[tilespmem:s20+$0xFFFFFF10] =	vst v30;
	v26 =	vld [tilespmem:s21+$0x20]  }
0x359: {  	v29 =	vadd.f32 v35, v29;
	v30 =	vld [tilespmem:s21+$0xFFFFFF20]  }
0x35a: {  	[tilespmem:s20+$0xA0] =	vst v25;
	v25 =	vld [tilespmem:s20+$0xB0]  }
0x35b: {  	v52 =	vmul.f32 v39, v2;
	[tilespmem:s18+$0xE0] =	vst v29;
	v31 =	vmul.f32 v31, v10;
	v29 =	vld [tilespmem:s21+$0xB0]  }
0x35c: {  	v19 =	vld [tilespmem:s18+$0xFFFFFF70]  }
0x35d: {  	[tilespmem:s18+$0xFFFFFF40] =	vst v24;
	v24 =	vld [tilespmem:s12+$0x50];
	v31 =	vadd.f32 v31, v52  }
0x35e: {  	v27 =	vld [tilespmem:s12+$0xFFFFFF50];
	v34 =	vmul.f32 v47, v2;
	v26 =	vmul.f32 v26, v10  }
0x35f: {  	v23 =	vld [tilespmem:s18+$0xFFFFFFF0];
	v33 =	vmul.f32 v63, v2;
	v30 =	vmul.f32 v30, v10;
	[tilespmem:s20+$0xFFFFFFA0] =	vst v31  }
0x360: {  	v25 =	vmul.f32 v25, v3;
	v55 =	vld [tilespmem:s21+$0xFFFFFFB0];
	v26 =	vadd.f32 v26, v34;
	v29 =	vmul.f32 v29, v11  }
0x361: {  	v53 =	vld [tilespmem:s12+$0xF0];
	v30 =	vadd.f32 v30, v33  }
0x362: {  	v63 =	vld [tilespmem:s20+$0xFFFFFF70];
	[tilespmem:s20+$0x20] =	vst v26;
	v25 =	vadd.f32 v29, v25  }
0x363: {  	v20 =	vmul.f32 v20, v5;
	v27 =	vmul.f32 v27, v13;
	[tilespmem:s20+$0xFFFFFF20] =	vst v30;
	v29 =	vld [tilespmem:s21+$0x30]  }
0x364: {  	v21 =	vmul.f32 v21, v5;
	v30 =	vld [tilespmem:s21+$0xFFFFFF30];
	[tilespmem:s20+$0xB0] =	vst v25;
	v25 =	vmul.f32 v28, v13  }
0x365: {  	v20 =	vadd.f32 v27, v20;
	v27 =	vmul.f32 v41, v3;
	v28 =	vld [tilespmem:s20+$0xC0];
	v33 =	vmul.f32 v55, v11  }
0x366: {  	v22 =	vmul.f32 v22, v5;
	v24 =	vmul.f32 v24, v13;
	v56 =	vld [tilespmem:s21+$0xC0];
	v21 =	vadd.f32 v25, v21  }
0x367: {  	[tilespmem:s18+$0xFFFFFF50] =	vst v20;
	v31 =	vld [tilespmem:s20+$0x40];
	v20 =	vadd.f32 v33, v27  }
0x368: {  	v26 =	vld [tilespmem:s20+$0xFFFFFF50];
	[tilespmem:s18+$0xFFFFFFD0] =	vst v21;
	v21 =	vadd.f32 v24, v22;
	v22 =	vmul.f32 v49, v3;
	v29 =	vmul.f32 v29, v11  }
0x369: {  	v24 =	vld [tilespmem:s12+$0xFFFFFF60];
	[tilespmem:s20+$0xFFFFFFB0] =	vst v20  }
0x36a: {  	v57 =	vmul.f32 v40, v3;
	v30 =	vmul.f32 v30, v11;
	[tilespmem:s18+$0x50] =	vst v21;
	v21 =	vadd.f32 v29, v22;
	v22 =	vld [tilespmem:s21+$0xFFFFFFC0]  }
0x36b: {  	v20 =	vld [tilespmem:s12+$0xFFFFFFE0];
	v28 =	vmul.f32 v28, v4;
	v29 =	vmul.f32 v56, v12  }
0x36c: {  	v30 =	vadd.f32 v30, v57;
	v58 =	vld [tilespmem:s12+$0x60]  }
0x36d: {  	v25 =	vld [tilespmem:s20+$0xFFFFFFD0];
	[tilespmem:s20+$0x30] =	vst v21;
	v28 =	vadd.f32 v29, v28  }
0x36e: {  	v16 =	vmul.f32 v16, v6;
	[tilespmem:s20+$0xFFFFFF30] =	vst v30;
	v29 =	vld [tilespmem:s21+$0x40];
	v24 =	vmul.f32 v24, v14  }
0x36f: {  	v30 =	vld [tilespmem:s21+$0xFFFFFF40];
	[tilespmem:s20+$0xC0] =	vst v28;
	v28 =	vmul.f32 v54, v4;
	v22 =	vmul.f32 v22, v12  }
0x370: {  	v18 =	vmul.f32 v18, v6;
	v27 =	vld [tilespmem:s20+$0x50];
	v20 =	vmul.f32 v20, v14;
	v16 =	vadd.f32 v24, v16  }
0x371: {  	v17 =	vmul.f32 v17, v6;
	v24 =	vld [tilespmem:s21+$0xD0];
	v22 =	vadd.f32 v22, v28;
	v28 =	vmul.f32 v58, v14  }
0x372: {  	v61 =	vmul.f32 v23, v7;
	v21 =	vld [tilespmem:s20+$0xFFFFFF60];
	v18 =	vadd.f32 v20, v18;
	[tilespmem:s18+$0xFFFFFF60] =	vst v16  }
0x373: {  	v20 =	vmul.f32 v31, v4;
	v23 =	vld [tilespmem:s12+$0xFFFFFF70];
	v17 =	vadd.f32 v28, v17;
	[tilespmem:s20+$0xFFFFFFC0] =	vst v22;
	v22 =	vmul.f32 v29, v12  }
0x374: {  	[tilespmem:s18+$0xFFFFFFE0] =	vst v18;
	v18 =	vmul.f32 v30, v12;
	v28 =	vmul.f32 v50, v4;
	v29 =	vld [tilespmem:s21+$0xFFFFFFD0]  }
0x375: {  	v19 =	vmul.f32 v19, v7;
	v32 =	vmul.f32 v51, v7;
	[tilespmem:s18+$0x60] =	vst v17;
	v17 =	vadd.f32 v22, v20;
	v20 =	vld [tilespmem:s12+$0xFFFFFFF0]  }
0x376: {  	v30 =	vmul.f32 v59, v5;
	v24 =	vmul.f32 v24, v13;
	v18 =	vadd.f32 v18, v28;
	v62 =	vld [tilespmem:s12+$0x70]  }
0x377: {  	v16 =	vld [tilespmem:s20+$0x60];
	v28 =	vmul.f32 v53, v15;
	v22 =	vmul.f32 v26, v5;
	[tilespmem:s20+$0x40] =	vst v17  }
0x378: {  	v17 =	vadd.f32 v24, v30;
	v24 =	vmul.f32 v25, v5;
	[tilespmem:s20+$0xFFFFFF40] =	vst v18;
	v30 =	vmul.f32 v23, v15;
	v25 =	vld [tilespmem:s21+$0x50]  }
0x379: {  	v32 =	vadd.f32 v28, v32;
	v23 =	vmul.f32 v27, v5;
	v28 =	vld [tilespmem:s21+$0xFFFFFF50];
	v27 =	vmul.f32 v29, v13  }
0x37a: {  	v26 =	vld [tilespmem:s20+$0xE0];
	v18 =	vmul.f32 v21, v6;
	[tilespmem:s20+$0xD0] =	vst v17;
	v21 =	vadd.f32 v30, v19;
	v20 =	vmul.f32 v20, v15  }
0x37b: {  	v31 =	vmul.f32 v38, v7;
	[tilespmem:s18+$0xF0] =	vst v32;
	v29 =	vadd.f32 v27, v24;
	v27 =	vld [tilespmem:s21+$0xE0];
	v30 =	vmul.f32 v62, v15  }
0x37c: {  	v17 =	vmul.f32 v60, v6;
	v19 =	vmul.f32 v16, v6;
	v24 =	vld [tilespmem:s20+$0xFFFFFFF0];
	[tilespmem:s18+$0xFFFFFF70] =	vst v21;
	v21 =	vadd.f32 v20, v61  }
0x37d: {  	s8 =	simm.s32 $0x4;
	s10 =	simm.s32 $0x17500;
	s12 =	simm.s32 $0x19B00;
	v16 =	vmul.f32 v63, v7;
	[tilespmem:s20+$0xFFFFFFD0] =	vst v29;
	v29 =	vmul.f32 v25, v13;
	v25 =	vld [tilespmem:s20+$0x70];
	v20 =	vadd.f32 v30, v31  }
.LBB2_14:
0x37e: {  	v30 =	vld [tilespmem:s10+$0x80];
	v28 =	vmul.f32 v28, v13;
	s21 =	sadd.s32 $0x200, s21;
	[tilespmem:s18+$0xFFFFFFF0] =	vst v21  }
0x37f: {  	s8 =	sadd.s32 $0x4, s8;
	v31 =	vld [tilespmem:s21+$0x80];
	v23 =	vadd.f32 v29, v23;
	[tilespmem:s18+$0x70] =	vst v20;
	s18 =	smov.u32 s20;
	s20 =	smov.u32 s10  }
0x380: {  	p0 =	slt.u32 s8, $0x4C;
	v29 =	vld [tilespmem:s21+$0xFFFFFF00];
	v20 =	vadd.f32 v28, v22;
	v22 =	vmul.f32 v26, v6;
	v26 =	vmul.f32 v27, v14  }
0x381: {  	v27 =	vld [tilespmem:s10+$0xFFFFFF80];
	v21 =	vmul.f32 v24, v7;
	[tilespmem:s18+$0x50] =	vst v23  }
0x382: {  	v23 =	vld [tilespmem:s21+$0xFFFFFF80];
	[tilespmem:s18+$0xFFFFFF50] =	vst v20;
	v20 =	vmul.f32 v25, v7;
	v22 =	vadd.f32 v26, v22  }
0x383: {  	v24 =	vld [tilespmem:s10+$0x0]  }
0x384: {  	v25 =	vmul.f32 v30, v0;
	v26 =	vmul.f32 v31, v8;
	[tilespmem:s18+$0xE0] =	vst v22;
	v22 =	vld [tilespmem:s18+$0xF0]  }
0x385: {  	v28 =	vmul.f32 v29, v8;
	v29 =	vld [tilespmem:s12+$0xF0]  }
0x386: {  	v27 =	vmul.f32 v27, v0;
	v30 =	vld [tilespmem:s21+$0x0];
	v25 =	vadd.f32 v26, v25  }
0x387: {  	v26 =	vld [tilespmem:s10+$0xFFFFFF00];
	v23 =	vmul.f32 v23, v8  }
0x388: {  	v24 =	vmul.f32 v24, v0;
	[tilespmem:s10+$0x80] =	vst v25;
	v25 =	vld [tilespmem:s10+$0x90]  }
0x389: {  	v23 =	vadd.f32 v23, v27;
	v27 =	vld [tilespmem:s21+$0x90]  }
0x38a: {  	v22 =	vmul.f32 v22, v7;
	v31 =	vld [tilespmem:s10+$0xFFFFFF10];
	v29 =	vmul.f32 v29, v15  }
0x38b: {  	[tilespmem:s10+$0xFFFFFF80] =	vst v23;
	v23 =	vld [tilespmem:s10+$0xFFFFFF90];
	v30 =	vmul.f32 v30, v8  }
0x38c: {  	v26 =	vmul.f32 v26, v0;
	v32 =	vld [tilespmem:s21+$0xFFFFFF90];
	v22 =	vadd.f32 v29, v22  }
0x38d: {  	v24 =	vadd.f32 v30, v24;
	v29 =	vld [tilespmem:s10+$0x10]  }
0x38e: {  	v25 =	vmul.f32 v25, v1;
	v26 =	vadd.f32 v28, v26;
	v28 =	vld [tilespmem:s10+$0xFFFFFF20];
	v27 =	vmul.f32 v27, v9;
	[tilespmem:s18+$0xF0] =	vst v22  }
0x38f: {  	v22 =	vmul.f32 v31, v1;
	v30 =	vld [tilespmem:s10+$0xFFFFFFA0];
	[tilespmem:s10+$0x0] =	vst v24  }
0x390: {  	[tilespmem:s10+$0xFFFFFF00] =	vst v26;
	v23 =	vmul.f32 v23, v1;
	v24 =	vld [tilespmem:s21+$0x10];
	v25 =	vadd.f32 v27, v25  }
0x391: {  	v26 =	vld [tilespmem:s21+$0xFFFFFF10];
	v27 =	vmul.f32 v32, v9  }
0x392: {  	v29 =	vmul.f32 v29, v1;
	[tilespmem:s10+$0x90] =	vst v25;
	v25 =	vld [tilespmem:s10+$0xA0]  }
0x393: {  	v28 =	vmul.f32 v28, v2;
	v23 =	vadd.f32 v27, v23;
	v27 =	vld [tilespmem:s21+$0xA0]  }
0x394: {  	v30 =	vmul.f32 v30, v2;
	v31 =	vld [tilespmem:s10+$0x20]  }
0x395: {  	v32 =	vld [tilespmem:s10+$0xFFFFFF30];
	[tilespmem:s10+$0xFFFFFF90] =	vst v23;
	v23 =	vmul.f32 v24, v9  }
0x396: {  	v24 =	vmul.f32 v26, v9;
	v26 =	vld [tilespmem:s21+$0xFFFFFFA0]  }
0x397: {  	v33 =	vld [tilespmem:s10+$0xFFFFFFB0];
	v23 =	vadd.f32 v23, v29  }
0x398: {  	v25 =	vmul.f32 v25, v2;
	v22 =	vadd.f32 v24, v22;
	v24 =	vld [tilespmem:s10+$0x30];
	v27 =	vmul.f32 v27, v10  }
0x399: {  	v29 =	vld [tilespmem:s10+$0xFFFFFF40];
	[tilespmem:s10+$0x10] =	vst v23;
	v23 =	vmul.f32 v31, v2  }
0x39a: {  	[tilespmem:s10+$0xFFFFFF10] =	vst v22;
	v31 =	vmul.f32 v32, v3;
	v22 =	vld [tilespmem:s21+$0x20];
	v25 =	vadd.f32 v27, v25  }
0x39b: {  	v27 =	vld [tilespmem:s21+$0xFFFFFF20];
	v26 =	vmul.f32 v26, v10  }
0x39c: {  	v32 =	vmul.f32 v33, v3;
	[tilespmem:s10+$0xA0] =	vst v25;
	v25 =	vld [tilespmem:s10+$0xB0]  }
0x39d: {  	v26 =	vadd.f32 v26, v30;
	v24 =	vmul.f32 v24, v3;
	v30 =	vld [tilespmem:s21+$0xB0]  }
0x39e: {  	v29 =	vmul.f32 v29, v4;
	v33 =	vld [tilespmem:s10+$0xFFFFFFC0]  }
0x39f: {  	[tilespmem:s10+$0xFFFFFFA0] =	vst v26;
	v22 =	vmul.f32 v22, v10;
	v26 =	vld [tilespmem:s10+$0x40]  }
0x3a0: {  	v27 =	vmul.f32 v27, v10;
	v34 =	vld [tilespmem:s21+$0xFFFFFFB0]  }
0x3a1: {  	v35 =	vld [tilespmem:s10+$0xFFFFFF50];
	v22 =	vadd.f32 v22, v23  }
0x3a2: {  	v25 =	vmul.f32 v25, v3;
	v23 =	vadd.f32 v27, v28;
	v27 =	vld [tilespmem:s10+$0xFFFFFFD0];
	v28 =	vmul.f32 v30, v11  }
0x3a3: {  	v30 =	vmul.f32 v33, v4;
	[tilespmem:s10+$0x20] =	vst v22;
	v33 =	vld [tilespmem:s10+$0x50]  }
0x3a4: {  	[tilespmem:s10+$0xFFFFFF20] =	vst v23;
	v36 =	vld [tilespmem:s21+$0x30];
	v26 =	vmul.f32 v26, v4;
	v23 =	vadd.f32 v28, v25  }
0x3a5: {  	v25 =	vld [tilespmem:s21+$0xFFFFFF30];
	v28 =	vmul.f32 v34, v11  }
0x3a6: {  	v22 =	vmul.f32 v35, v5;
	[tilespmem:s10+$0xB0] =	vst v23;
	v34 =	vld [tilespmem:s10+$0xC0]  }
0x3a7: {  	v28 =	vadd.f32 v28, v32;
	v27 =	vmul.f32 v27, v5;
	v32 =	vld [tilespmem:s21+$0xC0]  }
0x3a8: {  	v23 =	vmul.f32 v33, v5;
	v33 =	vld [tilespmem:s12+$0xFFFFFF60]  }
0x3a9: {  	[tilespmem:s10+$0xFFFFFFB0] =	vst v28;
	v28 =	vmul.f32 v36, v11;
	v35 =	vld [tilespmem:s12+$0xFFFFFFE0]  }
0x3aa: {  	v25 =	vmul.f32 v25, v11;
	v36 =	vld [tilespmem:s21+$0xFFFFFFC0]  }
0x3ab: {  	v24 =	vadd.f32 v28, v24;
	v28 =	vld [tilespmem:s12+$0x60]  }
0x3ac: {  	v34 =	vmul.f32 v34, v4;
	v25 =	vadd.f32 v25, v31;
	v31 =	vld [tilespmem:s10+$0xFFFFFF60];
	v32 =	vmul.f32 v32, v12  }
0x3ad: {  	v37 =	vld [tilespmem:s10+$0xFFFFFFE0];
	[tilespmem:s10+$0x30] =	vst v24;
	v24 =	vmul.f32 v33, v14  }
0x3ae: {  	[tilespmem:s10+$0xFFFFFF30] =	vst v25;
	v25 =	vld [tilespmem:s21+$0x40];
	v32 =	vadd.f32 v32, v34;
	v33 =	vmul.f32 v35, v14  }
0x3af: {  	v34 =	vld [tilespmem:s21+$0xFFFFFF40];
	v35 =	vmul.f32 v36, v12;
	v24 =	vadd.f32 v24, v18  }
0x3b0: {  	[tilespmem:s10+$0xC0] =	vst v32;
	v32 =	vld [tilespmem:s10+$0xD0];
	v33 =	vadd.f32 v33, v17;
	v28 =	vmul.f32 v28, v14  }
0x3b1: {  	v18 =	vmul.f32 v31, v6;
	v30 =	vadd.f32 v35, v30;
	v31 =	vld [tilespmem:s21+$0xD0];
	[tilespmem:s18+$0xFFFFFF60] =	vst v24  }
0x3b2: {  	v17 =	vmul.f32 v37, v6;
	v24 =	vld [tilespmem:s10+$0x60];
	[tilespmem:s18+$0xFFFFFFE0] =	vst v33;
	v19 =	vadd.f32 v28, v19  }
0x3b3: {  	[tilespmem:s10+$0xFFFFFFC0] =	vst v30;
	v25 =	vmul.f32 v25, v12;
	v28 =	vld [tilespmem:s12+$0xFFFFFF70]  }
0x3b4: {  	v30 =	vmul.f32 v34, v12;
	v33 =	vld [tilespmem:s21+$0xFFFFFFD0];
	[tilespmem:s18+$0x60] =	vst v19  }
0x3b5: {  	v19 =	vadd.f32 v25, v26;
	v25 =	vld [tilespmem:s12+$0xFFFFFFF0]  }
0x3b6: {  	v26 =	vadd.f32 v30, v29;
	v29 =	vmul.f32 v32, v5;
	v30 =	vmul.f32 v31, v13;
	v31 =	vld [tilespmem:s12+$0x70];
	s12 =	smov.u32 s21  }
0x3b7: {  	v32 =	vld [tilespmem:s10+$0xFFFFFF70];
	[tilespmem:s10+$0x40] =	vst v19;
	v19 =	vmul.f32 v24, v6  }
0x3b8: {  	[tilespmem:s10+$0xFFFFFF40] =	vst v26;
	v34 =	vld [tilespmem:s21+$0x50];
	v24 =	vadd.f32 v30, v29;
	v29 =	vmul.f32 v28, v15  }
.Ltmp10:
0x3b9: {  	v28 =	vld [tilespmem:s21+$0xFFFFFF50];
	v30 =	vmul.f32 v33, v13;
	(pc) =	sbr.rel @p0 .LBB2_14-.Ltmp10, $4  }
0x3ba: {  	[tilespmem:s10+$0xD0] =	vst v24;
	v26 =	vld [tilespmem:s10+$0xE0];
	v29 =	vadd.f32 v29, v16;
	v25 =	vmul.f32 v25, v15  }
0x3bb: {  	v30 =	vadd.f32 v30, v27;
	v27 =	vld [tilespmem:s21+$0xE0];
	v31 =	vmul.f32 v31, v15  }
0x3bc: {  	v16 =	vmul.f32 v32, v7;
	v24 =	vld [tilespmem:s10+$0xFFFFFFF0];
	[tilespmem:s18+$0xFFFFFF70] =	vst v29;
	v21 =	vadd.f32 v25, v21  }
0x3bd: {  	s10 =	sadd.s32 $0x200, s10;
	[tilespmem:s20+$0xFFFFFFD0] =	vst v30;
	v29 =	vmul.f32 v34, v13;
	v25 =	vld [tilespmem:s20+$0x70];
	v20 =	vadd.f32 v31, v20  }
0x3be: {  	v28 =	vmul.f32 v28, v13;
	_ =	sdelay $0x1  }
0x3bf: {  	v22 =	vadd.f32 v28, v22;
	_ =	sdelay $0x1  }
0x3c0: {  	v23 =	vadd.f32 v29, v23;
	[tilespmem:s20+$0xFFFFFF50] =	vst v22  }
0x3c1: {  	v22 =	vld [tilespmem:s12+$0xFFFFFF60]  }
0x3c2: {  	v53 =	vld [tilespmem:s12+$0xFFFFFFE0];
	[tilespmem:s20+$0x50] =	vst v23  }
0x3c3: {  	v54 =	vld [tilespmem:s12+$0x60];
	_ =	sdelay $0x1  }
0x3c4: {  	v26 =	vmul.f32 v26, v6;
	v27 =	vmul.f32 v27, v14  }
0x3c5: {  	v22 =	vmul.f32 v22, v14  }
0x3c6: {  	v26 =	vadd.f32 v27, v26;
	v23 =	vmul.f32 v53, v14  }
0x3c7: {  	v55 =	vmul.f32 v54, v14;
	v18 =	vadd.f32 v22, v18  }
0x3c8: {  	v56 =	vld [tilespmem:s20+$0xF0];
	[tilespmem:s20+$0xE0] =	vst v26;
	v17 =	vadd.f32 v23, v17  }
0x3c9: {  	v57 =	vld [tilespmem:s12+$0xF0];
	v58 =	vadd.f32 v55, v19;
	[tilespmem:s20+$0xFFFFFF60] =	vst v18  }
0x3ca: {  	[tilespmem:s20+$0xFFFFFFE0] =	vst v17;
	v17 =	vld [tilespmem:s12+$0xFFFFFF70]  }
0x3cb: {  	v59 =	vld [tilespmem:s12+$0xFFFFFFF0];
	[tilespmem:s20+$0x60] =	vst v58  }
0x3cc: {  	v60 =	vld [tilespmem:s12+$0x70];
	_ =	sdelay $0x1  }
0x3cd: {  	v61 =	vmul.f32 v56, v7;
	v23 =	vmul.f32 v57, v15  }
0x3ce: {  	v17 =	vmul.f32 v17, v15  }
0x3cf: {  	[tilespmem:s18+$0xFFFFFFF0] =	vst v21;
	v62 =	vmul.f32 v24, v7;
	v22 =	vadd.f32 v23, v61;
	v18 =	vmul.f32 v59, v15  }
0x3d0: {  	s8 =	smul.u32 $0x50, s17;
	[tilespmem:s18+$0x70] =	vst v20;
	v63 =	vmul.f32 v25, v7;
	v16 =	vadd.f32 v17, v16;
	v17 =	vmul.f32 v60, v15  }
.Ltmp11:
0x3d1: {  	[tilespmem:s20+$0xF0] =	vst v22;
	v18 =	vadd.f32 v18, v62;
	(pc) =	sbr.rel .LBB2_16-.Ltmp11, $4  }
0x3d2: {  	s8 =	sadd.s32 s9, s8;
	[tilespmem:s20+$0xFFFFFF70] =	vst v16;
	v16 =	vadd.f32 v17, v63  }
0x3d3: {  	s8 =	sshll.u32 s8, $0x4;
	[tilespmem:s20+$0xFFFFFFF0] =	vst v18  }
0x3d4: {  	s8 =	sadd.s32 s5, s8;
	[tilespmem:s20+$0x70] =	vst v16  }
0x3d5: {  	[hbm4b:s8+s6] =	stream.linear.scatter [tilespmem:s31], [sflag:$0x8], $0x2800, $0x38;
	[tilespmem:$0x1C100] =	vst v63  }
.LBB2_18:
0x3d6: {  	_ =	sfence.sel $0x180000  }
0x3d7: {  	[bflag:$0x0] =	sbarrier.arrive $0xFFFF  }
0x3d8: {  	_ =	strace $0x90000047  }
0x3d9: {  	s0 =	stileid.u32;
	[bflag:$0x2] =	sbarrier.arrive $0xFFFF  }
0x3da: {  	p0 =	sne.s32 s0, $0x0;
	s0 =	rddreg [dreg:$0x5]  }
0x3db: {  	s0 =	sadd.s32 @!p0 $0x100000, s0  }
0x3dc: {  	[sflag:s0] =	ssyncadd.tile.s32 @!p0 $0x1;
	_ =	shalt  }
.Lfunc_end2:
_tile_overlayer_lowered:
.L_overlay_start_2:
0x3dd: {  	(tag) =	ssettag $0x2  }
0x3de: {  	s0 =	rddreg [dreg:$0x0];
	s2 =	stileid.u32  }
0x3df: {  	s1 =	rddreg [dreg:$0x1];
	p0 =	sne.s32 s2, $0x0  }
0x3e0: {  	s3 =	rddreg [dreg:$0x2];
	[bflag:$0x3] =	sbarrier.arrive $0xFFFF;
	s2 =	simm.s32 @!p0 $0x1C09  }
0x3e1: {  	[timem:s3], [sflag:s2] =	dma.local @!p0 [hbm:s0], s1  }
0x3e2: {  	s0 =	simm.s32 @!p0 $0x9  }
0x3e3: {  	_ =	swait.ge @!p0 [sflag:s0], s1  }
0x3e4: {  	s1 =	ssub.s32 @!p0 $0x0, s1;
	[sflag:s0] =	ssyncset.done @!p0 $0x0  }
0x3e5: {  	[sflag:s0] =	ssyncadd.s32 @!p0 s1  }
0x3e6: {  	[bflag:$0x3] =	sbarrier.arrive $0xFFFF  }
0x3e7: {  	_ =	shalt  }

</sc_bundles>
